<compile_context>
chip_gen: v7x
topology: tpu7x:2x2x1
jax: 0.10.2.dev20260603
libtpu: 0.0.44.dev20260713+nightly
codegen_flags: <defaults>
</compile_context>

<pallas_src>
import functools

import jax
import jax.numpy as jnp
from jax import lax
from jax.experimental import pallas as pl
from jax.experimental.pallas import tpu as pltpu
from jax.experimental.pallas import tpu_sc as plsc

_N = 10000
_E = 320000
_D = 128
_DH = _D // 2
_NP = 10240
_NC = 2
_NS = 16
_NW = _NC * _NS
_EPT = _E // _NW
_K = 80
_NCHUNK = _EPT // _K
_STRIPE = _NP // _NS
_NBUF = 5
_NQ = _NCHUNK // _NBUF

_mesh = plsc.VectorSubcoreMesh(core_axis_name="c", subcore_axis_name="s")



@functools.partial(
    pl.kernel,
    out_type=jax.ShapeDtypeStruct((_NC, _NP), jnp.float32),
    mesh=_mesh,
    compiler_params=pltpu.CompilerParams(use_tc_tiling_on_sc=False),
    scratch_types=[
        pltpu.VMEM((_NCHUNK, _K), jnp.int32),
        pltpu.VMEM((_K,), jnp.float32),
        pltpu.VMEM_SHARED((_NP,), jnp.float32),
    ],
)
def _deg_sc(dst_hbm, ones_hbm, z_hbm, out_hbm, didx, ones_v, acc):
    cid = lax.axis_index("c")
    sid = lax.axis_index("s")
    wid = sid * _NC + cid
    r0 = sid * _STRIPE
    pltpu.sync_copy(z_hbm, acc.at[pl.ds(r0, _STRIPE)])
    pltpu.sync_copy(ones_hbm, ones_v)
    pltpu.sync_copy(dst_hbm.at[wid], didx)
    plsc.subcore_barrier()

    def body(j, carry):
        pltpu.sync_copy(ones_v, acc.at[didx.at[j]], add=True)
        return carry

    lax.fori_loop(0, _NCHUNK, body, 0)
    plsc.subcore_barrier()
    pltpu.sync_copy(acc.at[pl.ds(r0, _STRIPE)],
                    out_hbm.at[cid].at[pl.ds(r0, _STRIPE)])


@functools.partial(
    pl.kernel,
    out_type=jax.ShapeDtypeStruct((_NC, _NP, _D), jnp.float32),
    mesh=_mesh,
    compiler_params=pltpu.CompilerParams(use_tc_tiling_on_sc=False),
    scratch_types=[
        pltpu.VMEM((_NCHUNK, _K), jnp.int32),
        pltpu.VMEM((_NCHUNK, _K), jnp.int32),
        pltpu.VMEM((_NCHUNK, _K), jnp.int32),
        pltpu.VMEM((_NCHUNK, _K), jnp.int32),
        [pltpu.VMEM((_K, _DH), jnp.float32)] * _NBUF,
        pltpu.VMEM_SHARED((_NP, _DH), jnp.float32),
        [pltpu.SemaphoreType.DMA] * _NBUF,
    ],
)
def _agg_sc(g2_hbm, src_hbm, dst_hbm, z_hbm, out_hbm,
            srcv, slo, shi, didx, bufs, acc, gsems):
    cid = lax.axis_index("c")
    sid = lax.axis_index("s")
    wid = sid * _NC + cid
    r0 = sid * _STRIPE
    pltpu.sync_copy(src_hbm.at[wid], srcv)
    pltpu.sync_copy(dst_hbm.at[wid], didx)

    def idx_body(r, carry):
        for c in range(_K // 16):
            s2 = srcv[r, pl.ds(c * 16, 16)] * 2
            slo[r, pl.ds(c * 16, 16)] = s2
            shi[r, pl.ds(c * 16, 16)] = s2 + 1
        return carry

    lax.fori_loop(0, _NCHUNK, idx_body, 0)

    for h, sidx in ((0, slo), (1, shi)):
        for b in range(_NBUF):
            pltpu.async_copy(g2_hbm.at[sidx.at[b]], bufs[b], gsems[b])
        pltpu.sync_copy(z_hbm, acc.at[pl.ds(r0, _STRIPE)])
        plsc.subcore_barrier()

        def body(p, carry):
            for b in range(_NBUF):
                j = _NBUF * p + b
                pltpu.make_async_copy(g2_hbm.at[sidx.at[j]], bufs[b],
                                      gsems[b]).wait()
                pltpu.sync_copy(bufs[b], acc.at[didx.at[j]], add=True)

                @pl.when(j + _NBUF < _NCHUNK)
                def _():
                    pltpu.async_copy(g2_hbm.at[sidx.at[j + _NBUF]], bufs[b],
                                     gsems[b])

            return carry

        lax.fori_loop(0, _NQ, body, 0)
        plsc.subcore_barrier()
        pltpu.sync_copy(
            acc.at[pl.ds(r0, _STRIPE)],
            out_hbm.at[cid].at[pl.ds(r0, _STRIPE)].at[:, pl.ds(h * _DH, _DH)])
        if h == 0:
            plsc.subcore_barrier()



_RB = 1000


def _mm_plain_body(x_ref, w_ref, h_ref):
    h_ref[...] = jnp.dot(x_ref[...], w_ref[...],
                         preferred_element_type=jnp.float32)


def _scale_body(h_ref, p0_ref, p1_ref, g_ref):
    dinv = lax.rsqrt(p0_ref[...] + p1_ref[...] + 1.0)
    g_ref[...] = h_ref[...] * dinv


def _mm2_body(pa0_ref, pa1_ref, g_ref, p0_ref, p1_ref, b_ref, w_ref, o_ref):
    dinv = lax.rsqrt(p0_ref[...] + p1_ref[...] + 1.0)
    agg = pa0_ref[...] + pa1_ref[...] + g_ref[...]
    x2 = jnp.maximum(dinv * agg + b_ref[...], 0.0)
    o_ref[...] = jnp.dot(x2, w_ref[...], preferred_element_type=jnp.float32) * dinv


def _out_body(pb0_ref, pb1_ref, g_ref, p0_ref, p1_ref, b_ref, o_ref):
    dinv = lax.rsqrt(p0_ref[...] + p1_ref[...] + 1.0)
    agg = pb0_ref[...] + pb1_ref[...] + g_ref[...]
    o_ref[...] = dinv * agg + b_ref[...]


def _full_spec():
    return pl.BlockSpec((_RB, _D), lambda i: (i, 0))


def _col_spec():
    return pl.BlockSpec((_RB, 1), lambda i: (i, 0))


_full_out = jax.ShapeDtypeStruct((_N, _D), jnp.float32)


def _mm_plain(x, w):
    return pl.pallas_call(
        _mm_plain_body,
        grid=(_N // _RB,),
        in_specs=[
            _full_spec(),
            pl.BlockSpec((_D, _D), lambda i: (0, 0)),
        ],
        out_specs=_full_spec(),
        out_shape=_full_out,
    )(x, w)


def _scale(h, p0, p1):
    return pl.pallas_call(
        _scale_body,
        grid=(_N // _RB,),
        in_specs=[_full_spec(), _col_spec(), _col_spec()],
        out_specs=_full_spec(),
        out_shape=_full_out,
    )(h, p0, p1)


def _mm2(pa0, pa1, g, p0, p1, b, w):
    return pl.pallas_call(
        _mm2_body,
        grid=(_N // _RB,),
        in_specs=[
            _full_spec(), _full_spec(), _full_spec(),
            _col_spec(), _col_spec(),
            pl.BlockSpec((1, _D), lambda i: (0, 0)),
            pl.BlockSpec((_D, _D), lambda i: (0, 0)),
        ],
        out_specs=_full_spec(),
        out_shape=_full_out,
    )(pa0, pa1, g, p0, p1, b, w)


def _out_tc(pb0, pb1, g, p0, p1, b):
    return pl.pallas_call(
        _out_body,
        grid=(_N // _RB,),
        in_specs=[
            _full_spec(), _full_spec(), _full_spec(),
            _col_spec(), _col_spec(),
            pl.BlockSpec((1, _D), lambda i: (0, 0)),
        ],
        out_specs=_full_spec(),
        out_shape=_full_out,
    )(pb0, pb1, g, p0, p1, b)



def kernel(x, edge_index, W1, b1, W2, b2):
    ei = edge_index.astype(jnp.int32).reshape(2, _NW, _NCHUNK, _K)
    src = ei[0]
    dst = ei[1]
    z_rows = jnp.zeros((_STRIPE, _DH), jnp.float32)
    z_col = jnp.zeros((_STRIPE,), jnp.float32)
    ones_k = jnp.ones((_K,), jnp.float32)

    h1 = _mm_plain(x, W1)
    pdeg = _deg_sc(dst, ones_k, z_col)
    p0 = pdeg[0].reshape(_NP, 1)
    p1 = pdeg[1].reshape(_NP, 1)

    g1 = _scale(h1, p0, p1)
    pa = _agg_sc(g1.reshape(2 * _N, _DH), src, dst, z_rows)
    g2 = _mm2(pa[0], pa[1], g1, p0, p1, b1.reshape(1, _D), W2)
    pb = _agg_sc(g2.reshape(2 * _N, _DH), src, dst, z_rows)
    out = _out_tc(pb[0], pb[1], g2, p0, p1, b2.reshape(1, _D))
    return out

# --- scband reference (transcript-rebuilt; emitter-appended) ---
"""Pipeline reference for scband-gcnmodel-45389214384861 (READ-ONLY COPY).

The authoritative reference and input builder live on the scoring server;
editing this copy changes nothing except your own understanding.
"""

import jax, jax.numpy as jnp
import numpy as np

N = 10000
E = 320000
D_IN = 128
D_HID = 128
D_OUT = 128


def setup_inputs(seed: int = 0) -> dict:
    key = jax.random.key(seed)
    k1, k2, k3, k4, k5, k6 = jax.random.split(key, 6)
    x = jax.random.normal(k1, (N, D_IN), dtype=jnp.float32)
    edge_index = jax.random.randint(k2, (2, E), 0, N)
    W1 = jax.random.normal(k3, (D_IN, D_HID), dtype=jnp.float32) * 0.05
    b1 = jnp.zeros((D_HID,), dtype=jnp.float32)
    W2 = jax.random.normal(k4, (D_HID, D_OUT), dtype=jnp.float32) * 0.05
    b2 = jnp.zeros((D_OUT,), dtype=jnp.float32)
    return {"x": x, "edge_index": edge_index, "W1": W1, "b1": b1, "W2": W2, "b2": b2}


def gcn_conv(x, edge_index, W, b):
    # PyG-style GCNConv: x' = D^{-1/2} (A + I) D^{-1/2} X W + b
    loop = jnp.arange(N)
    src = jnp.concatenate([edge_index[0], loop])
    dst = jnp.concatenate([edge_index[1], loop])
    h = x @ W
    ones = jnp.ones((src.shape[0],), dtype=x.dtype)
    deg = jax.ops.segment_sum(ones, dst, num_segments=N)
    dinv = jnp.where(deg > 0, jax.lax.rsqrt(jnp.maximum(deg, 1e-12)), 0.0)
    norm = dinv[src] * dinv[dst]
    msg = h[src] * norm[:, None]
    out = jax.ops.segment_sum(msg, dst, num_segments=N)
    return out + b


def reference(x, edge_index, W1, b1, W2, b2):
    h = gcn_conv(x, edge_index, W1, b1)
    h = jax.nn.relu(h)
    out = gcn_conv(h, edge_index, W2, b2)
    return out

if __name__ == "__main__":
    import jax
    _d = setup_inputs()
    print(jax.jit(kernel)(*tuple(_d.values())))

</pallas_src>

<mosaic_0001>
#map = affine_map<(d0, d1) -> (0, 0, 0)>
#map1 = affine_map<(d0, d1) -> (0)>
#map2 = affine_map<(d0, d1) -> (0, 0)>
module attributes {stable_mosaic.version = 14 : i64} {
  func.func @_deg_sc(%arg0: i32, %arg1: i32, %arg2: memref<32x125x80xi32, #tpu.memory_space<hbm>>, %arg3: memref<80xf32, #tpu.memory_space<hbm>>, %arg4: memref<640xf32, #tpu.memory_space<hbm>>, %arg5: memref<2x10240xf32, #tpu.memory_space<hbm>>, %arg6: memref<125x80xi32, #tpu.memory_space<vmem>>, %arg7: memref<80xf32, #tpu.memory_space<vmem>>, %arg8: memref<10240xf32, #tpu.memory_space<vmem_shared>>) attributes {dimension_semantics = [#tpu.dimension_semantics<core_parallel>, #tpu.dimension_semantics<subcore_parallel>], iteration_bounds = array<i64: 2, 16>, scalar_prefetch = 0 : i64, scratch_operands = 3 : i64, tpu.core_type = #tpu.core_type<sc_vector_subcore>, window_params = [{transform_indices = #map}, {transform_indices = #map1}, {transform_indices = #map1}, {transform_indices = #map2}]} {
    %mul3A = arith.constant 2 : i32
    %mul3A_0 = arith.muli %arg1, %mul3A : i32
    %add3A = arith.addi %mul3A_0, %arg0 : i32
    %mul3A_1 = arith.constant 640 : i32
    %mul3A_2 = arith.muli %arg1, %mul3A_1 : i32
    "tpu.region"() ({
      %run_scoped3A = tpu.sem_alloc : memref<!tpu.dma_semaphore, #tpu.memory_space<semaphore_mem>>
      %dma_start3A = tpu.memref_slice %arg8[%mul3A_2] : memref<10240xf32, #tpu.memory_space<vmem_shared>> -> memref<640xf32, #tpu.memory_space<vmem_shared>>
      tpu.enqueue_dma source(%arg4 : memref<640xf32, #tpu.memory_space<hbm>>) target(%dma_start3A : memref<640xf32, #tpu.memory_space<vmem_shared>>) target_semaphore(%run_scoped3A : memref<!tpu.dma_semaphore, #tpu.memory_space<semaphore_mem>>)
      %dma_wait3A = tpu.memref_slice %arg8[%mul3A_2] : memref<10240xf32, #tpu.memory_space<vmem_shared>> -> memref<640xf32, #tpu.memory_space<vmem_shared>>
      tpu.wait_dma2 semaphore(%run_scoped3A : memref<!tpu.dma_semaphore, #tpu.memory_space<semaphore_mem>>) src(%arg4 : memref<640xf32, #tpu.memory_space<hbm>>) dst(%dma_wait3A : memref<640xf32, #tpu.memory_space<vmem_shared>>)
      tpu.yield
    }) : () -> ()
    "tpu.region"() ({
      %run_scoped3A = tpu.sem_alloc : memref<!tpu.dma_semaphore, #tpu.memory_space<semaphore_mem>>
      tpu.enqueue_dma source(%arg3 : memref<80xf32, #tpu.memory_space<hbm>>) target(%arg7 : memref<80xf32, #tpu.memory_space<vmem>>) target_semaphore(%run_scoped3A : memref<!tpu.dma_semaphore, #tpu.memory_space<semaphore_mem>>)
      tpu.wait_dma2 semaphore(%run_scoped3A : memref<!tpu.dma_semaphore, #tpu.memory_space<semaphore_mem>>) src(%arg3 : memref<80xf32, #tpu.memory_space<hbm>>) dst(%arg7 : memref<80xf32, #tpu.memory_space<vmem>>)
      tpu.yield
    }) : () -> ()
    "tpu.region"() ({
      %run_scoped3A = tpu.sem_alloc : memref<!tpu.dma_semaphore, #tpu.memory_space<semaphore_mem>>
      %dma_start3A = arith.constant 0 : i32
      %dma_start3A_9 = arith.constant 0 : i32
      %dma_start3A_10 = tpu.memref_slice %arg2[%add3A, %dma_start3A, %dma_start3A_9] : memref<32x125x80xi32, #tpu.memory_space<hbm>> -> memref<1x125x80xi32, #tpu.memory_space<hbm>>
      %dma_start3A_11 = tpu.memref_squeeze %dma_start3A_10 : memref<1x125x80xi32, #tpu.memory_space<hbm>> -> memref<125x80xi32, #tpu.memory_space<hbm>>
      %dma_start3A_12 = arith.constant 0 : i32
      %dma_start3A_13 = arith.constant 0 : i32
      %dma_start3A_14 = tpu.memref_slice %arg2[%add3A, %dma_start3A_12, %dma_start3A_13] : memref<32x125x80xi32, #tpu.memory_space<hbm>> -> memref<1x125x80xi32, #tpu.memory_space<hbm>>
      %dma_start3A_15 = tpu.memref_squeeze %dma_start3A_14 : memref<1x125x80xi32, #tpu.memory_space<hbm>> -> memref<125x80xi32, #tpu.memory_space<hbm>>
      tpu.enqueue_dma source(%dma_start3A_15 : memref<125x80xi32, #tpu.memory_space<hbm>>) target(%arg6 : memref<125x80xi32, #tpu.memory_space<vmem>>) target_semaphore(%run_scoped3A : memref<!tpu.dma_semaphore, #tpu.memory_space<semaphore_mem>>)
      %dma_wait3A = arith.constant 0 : i32
      %dma_wait3A_16 = arith.constant 0 : i32
      %dma_wait3A_17 = tpu.memref_slice %arg2[%add3A, %dma_wait3A, %dma_wait3A_16] : memref<32x125x80xi32, #tpu.memory_space<hbm>> -> memref<1x125x80xi32, #tpu.memory_space<hbm>>
      %dma_wait3A_18 = tpu.memref_squeeze %dma_wait3A_17 : memref<1x125x80xi32, #tpu.memory_space<hbm>> -> memref<125x80xi32, #tpu.memory_space<hbm>>
      %dma_wait3A_19 = arith.constant 0 : i32
      %dma_wait3A_20 = arith.constant 0 : i32
      %dma_wait3A_21 = tpu.memref_slice %arg2[%add3A, %dma_wait3A_19, %dma_wait3A_20] : memref<32x125x80xi32, #tpu.memory_space<hbm>> -> memref<1x125x80xi32, #tpu.memory_space<hbm>>
      %dma_wait3A_22 = tpu.memref_squeeze %dma_wait3A_21 : memref<1x125x80xi32, #tpu.memory_space<hbm>> -> memref<125x80xi32, #tpu.memory_space<hbm>>
      tpu.wait_dma2 semaphore(%run_scoped3A : memref<!tpu.dma_semaphore, #tpu.memory_space<semaphore_mem>>) src(%dma_wait3A_22 : memref<125x80xi32, #tpu.memory_space<hbm>>) dst(%arg6 : memref<125x80xi32, #tpu.memory_space<vmem>>)
      tpu.yield
    }) : () -> ()
    %barrier3A = arith.constant 0 : index
    tpu.barrier barrier_id(%barrier3A)
    %scan3A = arith.constant 0 : i32
    %scan3A_3 = arith.constant 0 : i32
    %scan3A_4 = arith.constant 125 : i32
    %scan3A_5 = arith.addi %scan3A_3, %scan3A_4 : i32
    %scan3A_6 = arith.constant 1 : i32
    scf.for %scan3A_9 = %scan3A_3 to %scan3A_5 step %scan3A_6  : i32 {
      "tpu.region"() ({
        %run_scoped3A = tpu.sem_alloc : memref<!tpu.dma_semaphore, #tpu.memory_space<semaphore_mem>>
        %dma_start3A = arith.constant 0 : i32
        %dma_start3A_10 = tpu.memref_slice %arg6[%scan3A_9, %dma_start3A] : memref<125x80xi32, #tpu.memory_space<vmem>> -> memref<1x80xi32, #tpu.memory_space<vmem>>
        %dma_start3A_11 = tpu.memref_squeeze %dma_start3A_10 : memref<1x80xi32, #tpu.memory_space<vmem>> -> memref<80xi32, #tpu.memory_space<vmem>>
        %dma_start3A_12 = arith.constant 0 : i32
        %dma_start3A_13 = tpu.memref_slice %arg8[%dma_start3A_12] : memref<10240xf32, #tpu.memory_space<vmem_shared>> -> memref<10240xf32, #tpu.memory_space<vmem_shared>>
        tpu.enqueue_indirect_dma source(%arg7 : memref<80xf32, #tpu.memory_space<vmem>>) target(%dma_start3A_13 : memref<10240xf32, #tpu.memory_space<vmem_shared>>) offsets(%dma_start3A_11 : memref<80xi32, #tpu.memory_space<vmem>>) semaphore(%run_scoped3A : memref<!tpu.dma_semaphore, #tpu.memory_space<semaphore_mem>>) {add = true}
        %dma_wait3A = arith.constant 0 : i32
        %dma_wait3A_14 = tpu.memref_slice %arg6[%scan3A_9, %dma_wait3A] : memref<125x80xi32, #tpu.memory_space<vmem>> -> memref<1x80xi32, #tpu.memory_space<vmem>>
        %dma_wait3A_15 = tpu.memref_squeeze %dma_wait3A_14 : memref<1x80xi32, #tpu.memory_space<vmem>> -> memref<80xi32, #tpu.memory_space<vmem>>
        %dma_wait3A_16 = arith.constant 0 : i32
        %dma_wait3A_17 = tpu.memref_slice %arg8[%dma_wait3A_16] : memref<10240xf32, #tpu.memory_space<vmem_shared>> -> memref<10240xf32, #tpu.memory_space<vmem_shared>>
        tpu.wait_indirect_dma semaphore(%run_scoped3A : memref<!tpu.dma_semaphore, #tpu.memory_space<semaphore_mem>>) src(%arg7 : memref<80xf32, #tpu.memory_space<vmem>>) dst(%dma_wait3A_17 : memref<10240xf32, #tpu.memory_space<vmem_shared>>)
        tpu.yield
      }) : () -> ()
    }
    %scan3A_7 = arith.constant 125 : i32
    %barrier3A_8 = arith.constant 0 : index
    tpu.barrier barrier_id(%barrier3A_8)
    "tpu.region"() ({
      %run_scoped3A = tpu.sem_alloc : memref<!tpu.dma_semaphore, #tpu.memory_space<semaphore_mem>>
      %dma_start3A = arith.constant 0 : i32
      %dma_start3A_9 = tpu.memref_slice %arg5[%arg0, %dma_start3A] : memref<2x10240xf32, #tpu.memory_space<hbm>> -> memref<1x10240xf32, #tpu.memory_space<hbm>>
      %dma_start3A_10 = tpu.memref_squeeze %dma_start3A_9 : memref<1x10240xf32, #tpu.memory_space<hbm>> -> memref<10240xf32, #tpu.memory_space<hbm>>
      %dma_start3A_11 = tpu.memref_slice %dma_start3A_10[%mul3A_2] : memref<10240xf32, #tpu.memory_space<hbm>> -> memref<640xf32, #tpu.memory_space<hbm>>
      %dma_start3A_12 = tpu.memref_slice %arg8[%mul3A_2] : memref<10240xf32, #tpu.memory_space<vmem_shared>> -> memref<640xf32, #tpu.memory_space<vmem_shared>>
      tpu.enqueue_dma source(%dma_start3A_12 : memref<640xf32, #tpu.memory_space<vmem_shared>>) target(%dma_start3A_11 : memref<640xf32, #tpu.memory_space<hbm>>) target_semaphore(%run_scoped3A : memref<!tpu.dma_semaphore, #tpu.memory_space<semaphore_mem>>)
      %dma_wait3A = arith.constant 0 : i32
      %dma_wait3A_13 = tpu.memref_slice %arg5[%arg0, %dma_wait3A] : memref<2x10240xf32, #tpu.memory_space<hbm>> -> memref<1x10240xf32, #tpu.memory_space<hbm>>
      %dma_wait3A_14 = tpu.memref_squeeze %dma_wait3A_13 : memref<1x10240xf32, #tpu.memory_space<hbm>> -> memref<10240xf32, #tpu.memory_space<hbm>>
      %dma_wait3A_15 = tpu.memref_slice %dma_wait3A_14[%mul3A_2] : memref<10240xf32, #tpu.memory_space<hbm>> -> memref<640xf32, #tpu.memory_space<hbm>>
      %dma_wait3A_16 = tpu.memref_slice %arg8[%mul3A_2] : memref<10240xf32, #tpu.memory_space<vmem_shared>> -> memref<640xf32, #tpu.memory_space<vmem_shared>>
      tpu.wait_dma2 semaphore(%run_scoped3A : memref<!tpu.dma_semaphore, #tpu.memory_space<semaphore_mem>>) src(%dma_wait3A_16 : memref<640xf32, #tpu.memory_space<vmem_shared>>) dst(%dma_wait3A_15 : memref<640xf32, #tpu.memory_space<hbm>>)
      tpu.yield
    }) : () -> ()
    return
  }
}

#map = affine_map<(d0, d1) -> (0, 0)>
#map1 = affine_map<(d0, d1) -> (0, 0, 0)>
module attributes {stable_mosaic.version = 14 : i64} {
  func.func @_agg_sc(%arg0: i32, %arg1: i32, %arg2: memref<20000x64xf32, #tpu.memory_space<hbm>>, %arg3: memref<32x125x80xi32, #tpu.memory_space<hbm>>, %arg4: memref<32x125x80xi32, #tpu.memory_space<hbm>>, %arg5: memref<640x64xf32, #tpu.memory_space<hbm>>, %arg6: memref<2x10240x128xf32, #tpu.memory_space<hbm>>, %arg7: memref<125x80xi32, #tpu.memory_space<vmem>>, %arg8: memref<125x80xi32, #tpu.memory_space<vmem>>, %arg9: memref<125x80xi32, #tpu.memory_space<vmem>>, %arg10: memref<125x80xi32, #tpu.memory_space<vmem>>, %arg11: memref<80x64xf32, #tpu.memory_space<vmem>>, %arg12: memref<80x64xf32, #tpu.memory_space<vmem>>, %arg13: memref<80x64xf32, #tpu.memory_space<vmem>>, %arg14: memref<80x64xf32, #tpu.memory_space<vmem>>, %arg15: memref<80x64xf32, #tpu.memory_space<vmem>>, %arg16: memref<10240x64xf32, #tpu.memory_space<vmem_shared>>, %arg17: memref<!tpu.dma_semaphore, #tpu.memory_space<semaphore_mem>>, %arg18: memref<!tpu.dma_semaphore, #tpu.memory_space<semaphore_mem>>, %arg19: memref<!tpu.dma_semaphore, #tpu.memory_space<semaphore_mem>>, %arg20: memref<!tpu.dma_semaphore, #tpu.memory_space<semaphore_mem>>, %arg21: memref<!tpu.dma_semaphore, #tpu.memory_space<semaphore_mem>>) attributes {dimension_semantics = [#tpu.dimension_semantics<core_parallel>, #tpu.dimension_semantics<subcore_parallel>], iteration_bounds = array<i64: 2, 16>, scalar_prefetch = 0 : i64, scratch_operands = 15 : i64, tpu.core_type = #tpu.core_type<sc_vector_subcore>, window_params = [{transform_indices = #map}, {transform_indices = #map1}, {transform_indices = #map1}, {transform_indices = #map}, {transform_indices = #map1}]} {
    %mul3A = arith.constant 2 : i32
    %mul3A_0 = arith.muli %arg1, %mul3A : i32
    %add3A = arith.addi %mul3A_0, %arg0 : i32
    %mul3A_1 = arith.constant 640 : i32
    %mul3A_2 = arith.muli %arg1, %mul3A_1 : i32
    "tpu.region"() ({
      %run_scoped3A = tpu.sem_alloc : memref<!tpu.dma_semaphore, #tpu.memory_space<semaphore_mem>>
      %dma_start3A_93 = arith.constant 0 : i32
      %dma_start3A_94 = arith.constant 0 : i32
      %dma_start3A_95 = tpu.memref_slice %arg3[%add3A, %dma_start3A_93, %dma_start3A_94] : memref<32x125x80xi32, #tpu.memory_space<hbm>> -> memref<1x125x80xi32, #tpu.memory_space<hbm>>
      %dma_start3A_96 = tpu.memref_squeeze %dma_start3A_95 : memref<1x125x80xi32, #tpu.memory_space<hbm>> -> memref<125x80xi32, #tpu.memory_space<hbm>>
      %dma_start3A_97 = arith.constant 0 : i32
      %dma_start3A_98 = arith.constant 0 : i32
      %dma_start3A_99 = tpu.memref_slice %arg3[%add3A, %dma_start3A_97, %dma_start3A_98] : memref<32x125x80xi32, #tpu.memory_space<hbm>> -> memref<1x125x80xi32, #tpu.memory_space<hbm>>
      %dma_start3A_100 = tpu.memref_squeeze %dma_start3A_99 : memref<1x125x80xi32, #tpu.memory_space<hbm>> -> memref<125x80xi32, #tpu.memory_space<hbm>>
      tpu.enqueue_dma source(%dma_start3A_100 : memref<125x80xi32, #tpu.memory_space<hbm>>) target(%arg7 : memref<125x80xi32, #tpu.memory_space<vmem>>) target_semaphore(%run_scoped3A : memref<!tpu.dma_semaphore, #tpu.memory_space<semaphore_mem>>)
      %dma_wait3A = arith.constant 0 : i32
      %dma_wait3A_101 = arith.constant 0 : i32
      %dma_wait3A_102 = tpu.memref_slice %arg3[%add3A, %dma_wait3A, %dma_wait3A_101] : memref<32x125x80xi32, #tpu.memory_space<hbm>> -> memref<1x125x80xi32, #tpu.memory_space<hbm>>
      %dma_wait3A_103 = tpu.memref_squeeze %dma_wait3A_102 : memref<1x125x80xi32, #tpu.memory_space<hbm>> -> memref<125x80xi32, #tpu.memory_space<hbm>>
      %dma_wait3A_104 = arith.constant 0 : i32
      %dma_wait3A_105 = arith.constant 0 : i32
      %dma_wait3A_106 = tpu.memref_slice %arg3[%add3A, %dma_wait3A_104, %dma_wait3A_105] : memref<32x125x80xi32, #tpu.memory_space<hbm>> -> memref<1x125x80xi32, #tpu.memory_space<hbm>>
      %dma_wait3A_107 = tpu.memref_squeeze %dma_wait3A_106 : memref<1x125x80xi32, #tpu.memory_space<hbm>> -> memref<125x80xi32, #tpu.memory_space<hbm>>
      tpu.wait_dma2 semaphore(%run_scoped3A : memref<!tpu.dma_semaphore, #tpu.memory_space<semaphore_mem>>) src(%dma_wait3A_107 : memref<125x80xi32, #tpu.memory_space<hbm>>) dst(%arg7 : memref<125x80xi32, #tpu.memory_space<vmem>>)
      tpu.yield
    }) : () -> ()
    "tpu.region"() ({
      %run_scoped3A = tpu.sem_alloc : memref<!tpu.dma_semaphore, #tpu.memory_space<semaphore_mem>>
      %dma_start3A_93 = arith.constant 0 : i32
      %dma_start3A_94 = arith.constant 0 : i32
      %dma_start3A_95 = tpu.memref_slice %arg4[%add3A, %dma_start3A_93, %dma_start3A_94] : memref<32x125x80xi32, #tpu.memory_space<hbm>> -> memref<1x125x80xi32, #tpu.memory_space<hbm>>
      %dma_start3A_96 = tpu.memref_squeeze %dma_start3A_95 : memref<1x125x80xi32, #tpu.memory_space<hbm>> -> memref<125x80xi32, #tpu.memory_space<hbm>>
      %dma_start3A_97 = arith.constant 0 : i32
      %dma_start3A_98 = arith.constant 0 : i32
      %dma_start3A_99 = tpu.memref_slice %arg4[%add3A, %dma_start3A_97, %dma_start3A_98] : memref<32x125x80xi32, #tpu.memory_space<hbm>> -> memref<1x125x80xi32, #tpu.memory_space<hbm>>
      %dma_start3A_100 = tpu.memref_squeeze %dma_start3A_99 : memref<1x125x80xi32, #tpu.memory_space<hbm>> -> memref<125x80xi32, #tpu.memory_space<hbm>>
      tpu.enqueue_dma source(%dma_start3A_100 : memref<125x80xi32, #tpu.memory_space<hbm>>) target(%arg10 : memref<125x80xi32, #tpu.memory_space<vmem>>) target_semaphore(%run_scoped3A : memref<!tpu.dma_semaphore, #tpu.memory_space<semaphore_mem>>)
      %dma_wait3A = arith.constant 0 : i32
      %dma_wait3A_101 = arith.constant 0 : i32
      %dma_wait3A_102 = tpu.memref_slice %arg4[%add3A, %dma_wait3A, %dma_wait3A_101] : memref<32x125x80xi32, #tpu.memory_space<hbm>> -> memref<1x125x80xi32, #tpu.memory_space<hbm>>
      %dma_wait3A_103 = tpu.memref_squeeze %dma_wait3A_102 : memref<1x125x80xi32, #tpu.memory_space<hbm>> -> memref<125x80xi32, #tpu.memory_space<hbm>>
      %dma_wait3A_104 = arith.constant 0 : i32
      %dma_wait3A_105 = arith.constant 0 : i32
      %dma_wait3A_106 = tpu.memref_slice %arg4[%add3A, %dma_wait3A_104, %dma_wait3A_105] : memref<32x125x80xi32, #tpu.memory_space<hbm>> -> memref<1x125x80xi32, #tpu.memory_space<hbm>>
      %dma_wait3A_107 = tpu.memref_squeeze %dma_wait3A_106 : memref<1x125x80xi32, #tpu.memory_space<hbm>> -> memref<125x80xi32, #tpu.memory_space<hbm>>
      tpu.wait_dma2 semaphore(%run_scoped3A : memref<!tpu.dma_semaphore, #tpu.memory_space<semaphore_mem>>) src(%dma_wait3A_107 : memref<125x80xi32, #tpu.memory_space<hbm>>) dst(%arg10 : memref<125x80xi32, #tpu.memory_space<vmem>>)
      tpu.yield
    }) : () -> ()
    %scan3A = arith.constant 0 : i32
    %scan3A_3 = arith.constant 0 : i32
    %scan3A_4 = arith.constant 125 : i32
    %scan3A_5 = arith.addi %scan3A_3, %scan3A_4 : i32
    %scan3A_6 = arith.constant 1 : i32
    scf.for %scan3A_93 = %scan3A_3 to %scan3A_5 step %scan3A_6  : i32 {
      %get3A = arith.index_cast %scan3A_93 : i32 to index
      %get3A_94 = arith.constant 0 : index
      %get3A_95 = tpu.vector_load %arg7[%get3A, %get3A_94] {strides = array<i32>} : memref<125x80xi32, #tpu.memory_space<vmem>>, vector<1x16xi32>,
      %get3A_96 = vector.shape_cast %get3A_95 : vector<1x16xi32> to vector<16xi32>
      %mul3A_97 = arith.constant 2 : i32
      %mul3A_98 = vector.broadcast %mul3A_97 : i32 to vector<16xi32>
      %mul3A_99 = arith.muli %get3A_96, %mul3A_98 : vector<16xi32>
      %swap3A = arith.index_cast %scan3A_93 : i32 to index
      %swap3A_100 = arith.constant 0 : index
      %swap3A_101 = tpu.vector_load %arg8[%swap3A, %swap3A_100] {strides = array<i32>} : memref<125x80xi32, #tpu.memory_space<vmem>>, vector<1x16xi32>,
      %swap3A_102 = vector.shape_cast %swap3A_101 : vector<1x16xi32> to vector<16xi32>
      %swap3A_103 = vector.shape_cast %mul3A_99 : vector<16xi32> to vector<1x16xi32>
      tpu.vector_store %arg8[%swap3A, %swap3A_100], %swap3A_103 {strides = array<i32>} : memref<125x80xi32, #tpu.memory_space<vmem>>, vector<1x16xi32>,
      %add3A_104 = arith.constant 1 : i32
      %add3A_105 = vector.broadcast %add3A_104 : i32 to vector<16xi32>
      %add3A_106 = arith.addi %mul3A_99, %add3A_105 : vector<16xi32>
      %swap3A_107 = arith.index_cast %scan3A_93 : i32 to index
      %swap3A_108 = arith.constant 0 : index
      %swap3A_109 = tpu.vector_load %arg9[%swap3A_107, %swap3A_108] {strides = array<i32>} : memref<125x80xi32, #tpu.memory_space<vmem>>, vector<1x16xi32>,
      %swap3A_110 = vector.shape_cast %swap3A_109 : vector<1x16xi32> to vector<16xi32>
      %swap3A_111 = vector.shape_cast %add3A_106 : vector<16xi32> to vector<1x16xi32>
      tpu.vector_store %arg9[%swap3A_107, %swap3A_108], %swap3A_111 {strides = array<i32>} : memref<125x80xi32, #tpu.memory_space<vmem>>, vector<1x16xi32>,
      %get3A_112 = arith.index_cast %scan3A_93 : i32 to index
      %get3A_113 = arith.constant 16 : index
      %get3A_114 = tpu.vector_load %arg7[%get3A_112, %get3A_113] {strides = array<i32>} : memref<125x80xi32, #tpu.memory_space<vmem>>, vector<1x16xi32>,
      %get3A_115 = vector.shape_cast %get3A_114 : vector<1x16xi32> to vector<16xi32>
      %mul3A_116 = arith.constant 2 : i32
      %mul3A_117 = vector.broadcast %mul3A_116 : i32 to vector<16xi32>
      %mul3A_118 = arith.muli %get3A_115, %mul3A_117 : vector<16xi32>
      %swap3A_119 = arith.index_cast %scan3A_93 : i32 to index
      %swap3A_120 = arith.constant 16 : index
      %swap3A_121 = tpu.vector_load %arg8[%swap3A_119, %swap3A_120] {strides = array<i32>} : memref<125x80xi32, #tpu.memory_space<vmem>>, vector<1x16xi32>,
      %swap3A_122 = vector.shape_cast %swap3A_121 : vector<1x16xi32> to vector<16xi32>
      %swap3A_123 = vector.shape_cast %mul3A_118 : vector<16xi32> to vector<1x16xi32>
      tpu.vector_store %arg8[%swap3A_119, %swap3A_120], %swap3A_123 {strides = array<i32>} : memref<125x80xi32, #tpu.memory_space<vmem>>, vector<1x16xi32>,
      %add3A_124 = arith.constant 1 : i32
      %add3A_125 = vector.broadcast %add3A_124 : i32 to vector<16xi32>
      %add3A_126 = arith.addi %mul3A_118, %add3A_125 : vector<16xi32>
      %swap3A_127 = arith.index_cast %scan3A_93 : i32 to index
      %swap3A_128 = arith.constant 16 : index
      %swap3A_129 = tpu.vector_load %arg9[%swap3A_127, %swap3A_128] {strides = array<i32>} : memref<125x80xi32, #tpu.memory_space<vmem>>, vector<1x16xi32>,
      %swap3A_130 = vector.shape_cast %swap3A_129 : vector<1x16xi32> to vector<16xi32>
      %swap3A_131 = vector.shape_cast %add3A_126 : vector<16xi32> to vector<1x16xi32>
      tpu.vector_store %arg9[%swap3A_127, %swap3A_128], %swap3A_131 {strides = array<i32>} : memref<125x80xi32, #tpu.memory_space<vmem>>, vector<1x16xi32>,
      %get3A_132 = arith.index_cast %scan3A_93 : i32 to index
      %get3A_133 = arith.constant 32 : index
      %get3A_134 = tpu.vector_load %arg7[%get3A_132, %get3A_133] {strides = array<i32>} : memref<125x80xi32, #tpu.memory_space<vmem>>, vector<1x16xi32>,
      %get3A_135 = vector.shape_cast %get3A_134 : vector<1x16xi32> to vector<16xi32>
      %mul3A_136 = arith.constant 2 : i32
      %mul3A_137 = vector.broadcast %mul3A_136 : i32 to vector<16xi32>
      %mul3A_138 = arith.muli %get3A_135, %mul3A_137 : vector<16xi32>
      %swap3A_139 = arith.index_cast %scan3A_93 : i32 to index
      %swap3A_140 = arith.constant 32 : index
      %swap3A_141 = tpu.vector_load %arg8[%swap3A_139, %swap3A_140] {strides = array<i32>} : memref<125x80xi32, #tpu.memory_space<vmem>>, vector<1x16xi32>,
      %swap3A_142 = vector.shape_cast %swap3A_141 : vector<1x16xi32> to vector<16xi32>
      %swap3A_143 = vector.shape_cast %mul3A_138 : vector<16xi32> to vector<1x16xi32>
      tpu.vector_store %arg8[%swap3A_139, %swap3A_140], %swap3A_143 {strides = array<i32>} : memref<125x80xi32, #tpu.memory_space<vmem>>, vector<1x16xi32>,
      %add3A_144 = arith.constant 1 : i32
      %add3A_145 = vector.broadcast %add3A_144 : i32 to vector<16xi32>
      %add3A_146 = arith.addi %mul3A_138, %add3A_145 : vector<16xi32>
      %swap3A_147 = arith.index_cast %scan3A_93 : i32 to index
      %swap3A_148 = arith.constant 32 : index
      %swap3A_149 = tpu.vector_load %arg9[%swap3A_147, %swap3A_148] {strides = array<i32>} : memref<125x80xi32, #tpu.memory_space<vmem>>, vector<1x16xi32>,
      %swap3A_150 = vector.shape_cast %swap3A_149 : vector<1x16xi32> to vector<16xi32>
      %swap3A_151 = vector.shape_cast %add3A_146 : vector<16xi32> to vector<1x16xi32>
      tpu.vector_store %arg9[%swap3A_147, %swap3A_148], %swap3A_151 {strides = array<i32>} : memref<125x80xi32, #tpu.memory_space<vmem>>, vector<1x16xi32>,
      %get3A_152 = arith.index_cast %scan3A_93 : i32 to index
      %get3A_153 = arith.constant 48 : index
      %get3A_154 = tpu.vector_load %arg7[%get3A_152, %get3A_153] {strides = array<i32>} : memref<125x80xi32, #tpu.memory_space<vmem>>, vector<1x16xi32>,
      %get3A_155 = vector.shape_cast %get3A_154 : vector<1x16xi32> to vector<16xi32>
      %mul3A_156 = arith.constant 2 : i32
      %mul3A_157 = vector.broadcast %mul3A_156 : i32 to vector<16xi32>
      %mul3A_158 = arith.muli %get3A_155, %mul3A_157 : vector<16xi32>
      %swap3A_159 = arith.index_cast %scan3A_93 : i32 to index
      %swap3A_160 = arith.constant 48 : index
      %swap3A_161 = tpu.vector_load %arg8[%swap3A_159, %swap3A_160] {strides = array<i32>} : memref<125x80xi32, #tpu.memory_space<vmem>>, vector<1x16xi32>,
      %swap3A_162 = vector.shape_cast %swap3A_161 : vector<1x16xi32> to vector<16xi32>
      %swap3A_163 = vector.shape_cast %mul3A_158 : vector<16xi32> to vector<1x16xi32>
      tpu.vector_store %arg8[%swap3A_159, %swap3A_160], %swap3A_163 {strides = array<i32>} : memref<125x80xi32, #tpu.memory_space<vmem>>, vector<1x16xi32>,
      %add3A_164 = arith.constant 1 : i32
      %add3A_165 = vector.broadcast %add3A_164 : i32 to vector<16xi32>
      %add3A_166 = arith.addi %mul3A_158, %add3A_165 : vector<16xi32>
      %swap3A_167 = arith.index_cast %scan3A_93 : i32 to index
      %swap3A_168 = arith.constant 48 : index
      %swap3A_169 = tpu.vector_load %arg9[%swap3A_167, %swap3A_168] {strides = array<i32>} : memref<125x80xi32, #tpu.memory_space<vmem>>, vector<1x16xi32>,
      %swap3A_170 = vector.shape_cast %swap3A_169 : vector<1x16xi32> to vector<16xi32>
      %swap3A_171 = vector.shape_cast %add3A_166 : vector<16xi32> to vector<1x16xi32>
      tpu.vector_store %arg9[%swap3A_167, %swap3A_168], %swap3A_171 {strides = array<i32>} : memref<125x80xi32, #tpu.memory_space<vmem>>, vector<1x16xi32>,
      %get3A_172 = arith.index_cast %scan3A_93 : i32 to index
      %get3A_173 = arith.constant 64 : index
      %get3A_174 = tpu.vector_load %arg7[%get3A_172, %get3A_173] {strides = array<i32>} : memref<125x80xi32, #tpu.memory_space<vmem>>, vector<1x16xi32>,
      %get3A_175 = vector.shape_cast %get3A_174 : vector<1x16xi32> to vector<16xi32>
      %mul3A_176 = arith.constant 2 : i32
      %mul3A_177 = vector.broadcast %mul3A_176 : i32 to vector<16xi32>
      %mul3A_178 = arith.muli %get3A_175, %mul3A_177 : vector<16xi32>
      %swap3A_179 = arith.index_cast %scan3A_93 : i32 to index
      %swap3A_180 = arith.constant 64 : index
      %swap3A_181 = tpu.vector_load %arg8[%swap3A_179, %swap3A_180] {strides = array<i32>} : memref<125x80xi32, #tpu.memory_space<vmem>>, vector<1x16xi32>,
      %swap3A_182 = vector.shape_cast %swap3A_181 : vector<1x16xi32> to vector<16xi32>
      %swap3A_183 = vector.shape_cast %mul3A_178 : vector<16xi32> to vector<1x16xi32>
      tpu.vector_store %arg8[%swap3A_179, %swap3A_180], %swap3A_183 {strides = array<i32>} : memref<125x80xi32, #tpu.memory_space<vmem>>, vector<1x16xi32>,
      %add3A_184 = arith.constant 1 : i32
      %add3A_185 = vector.broadcast %add3A_184 : i32 to vector<16xi32>
      %add3A_186 = arith.addi %mul3A_178, %add3A_185 : vector<16xi32>
      %swap3A_187 = arith.index_cast %scan3A_93 : i32 to index
      %swap3A_188 = arith.constant 64 : index
      %swap3A_189 = tpu.vector_load %arg9[%swap3A_187, %swap3A_188] {strides = array<i32>} : memref<125x80xi32, #tpu.memory_space<vmem>>, vector<1x16xi32>,
      %swap3A_190 = vector.shape_cast %swap3A_189 : vector<1x16xi32> to vector<16xi32>
      %swap3A_191 = vector.shape_cast %add3A_186 : vector<16xi32> to vector<1x16xi32>
      tpu.vector_store %arg9[%swap3A_187, %swap3A_188], %swap3A_191 {strides = array<i32>} : memref<125x80xi32, #tpu.memory_space<vmem>>, vector<1x16xi32>,
    }
    %scan3A_7 = arith.constant 125 : i32
    %dma_start3A = arith.constant 0 : i32
    %dma_start3A_8 = arith.constant 0 : i32
    %dma_start3A_9 = tpu.memref_slice %arg8[%dma_start3A, %dma_start3A_8] : memref<125x80xi32, #tpu.memory_space<vmem>> -> memref<1x80xi32, #tpu.memory_space<vmem>>
    %dma_start3A_10 = tpu.memref_squeeze %dma_start3A_9 : memref<1x80xi32, #tpu.memory_space<vmem>> -> memref<80xi32, #tpu.memory_space<vmem>>
    %dma_start3A_11 = arith.constant 0 : i32
    %dma_start3A_12 = arith.constant 0 : i32
    %dma_start3A_13 = tpu.memref_slice %arg2[%dma_start3A_11, %dma_start3A_12] : memref<20000x64xf32, #tpu.memory_space<hbm>> -> memref<20000x64xf32, #tpu.memory_space<hbm>>
    tpu.enqueue_indirect_dma source(%dma_start3A_13 : memref<20000x64xf32, #tpu.memory_space<hbm>>) target(%arg11 : memref<80x64xf32, #tpu.memory_space<vmem>>) offsets(%dma_start3A_10 : memref<80xi32, #tpu.memory_space<vmem>>) semaphore(%arg17 : memref<!tpu.dma_semaphore, #tpu.memory_space<semaphore_mem>>)
    %dma_start3A_14 = arith.constant 1 : i32
    %dma_start3A_15 = arith.constant 0 : i32
    %dma_start3A_16 = tpu.memref_slice %arg8[%dma_start3A_14, %dma_start3A_15] : memref<125x80xi32, #tpu.memory_space<vmem>> -> memref<1x80xi32, #tpu.memory_space<vmem>>
    %dma_start3A_17 = tpu.memref_squeeze %dma_start3A_16 : memref<1x80xi32, #tpu.memory_space<vmem>> -> memref<80xi32, #tpu.memory_space<vmem>>
    %dma_start3A_18 = arith.constant 0 : i32
    %dma_start3A_19 = arith.constant 0 : i32
    %dma_start3A_20 = tpu.memref_slice %arg2[%dma_start3A_18, %dma_start3A_19] : memref<20000x64xf32, #tpu.memory_space<hbm>> -> memref<20000x64xf32, #tpu.memory_space<hbm>>
    tpu.enqueue_indirect_dma source(%dma_start3A_20 : memref<20000x64xf32, #tpu.memory_space<hbm>>) target(%arg12 : memref<80x64xf32, #tpu.memory_space<vmem>>) offsets(%dma_start3A_17 : memref<80xi32, #tpu.memory_space<vmem>>) semaphore(%arg18 : memref<!tpu.dma_semaphore, #tpu.memory_space<semaphore_mem>>)
    %dma_start3A_21 = arith.constant 2 : i32
    %dma_start3A_22 = arith.constant 0 : i32
    %dma_start3A_23 = tpu.memref_slice %arg8[%dma_start3A_21, %dma_start3A_22] : memref<125x80xi32, #tpu.memory_space<vmem>> -> memref<1x80xi32, #tpu.memory_space<vmem>>
    %dma_start3A_24 = tpu.memref_squeeze %dma_start3A_23 : memref<1x80xi32, #tpu.memory_space<vmem>> -> memref<80xi32, #tpu.memory_space<vmem>>
    %dma_start3A_25 = arith.constant 0 : i32
    %dma_start3A_26 = arith.constant 0 : i32
    %dma_start3A_27 = tpu.memref_slice %arg2[%dma_start3A_25, %dma_start3A_26] : memref<20000x64xf32, #tpu.memory_space<hbm>> -> memref<20000x64xf32, #tpu.memory_space<hbm>>
    tpu.enqueue_indirect_dma source(%dma_start3A_27 : memref<20000x64xf32, #tpu.memory_space<hbm>>) target(%arg13 : memref<80x64xf32, #tpu.memory_space<vmem>>) offsets(%dma_start3A_24 : memref<80xi32, #tpu.memory_space<vmem>>) semaphore(%arg19 : memref<!tpu.dma_semaphore, #tpu.memory_space<semaphore_mem>>)
    %dma_start3A_28 = arith.constant 3 : i32
    %dma_start3A_29 = arith.constant 0 : i32
    %dma_start3A_30 = tpu.memref_slice %arg8[%dma_start3A_28, %dma_start3A_29] : memref<125x80xi32, #tpu.memory_space<vmem>> -> memref<1x80xi32, #tpu.memory_space<vmem>>
    %dma_start3A_31 = tpu.memref_squeeze %dma_start3A_30 : memref<1x80xi32, #tpu.memory_space<vmem>> -> memref<80xi32, #tpu.memory_space<vmem>>
    %dma_start3A_32 = arith.constant 0 : i32
    %dma_start3A_33 = arith.constant 0 : i32
    %dma_start3A_34 = tpu.memref_slice %arg2[%dma_start3A_32, %dma_start3A_33] : memref<20000x64xf32, #tpu.memory_space<hbm>> -> memref<20000x64xf32, #tpu.memory_space<hbm>>
    tpu.enqueue_indirect_dma source(%dma_start3A_34 : memref<20000x64xf32, #tpu.memory_space<hbm>>) target(%arg14 : memref<80x64xf32, #tpu.memory_space<vmem>>) offsets(%dma_start3A_31 : memref<80xi32, #tpu.memory_space<vmem>>) semaphore(%arg20 : memref<!tpu.dma_semaphore, #tpu.memory_space<semaphore_mem>>)
    %dma_start3A_35 = arith.constant 4 : i32
    %dma_start3A_36 = arith.constant 0 : i32
    %dma_start3A_37 = tpu.memref_slice %arg8[%dma_start3A_35, %dma_start3A_36] : memref<125x80xi32, #tpu.memory_space<vmem>> -> memref<1x80xi32, #tpu.memory_space<vmem>>
    %dma_start3A_38 = tpu.memref_squeeze %dma_start3A_37 : memref<1x80xi32, #tpu.memory_space<vmem>> -> memref<80xi32, #tpu.memory_space<vmem>>
    %dma_start3A_39 = arith.constant 0 : i32
    %dma_start3A_40 = arith.constant 0 : i32
    %dma_start3A_41 = tpu.memref_slice %arg2[%dma_start3A_39, %dma_start3A_40] : memref<20000x64xf32, #tpu.memory_space<hbm>> -> memref<20000x64xf32, #tpu.memory_space<hbm>>
    tpu.enqueue_indirect_dma source(%dma_start3A_41 : memref<20000x64xf32, #tpu.memory_space<hbm>>) target(%arg15 : memref<80x64xf32, #tpu.memory_space<vmem>>) offsets(%dma_start3A_38 : memref<80xi32, #tpu.memory_space<vmem>>) semaphore(%arg21 : memref<!tpu.dma_semaphore, #tpu.memory_space<semaphore_mem>>)
    "tpu.region"() ({
      %run_scoped3A = tpu.sem_alloc : memref<!tpu.dma_semaphore, #tpu.memory_space<semaphore_mem>>
      %dma_start3A_93 = arith.constant 0 : i32
      %dma_start3A_94 = tpu.memref_slice %arg16[%mul3A_2, %dma_start3A_93] : memref<10240x64xf32, #tpu.memory_space<vmem_shared>> -> memref<640x64xf32, #tpu.memory_space<vmem_shared>>
      tpu.enqueue_dma source(%arg5 : memref<640x64xf32, #tpu.memory_space<hbm>>) target(%dma_start3A_94 : memref<640x64xf32, #tpu.memory_space<vmem_shared>>) target_semaphore(%run_scoped3A : memref<!tpu.dma_semaphore, #tpu.memory_space<semaphore_mem>>)
      %dma_wait3A = arith.constant 0 : i32
      %dma_wait3A_95 = tpu.memref_slice %arg16[%mul3A_2, %dma_wait3A] : memref<10240x64xf32, #tpu.memory_space<vmem_shared>> -> memref<640x64xf32, #tpu.memory_space<vmem_shared>>
      tpu.wait_dma2 semaphore(%run_scoped3A : memref<!tpu.dma_semaphore, #tpu.memory_space<semaphore_mem>>) src(%arg5 : memref<640x64xf32, #tpu.memory_space<hbm>>) dst(%dma_wait3A_95 : memref<640x64xf32, #tpu.memory_space<vmem_shared>>)
      tpu.yield
    }) : () -> ()
    %barrier3A = arith.constant 0 : index
    tpu.barrier barrier_id(%barrier3A)
    %scan3A_42 = arith.constant 0 : i32
    %scan3A_43 = arith.constant 0 : i32
    %scan3A_44 = arith.constant 25 : i32
    %scan3A_45 = arith.addi %scan3A_43, %scan3A_44 : i32
    %scan3A_46 = arith.constant 1 : i32
    scf.for %scan3A_93 = %scan3A_43 to %scan3A_45 step %scan3A_46  : i32 {
      %mul3A_94 = arith.constant 5 : i32
      %mul3A_95 = arith.muli %mul3A_94, %scan3A_93 : i32
      %add3A_96 = arith.constant 0 : i32
      %add3A_97 = arith.addi %mul3A_95, %add3A_96 : i32
      %dma_wait3A = arith.constant 0 : i32
      %dma_wait3A_98 = tpu.memref_slice %arg8[%add3A_97, %dma_wait3A] : memref<125x80xi32, #tpu.memory_space<vmem>> -> memref<1x80xi32, #tpu.memory_space<vmem>>
      %dma_wait3A_99 = tpu.memref_squeeze %dma_wait3A_98 : memref<1x80xi32, #tpu.memory_space<vmem>> -> memref<80xi32, #tpu.memory_space<vmem>>
      %dma_wait3A_100 = arith.constant 0 : i32
      %dma_wait3A_101 = arith.constant 0 : i32
      %dma_wait3A_102 = tpu.memref_slice %arg2[%dma_wait3A_100, %dma_wait3A_101] : memref<20000x64xf32, #tpu.memory_space<hbm>> -> memref<20000x64xf32, #tpu.memory_space<hbm>>
      tpu.wait_indirect_dma semaphore(%arg17 : memref<!tpu.dma_semaphore, #tpu.memory_space<semaphore_mem>>) src(%dma_wait3A_102 : memref<20000x64xf32, #tpu.memory_space<hbm>>) dst(%arg11 : memref<80x64xf32, #tpu.memory_space<vmem>>)
      "tpu.region"() ({
        %run_scoped3A = tpu.sem_alloc : memref<!tpu.dma_semaphore, #tpu.memory_space<semaphore_mem>>
        %dma_start3A_175 = arith.constant 0 : i32
        %dma_start3A_176 = tpu.memref_slice %arg10[%add3A_97, %dma_start3A_175] : memref<125x80xi32, #tpu.memory_space<vmem>> -> memref<1x80xi32, #tpu.memory_space<vmem>>
        %dma_start3A_177 = tpu.memref_squeeze %dma_start3A_176 : memref<1x80xi32, #tpu.memory_space<vmem>> -> memref<80xi32, #tpu.memory_space<vmem>>
        %dma_start3A_178 = arith.constant 0 : i32
        %dma_start3A_179 = arith.constant 0 : i32
        %dma_start3A_180 = tpu.memref_slice %arg16[%dma_start3A_178, %dma_start3A_179] : memref<10240x64xf32, #tpu.memory_space<vmem_shared>> -> memref<10240x64xf32, #tpu.memory_space<vmem_shared>>
        tpu.enqueue_indirect_dma source(%arg11 : memref<80x64xf32, #tpu.memory_space<vmem>>) target(%dma_start3A_180 : memref<10240x64xf32, #tpu.memory_space<vmem_shared>>) offsets(%dma_start3A_177 : memref<80xi32, #tpu.memory_space<vmem>>) semaphore(%run_scoped3A : memref<!tpu.dma_semaphore, #tpu.memory_space<semaphore_mem>>) {add = true}
        %dma_wait3A_181 = arith.constant 0 : i32
        %dma_wait3A_182 = tpu.memref_slice %arg10[%add3A_97, %dma_wait3A_181] : memref<125x80xi32, #tpu.memory_space<vmem>> -> memref<1x80xi32, #tpu.memory_space<vmem>>
        %dma_wait3A_183 = tpu.memref_squeeze %dma_wait3A_182 : memref<1x80xi32, #tpu.memory_space<vmem>> -> memref<80xi32, #tpu.memory_space<vmem>>
        %dma_wait3A_184 = arith.constant 0 : i32
        %dma_wait3A_185 = arith.constant 0 : i32
        %dma_wait3A_186 = tpu.memref_slice %arg16[%dma_wait3A_184, %dma_wait3A_185] : memref<10240x64xf32, #tpu.memory_space<vmem_shared>> -> memref<10240x64xf32, #tpu.memory_space<vmem_shared>>
        tpu.wait_indirect_dma semaphore(%run_scoped3A : memref<!tpu.dma_semaphore, #tpu.memory_space<semaphore_mem>>) src(%arg11 : memref<80x64xf32, #tpu.memory_space<vmem>>) dst(%dma_wait3A_186 : memref<10240x64xf32, #tpu.memory_space<vmem_shared>>)
        tpu.yield
      }) : () -> ()
      %add3A_103 = arith.constant 5 : i32
      %add3A_104 = arith.addi %add3A_97, %add3A_103 : i32
      %lt3A = arith.constant 125 : i32
      %lt3A_105 = arith.cmpi slt, %add3A_104, %lt3A : i32
      %convert_element_type3A = arith.extui %lt3A_105 : i1 to i32
      %cond3A = arith.constant 0 : i32
      %cond3A_106 = arith.cmpi ne, %convert_element_type3A, %cond3A : i32
      scf.if %cond3A_106 {
        %add3A_175 = arith.constant 5 : i32
        %add3A_176 = arith.addi %add3A_97, %add3A_175 : i32
        %dma_start3A_177 = arith.constant 0 : i32
        %dma_start3A_178 = tpu.memref_slice %arg8[%add3A_176, %dma_start3A_177] : memref<125x80xi32, #tpu.memory_space<vmem>> -> memref<1x80xi32, #tpu.memory_space<vmem>>
        %dma_start3A_179 = tpu.memref_squeeze %dma_start3A_178 : memref<1x80xi32, #tpu.memory_space<vmem>> -> memref<80xi32, #tpu.memory_space<vmem>>
        %dma_start3A_180 = arith.constant 0 : i32
        %dma_start3A_181 = arith.constant 0 : i32
        %dma_start3A_182 = tpu.memref_slice %arg2[%dma_start3A_180, %dma_start3A_181] : memref<20000x64xf32, #tpu.memory_space<hbm>> -> memref<20000x64xf32, #tpu.memory_space<hbm>>
        tpu.enqueue_indirect_dma source(%dma_start3A_182 : memref<20000x64xf32, #tpu.memory_space<hbm>>) target(%arg11 : memref<80x64xf32, #tpu.memory_space<vmem>>) offsets(%dma_start3A_179 : memref<80xi32, #tpu.memory_space<vmem>>) semaphore(%arg17 : memref<!tpu.dma_semaphore, #tpu.memory_space<semaphore_mem>>)
      } else {
      }
      %mul3A_107 = arith.constant 5 : i32
      %mul3A_108 = arith.muli %mul3A_107, %scan3A_93 : i32
      %add3A_109 = arith.constant 1 : i32
      %add3A_110 = arith.addi %mul3A_108, %add3A_109 : i32
      %dma_wait3A_111 = arith.constant 0 : i32
      %dma_wait3A_112 = tpu.memref_slice %arg8[%add3A_110, %dma_wait3A_111] : memref<125x80xi32, #tpu.memory_space<vmem>> -> memref<1x80xi32, #tpu.memory_space<vmem>>
      %dma_wait3A_113 = tpu.memref_squeeze %dma_wait3A_112 : memref<1x80xi32, #tpu.memory_space<vmem>> -> memref<80xi32, #tpu.memory_space<vmem>>
      %dma_wait3A_114 = arith.constant 0 : i32
      %dma_wait3A_115 = arith.constant 0 : i32
      %dma_wait3A_116 = tpu.memref_slice %arg2[%dma_wait3A_114, %dma_wait3A_115] : memref<20000x64xf32, #tpu.memory_space<hbm>> -> memref<20000x64xf32, #tpu.memory_space<hbm>>
      tpu.wait_indirect_dma semaphore(%arg18 : memref<!tpu.dma_semaphore, #tpu.memory_space<semaphore_mem>>) src(%dma_wait3A_116 : memref<20000x64xf32, #tpu.memory_space<hbm>>) dst(%arg12 : memref<80x64xf32, #tpu.memory_space<vmem>>)
      "tpu.region"() ({
        %run_scoped3A = tpu.sem_alloc : memref<!tpu.dma_semaphore, #tpu.memory_space<semaphore_mem>>
        %dma_start3A_175 = arith.constant 0 : i32
        %dma_start3A_176 = tpu.memref_slice %arg10[%add3A_110, %dma_start3A_175] : memref<125x80xi32, #tpu.memory_space<vmem>> -> memref<1x80xi32, #tpu.memory_space<vmem>>
        %dma_start3A_177 = tpu.memref_squeeze %dma_start3A_176 : memref<1x80xi32, #tpu.memory_space<vmem>> -> memref<80xi32, #tpu.memory_space<vmem>>
        %dma_start3A_178 = arith.constant 0 : i32
        %dma_start3A_179 = arith.constant 0 : i32
        %dma_start3A_180 = tpu.memref_slice %arg16[%dma_start3A_178, %dma_start3A_179] : memref<10240x64xf32, #tpu.memory_space<vmem_shared>> -> memref<10240x64xf32, #tpu.memory_space<vmem_shared>>
        tpu.enqueue_indirect_dma source(%arg12 : memref<80x64xf32, #tpu.memory_space<vmem>>) target(%dma_start3A_180 : memref<10240x64xf32, #tpu.memory_space<vmem_shared>>) offsets(%dma_start3A_177 : memref<80xi32, #tpu.memory_space<vmem>>) semaphore(%run_scoped3A : memref<!tpu.dma_semaphore, #tpu.memory_space<semaphore_mem>>) {add = true}
        %dma_wait3A_181 = arith.constant 0 : i32
        %dma_wait3A_182 = tpu.memref_slice %arg10[%add3A_110, %dma_wait3A_181] : memref<125x80xi32, #tpu.memory_space<vmem>> -> memref<1x80xi32, #tpu.memory_space<vmem>>
        %dma_wait3A_183 = tpu.memref_squeeze %dma_wait3A_182 : memref<1x80xi32, #tpu.memory_space<vmem>> -> memref<80xi32, #tpu.memory_space<vmem>>
        %dma_wait3A_184 = arith.constant 0 : i32
        %dma_wait3A_185 = arith.constant 0 : i32
        %dma_wait3A_186 = tpu.memref_slice %arg16[%dma_wait3A_184, %dma_wait3A_185] : memref<10240x64xf32, #tpu.memory_space<vmem_shared>> -> memref<10240x64xf32, #tpu.memory_space<vmem_shared>>
        tpu.wait_indirect_dma semaphore(%run_scoped3A : memref<!tpu.dma_semaphore, #tpu.memory_space<semaphore_mem>>) src(%arg12 : memref<80x64xf32, #tpu.memory_space<vmem>>) dst(%dma_wait3A_186 : memref<10240x64xf32, #tpu.memory_space<vmem_shared>>)
        tpu.yield
      }) : () -> ()
      %add3A_117 = arith.constant 5 : i32
      %add3A_118 = arith.addi %add3A_110, %add3A_117 : i32
      %lt3A_119 = arith.constant 125 : i32
      %lt3A_120 = arith.cmpi slt, %add3A_118, %lt3A_119 : i32
      %convert_element_type3A_121 = arith.extui %lt3A_120 : i1 to i32
      %cond3A_122 = arith.constant 0 : i32
      %cond3A_123 = arith.cmpi ne, %convert_element_type3A_121, %cond3A_122 : i32
      scf.if %cond3A_123 {
        %add3A_175 = arith.constant 5 : i32
        %add3A_176 = arith.addi %add3A_110, %add3A_175 : i32
        %dma_start3A_177 = arith.constant 0 : i32
        %dma_start3A_178 = tpu.memref_slice %arg8[%add3A_176, %dma_start3A_177] : memref<125x80xi32, #tpu.memory_space<vmem>> -> memref<1x80xi32, #tpu.memory_space<vmem>>
        %dma_start3A_179 = tpu.memref_squeeze %dma_start3A_178 : memref<1x80xi32, #tpu.memory_space<vmem>> -> memref<80xi32, #tpu.memory_space<vmem>>
        %dma_start3A_180 = arith.constant 0 : i32
        %dma_start3A_181 = arith.constant 0 : i32
        %dma_start3A_182 = tpu.memref_slice %arg2[%dma_start3A_180, %dma_start3A_181] : memref<20000x64xf32, #tpu.memory_space<hbm>> -> memref<20000x64xf32, #tpu.memory_space<hbm>>
        tpu.enqueue_indirect_dma source(%dma_start3A_182 : memref<20000x64xf32, #tpu.memory_space<hbm>>) target(%arg12 : memref<80x64xf32, #tpu.memory_space<vmem>>) offsets(%dma_start3A_179 : memref<80xi32, #tpu.memory_space<vmem>>) semaphore(%arg18 : memref<!tpu.dma_semaphore, #tpu.memory_space<semaphore_mem>>)
      } else {
      }
      %mul3A_124 = arith.constant 5 : i32
      %mul3A_125 = arith.muli %mul3A_124, %scan3A_93 : i32
      %add3A_126 = arith.constant 2 : i32
      %add3A_127 = arith.addi %mul3A_125, %add3A_126 : i32
      %dma_wait3A_128 = arith.constant 0 : i32
      %dma_wait3A_129 = tpu.memref_slice %arg8[%add3A_127, %dma_wait3A_128] : memref<125x80xi32, #tpu.memory_space<vmem>> -> memref<1x80xi32, #tpu.memory_space<vmem>>
      %dma_wait3A_130 = tpu.memref_squeeze %dma_wait3A_129 : memref<1x80xi32, #tpu.memory_space<vmem>> -> memref<80xi32, #tpu.memory_space<vmem>>
      %dma_wait3A_131 = arith.constant 0 : i32
      %dma_wait3A_132 = arith.constant 0 : i32
      %dma_wait3A_133 = tpu.memref_slice %arg2[%dma_wait3A_131, %dma_wait3A_132] : memref<20000x64xf32, #tpu.memory_space<hbm>> -> memref<20000x64xf32, #tpu.memory_space<hbm>>
      tpu.wait_indirect_dma semaphore(%arg19 : memref<!tpu.dma_semaphore, #tpu.memory_space<semaphore_mem>>) src(%dma_wait3A_133 : memref<20000x64xf32, #tpu.memory_space<hbm>>) dst(%arg13 : memref<80x64xf32, #tpu.memory_space<vmem>>)
      "tpu.region"() ({
        %run_scoped3A = tpu.sem_alloc : memref<!tpu.dma_semaphore, #tpu.memory_space<semaphore_mem>>
        %dma_start3A_175 = arith.constant 0 : i32
        %dma_start3A_176 = tpu.memref_slice %arg10[%add3A_127, %dma_start3A_175] : memref<125x80xi32, #tpu.memory_space<vmem>> -> memref<1x80xi32, #tpu.memory_space<vmem>>
        %dma_start3A_177 = tpu.memref_squeeze %dma_start3A_176 : memref<1x80xi32, #tpu.memory_space<vmem>> -> memref<80xi32, #tpu.memory_space<vmem>>
        %dma_start3A_178 = arith.constant 0 : i32
        %dma_start3A_179 = arith.constant 0 : i32
        %dma_start3A_180 = tpu.memref_slice %arg16[%dma_start3A_178, %dma_start3A_179] : memref<10240x64xf32, #tpu.memory_space<vmem_shared>> -> memref<10240x64xf32, #tpu.memory_space<vmem_shared>>
        tpu.enqueue_indirect_dma source(%arg13 : memref<80x64xf32, #tpu.memory_space<vmem>>) target(%dma_start3A_180 : memref<10240x64xf32, #tpu.memory_space<vmem_shared>>) offsets(%dma_start3A_177 : memref<80xi32, #tpu.memory_space<vmem>>) semaphore(%run_scoped3A : memref<!tpu.dma_semaphore, #tpu.memory_space<semaphore_mem>>) {add = true}
        %dma_wait3A_181 = arith.constant 0 : i32
        %dma_wait3A_182 = tpu.memref_slice %arg10[%add3A_127, %dma_wait3A_181] : memref<125x80xi32, #tpu.memory_space<vmem>> -> memref<1x80xi32, #tpu.memory_space<vmem>>
        %dma_wait3A_183 = tpu.memref_squeeze %dma_wait3A_182 : memref<1x80xi32, #tpu.memory_space<vmem>> -> memref<80xi32, #tpu.memory_space<vmem>>
        %dma_wait3A_184 = arith.constant 0 : i32
        %dma_wait3A_185 = arith.constant 0 : i32
        %dma_wait3A_186 = tpu.memref_slice %arg16[%dma_wait3A_184, %dma_wait3A_185] : memref<10240x64xf32, #tpu.memory_space<vmem_shared>> -> memref<10240x64xf32, #tpu.memory_space<vmem_shared>>
        tpu.wait_indirect_dma semaphore(%run_scoped3A : memref<!tpu.dma_semaphore, #tpu.memory_space<semaphore_mem>>) src(%arg13 : memref<80x64xf32, #tpu.memory_space<vmem>>) dst(%dma_wait3A_186 : memref<10240x64xf32, #tpu.memory_space<vmem_shared>>)
        tpu.yield
      }) : () -> ()
      %add3A_134 = arith.constant 5 : i32
      %add3A_135 = arith.addi %add3A_127, %add3A_134 : i32
      %lt3A_136 = arith.constant 125 : i32
      %lt3A_137 = arith.cmpi slt, %add3A_135, %lt3A_136 : i32
      %convert_element_type3A_138 = arith.extui %lt3A_137 : i1 to i32
      %cond3A_139 = arith.constant 0 : i32
      %cond3A_140 = arith.cmpi ne, %convert_element_type3A_138, %cond3A_139 : i32
      scf.if %cond3A_140 {
        %add3A_175 = arith.constant 5 : i32
        %add3A_176 = arith.addi %add3A_127, %add3A_175 : i32
        %dma_start3A_177 = arith.constant 0 : i32
        %dma_start3A_178 = tpu.memref_slice %arg8[%add3A_176, %dma_start3A_177] : memref<125x80xi32, #tpu.memory_space<vmem>> -> memref<1x80xi32, #tpu.memory_space<vmem>>
        %dma_start3A_179 = tpu.memref_squeeze %dma_start3A_178 : memref<1x80xi32, #tpu.memory_space<vmem>> -> memref<80xi32, #tpu.memory_space<vmem>>
        %dma_start3A_180 = arith.constant 0 : i32
        %dma_start3A_181 = arith.constant 0 : i32
        %dma_start3A_182 = tpu.memref_slice %arg2[%dma_start3A_180, %dma_start3A_181] : memref<20000x64xf32, #tpu.memory_space<hbm>> -> memref<20000x64xf32, #tpu.memory_space<hbm>>
        tpu.enqueue_indirect_dma source(%dma_start3A_182 : memref<20000x64xf32, #tpu.memory_space<hbm>>) target(%arg13 : memref<80x64xf32, #tpu.memory_space<vmem>>) offsets(%dma_start3A_179 : memref<80xi32, #tpu.memory_space<vmem>>) semaphore(%arg19 : memref<!tpu.dma_semaphore, #tpu.memory_space<semaphore_mem>>)
      } else {
      }
      %mul3A_141 = arith.constant 5 : i32
      %mul3A_142 = arith.muli %mul3A_141, %scan3A_93 : i32
      %add3A_143 = arith.constant 3 : i32
      %add3A_144 = arith.addi %mul3A_142, %add3A_143 : i32
      %dma_wait3A_145 = arith.constant 0 : i32
      %dma_wait3A_146 = tpu.memref_slice %arg8[%add3A_144, %dma_wait3A_145] : memref<125x80xi32, #tpu.memory_space<vmem>> -> memref<1x80xi32, #tpu.memory_space<vmem>>
      %dma_wait3A_147 = tpu.memref_squeeze %dma_wait3A_146 : memref<1x80xi32, #tpu.memory_space<vmem>> -> memref<80xi32, #tpu.memory_space<vmem>>
      %dma_wait3A_148 = arith.constant 0 : i32
      %dma_wait3A_149 = arith.constant 0 : i32
      %dma_wait3A_150 = tpu.memref_slice %arg2[%dma_wait3A_148, %dma_wait3A_149] : memref<20000x64xf32, #tpu.memory_space<hbm>> -> memref<20000x64xf32, #tpu.memory_space<hbm>>
      tpu.wait_indirect_dma semaphore(%arg20 : memref<!tpu.dma_semaphore, #tpu.memory_space<semaphore_mem>>) src(%dma_wait3A_150 : memref<20000x64xf32, #tpu.memory_space<hbm>>) dst(%arg14 : memref<80x64xf32, #tpu.memory_space<vmem>>)
      "tpu.region"() ({
        %run_scoped3A = tpu.sem_alloc : memref<!tpu.dma_semaphore, #tpu.memory_space<semaphore_mem>>
        %dma_start3A_175 = arith.constant 0 : i32
        %dma_start3A_176 = tpu.memref_slice %arg10[%add3A_144, %dma_start3A_175] : memref<125x80xi32, #tpu.memory_space<vmem>> -> memref<1x80xi32, #tpu.memory_space<vmem>>
        %dma_start3A_177 = tpu.memref_squeeze %dma_start3A_176 : memref<1x80xi32, #tpu.memory_space<vmem>> -> memref<80xi32, #tpu.memory_space<vmem>>
        %dma_start3A_178 = arith.constant 0 : i32
        %dma_start3A_179 = arith.constant 0 : i32
        %dma_start3A_180 = tpu.memref_slice %arg16[%dma_start3A_178, %dma_start3A_179] : memref<10240x64xf32, #tpu.memory_space<vmem_shared>> -> memref<10240x64xf32, #tpu.memory_space<vmem_shared>>
        tpu.enqueue_indirect_dma source(%arg14 : memref<80x64xf32, #tpu.memory_space<vmem>>) target(%dma_start3A_180 : memref<10240x64xf32, #tpu.memory_space<vmem_shared>>) offsets(%dma_start3A_177 : memref<80xi32, #tpu.memory_space<vmem>>) semaphore(%run_scoped3A : memref<!tpu.dma_semaphore, #tpu.memory_space<semaphore_mem>>) {add = true}
        %dma_wait3A_181 = arith.constant 0 : i32
        %dma_wait3A_182 = tpu.memref_slice %arg10[%add3A_144, %dma_wait3A_181] : memref<125x80xi32, #tpu.memory_space<vmem>> -> memref<1x80xi32, #tpu.memory_space<vmem>>
        %dma_wait3A_183 = tpu.memref_squeeze %dma_wait3A_182 : memref<1x80xi32, #tpu.memory_space<vmem>> -> memref<80xi32, #tpu.memory_space<vmem>>
        %dma_wait3A_184 = arith.constant 0 : i32
        %dma_wait3A_185 = arith.constant 0 : i32
        %dma_wait3A_186 = tpu.memref_slice %arg16[%dma_wait3A_184, %dma_wait3A_185] : memref<10240x64xf32, #tpu.memory_space<vmem_shared>> -> memref<10240x64xf32, #tpu.memory_space<vmem_shared>>
        tpu.wait_indirect_dma semaphore(%run_scoped3A : memref<!tpu.dma_semaphore, #tpu.memory_space<semaphore_mem>>) src(%arg14 : memref<80x64xf32, #tpu.memory_space<vmem>>) dst(%dma_wait3A_186 : memref<10240x64xf32, #tpu.memory_space<vmem_shared>>)
        tpu.yield
      }) : () -> ()
      %add3A_151 = arith.constant 5 : i32
      %add3A_152 = arith.addi %add3A_144, %add3A_151 : i32
      %lt3A_153 = arith.constant 125 : i32
      %lt3A_154 = arith.cmpi slt, %add3A_152, %lt3A_153 : i32
      %convert_element_type3A_155 = arith.extui %lt3A_154 : i1 to i32
      %cond3A_156 = arith.constant 0 : i32
      %cond3A_157 = arith.cmpi ne, %convert_element_type3A_155, %cond3A_156 : i32
      scf.if %cond3A_157 {
        %add3A_175 = arith.constant 5 : i32
        %add3A_176 = arith.addi %add3A_144, %add3A_175 : i32
        %dma_start3A_177 = arith.constant 0 : i32
        %dma_start3A_178 = tpu.memref_slice %arg8[%add3A_176, %dma_start3A_177] : memref<125x80xi32, #tpu.memory_space<vmem>> -> memref<1x80xi32, #tpu.memory_space<vmem>>
        %dma_start3A_179 = tpu.memref_squeeze %dma_start3A_178 : memref<1x80xi32, #tpu.memory_space<vmem>> -> memref<80xi32, #tpu.memory_space<vmem>>
        %dma_start3A_180 = arith.constant 0 : i32
        %dma_start3A_181 = arith.constant 0 : i32
        %dma_start3A_182 = tpu.memref_slice %arg2[%dma_start3A_180, %dma_start3A_181] : memref<20000x64xf32, #tpu.memory_space<hbm>> -> memref<20000x64xf32, #tpu.memory_space<hbm>>
        tpu.enqueue_indirect_dma source(%dma_start3A_182 : memref<20000x64xf32, #tpu.memory_space<hbm>>) target(%arg14 : memref<80x64xf32, #tpu.memory_space<vmem>>) offsets(%dma_start3A_179 : memref<80xi32, #tpu.memory_space<vmem>>) semaphore(%arg20 : memref<!tpu.dma_semaphore, #tpu.memory_space<semaphore_mem>>)
      } else {
      }
      %mul3A_158 = arith.constant 5 : i32
      %mul3A_159 = arith.muli %mul3A_158, %scan3A_93 : i32
      %add3A_160 = arith.constant 4 : i32
      %add3A_161 = arith.addi %mul3A_159, %add3A_160 : i32
      %dma_wait3A_162 = arith.constant 0 : i32
      %dma_wait3A_163 = tpu.memref_slice %arg8[%add3A_161, %dma_wait3A_162] : memref<125x80xi32, #tpu.memory_space<vmem>> -> memref<1x80xi32, #tpu.memory_space<vmem>>
      %dma_wait3A_164 = tpu.memref_squeeze %dma_wait3A_163 : memref<1x80xi32, #tpu.memory_space<vmem>> -> memref<80xi32, #tpu.memory_space<vmem>>
      %dma_wait3A_165 = arith.constant 0 : i32
      %dma_wait3A_166 = arith.constant 0 : i32
      %dma_wait3A_167 = tpu.memref_slice %arg2[%dma_wait3A_165, %dma_wait3A_166] : memref<20000x64xf32, #tpu.memory_space<hbm>> -> memref<20000x64xf32, #tpu.memory_space<hbm>>
      tpu.wait_indirect_dma semaphore(%arg21 : memref<!tpu.dma_semaphore, #tpu.memory_space<semaphore_mem>>) src(%dma_wait3A_167 : memref<20000x64xf32, #tpu.memory_space<hbm>>) dst(%arg15 : memref<80x64xf32, #tpu.memory_space<vmem>>)
      "tpu.region"() ({
        %run_scoped3A = tpu.sem_alloc : memref<!tpu.dma_semaphore, #tpu.memory_space<semaphore_mem>>
        %dma_start3A_175 = arith.constant 0 : i32
        %dma_start3A_176 = tpu.memref_slice %arg10[%add3A_161, %dma_start3A_175] : memref<125x80xi32, #tpu.memory_space<vmem>> -> memref<1x80xi32, #tpu.memory_space<vmem>>
        %dma_start3A_177 = tpu.memref_squeeze %dma_start3A_176 : memref<1x80xi32, #tpu.memory_space<vmem>> -> memref<80xi32, #tpu.memory_space<vmem>>
        %dma_start3A_178 = arith.constant 0 : i32
        %dma_start3A_179 = arith.constant 0 : i32
        %dma_start3A_180 = tpu.memref_slice %arg16[%dma_start3A_178, %dma_start3A_179] : memref<10240x64xf32, #tpu.memory_space<vmem_shared>> -> memref<10240x64xf32, #tpu.memory_space<vmem_shared>>
        tpu.enqueue_indirect_dma source(%arg15 : memref<80x64xf32, #tpu.memory_space<vmem>>) target(%dma_start3A_180 : memref<10240x64xf32, #tpu.memory_space<vmem_shared>>) offsets(%dma_start3A_177 : memref<80xi32, #tpu.memory_space<vmem>>) semaphore(%run_scoped3A : memref<!tpu.dma_semaphore, #tpu.memory_space<semaphore_mem>>) {add = true}
        %dma_wait3A_181 = arith.constant 0 : i32
        %dma_wait3A_182 = tpu.memref_slice %arg10[%add3A_161, %dma_wait3A_181] : memref<125x80xi32, #tpu.memory_space<vmem>> -> memref<1x80xi32, #tpu.memory_space<vmem>>
        %dma_wait3A_183 = tpu.memref_squeeze %dma_wait3A_182 : memref<1x80xi32, #tpu.memory_space<vmem>> -> memref<80xi32, #tpu.memory_space<vmem>>
        %dma_wait3A_184 = arith.constant 0 : i32
        %dma_wait3A_185 = arith.constant 0 : i32
        %dma_wait3A_186 = tpu.memref_slice %arg16[%dma_wait3A_184, %dma_wait3A_185] : memref<10240x64xf32, #tpu.memory_space<vmem_shared>> -> memref<10240x64xf32, #tpu.memory_space<vmem_shared>>
        tpu.wait_indirect_dma semaphore(%run_scoped3A : memref<!tpu.dma_semaphore, #tpu.memory_space<semaphore_mem>>) src(%arg15 : memref<80x64xf32, #tpu.memory_space<vmem>>) dst(%dma_wait3A_186 : memref<10240x64xf32, #tpu.memory_space<vmem_shared>>)
        tpu.yield
      }) : () -> ()
      %add3A_168 = arith.constant 5 : i32
      %add3A_169 = arith.addi %add3A_161, %add3A_168 : i32
      %lt3A_170 = arith.constant 125 : i32
      %lt3A_171 = arith.cmpi slt, %add3A_169, %lt3A_170 : i32
      %convert_element_type3A_172 = arith.extui %lt3A_171 : i1 to i32
      %cond3A_173 = arith.constant 0 : i32
      %cond3A_174 = arith.cmpi ne, %convert_element_type3A_172, %cond3A_173 : i32
      scf.if %cond3A_174 {
        %add3A_175 = arith.constant 5 : i32
        %add3A_176 = arith.addi %add3A_161, %add3A_175 : i32
        %dma_start3A_177 = arith.constant 0 : i32
        %dma_start3A_178 = tpu.memref_slice %arg8[%add3A_176, %dma_start3A_177] : memref<125x80xi32, #tpu.memory_space<vmem>> -> memref<1x80xi32, #tpu.memory_space<vmem>>
        %dma_start3A_179 = tpu.memref_squeeze %dma_start3A_178 : memref<1x80xi32, #tpu.memory_space<vmem>> -> memref<80xi32, #tpu.memory_space<vmem>>
        %dma_start3A_180 = arith.constant 0 : i32
        %dma_start3A_181 = arith.constant 0 : i32
        %dma_start3A_182 = tpu.memref_slice %arg2[%dma_start3A_180, %dma_start3A_181] : memref<20000x64xf32, #tpu.memory_space<hbm>> -> memref<20000x64xf32, #tpu.memory_space<hbm>>
        tpu.enqueue_indirect_dma source(%dma_start3A_182 : memref<20000x64xf32, #tpu.memory_space<hbm>>) target(%arg15 : memref<80x64xf32, #tpu.memory_space<vmem>>) offsets(%dma_start3A_179 : memref<80xi32, #tpu.memory_space<vmem>>) semaphore(%arg21 : memref<!tpu.dma_semaphore, #tpu.memory_space<semaphore_mem>>)
      } else {
      }
    }
    %scan3A_47 = arith.constant 25 : i32
    %barrier3A_48 = arith.constant 0 : index
    tpu.barrier barrier_id(%barrier3A_48)
    "tpu.region"() ({
      %run_scoped3A = tpu.sem_alloc : memref<!tpu.dma_semaphore, #tpu.memory_space<semaphore_mem>>
      %dma_start3A_93 = arith.constant 0 : i32
      %dma_start3A_94 = arith.constant 0 : i32
      %dma_start3A_95 = tpu.memref_slice %arg6[%arg0, %dma_start3A_93, %dma_start3A_94] : memref<2x10240x128xf32, #tpu.memory_space<hbm>> -> memref<1x10240x128xf32, #tpu.memory_space<hbm>>
      %dma_start3A_96 = tpu.memref_squeeze %dma_start3A_95 : memref<1x10240x128xf32, #tpu.memory_space<hbm>> -> memref<10240x128xf32, #tpu.memory_space<hbm>>
      %dma_start3A_97 = arith.constant 0 : i32
      %dma_start3A_98 = tpu.memref_slice %dma_start3A_96[%mul3A_2, %dma_start3A_97] : memref<10240x128xf32, #tpu.memory_space<hbm>> -> memref<640x128xf32, #tpu.memory_space<hbm>>
      %dma_start3A_99 = arith.constant 0 : i32
      %dma_start3A_100 = arith.constant 0 : i32
      %dma_start3A_101 = tpu.memref_slice %dma_start3A_98[%dma_start3A_99, %dma_start3A_100] : memref<640x128xf32, #tpu.memory_space<hbm>> -> memref<640x64xf32, #tpu.memory_space<hbm>>
      %dma_start3A_102 = arith.constant 0 : i32
      %dma_start3A_103 = tpu.memref_slice %arg16[%mul3A_2, %dma_start3A_102] : memref<10240x64xf32, #tpu.memory_space<vmem_shared>> -> memref<640x64xf32, #tpu.memory_space<vmem_shared>>
      tpu.enqueue_dma source(%dma_start3A_103 : memref<640x64xf32, #tpu.memory_space<vmem_shared>>) target(%dma_start3A_101 : memref<640x64xf32, #tpu.memory_space<hbm>>) target_semaphore(%run_scoped3A : memref<!tpu.dma_semaphore, #tpu.memory_space<semaphore_mem>>)
      %dma_wait3A = arith.constant 0 : i32
      %dma_wait3A_104 = arith.constant 0 : i32
      %dma_wait3A_105 = tpu.memref_slice %arg6[%arg0, %dma_wait3A, %dma_wait3A_104] : memref<2x10240x128xf32, #tpu.memory_space<hbm>> -> memref<1x10240x128xf32, #tpu.memory_space<hbm>>
      %dma_wait3A_106 = tpu.memref_squeeze %dma_wait3A_105 : memref<1x10240x128xf32, #tpu.memory_space<hbm>> -> memref<10240x128xf32, #tpu.memory_space<hbm>>
      %dma_wait3A_107 = arith.constant 0 : i32
      %dma_wait3A_108 = tpu.memref_slice %dma_wait3A_106[%mul3A_2, %dma_wait3A_107] : memref<10240x128xf32, #tpu.memory_space<hbm>> -> memref<640x128xf32, #tpu.memory_space<hbm>>
      %dma_wait3A_109 = arith.constant 0 : i32
      %dma_wait3A_110 = arith.constant 0 : i32
      %dma_wait3A_111 = tpu.memref_slice %dma_wait3A_108[%dma_wait3A_109, %dma_wait3A_110] : memref<640x128xf32, #tpu.memory_space<hbm>> -> memref<640x64xf32, #tpu.memory_space<hbm>>
      %dma_wait3A_112 = arith.constant 0 : i32
      %dma_wait3A_113 = tpu.memref_slice %arg16[%mul3A_2, %dma_wait3A_112] : memref<10240x64xf32, #tpu.memory_space<vmem_shared>> -> memref<640x64xf32, #tpu.memory_space<vmem_shared>>
      tpu.wait_dma2 semaphore(%run_scoped3A : memref<!tpu.dma_semaphore, #tpu.memory_space<semaphore_mem>>) src(%dma_wait3A_113 : memref<640x64xf32, #tpu.memory_space<vmem_shared>>) dst(%dma_wait3A_111 : memref<640x64xf32, #tpu.memory_space<hbm>>)
      tpu.yield
    }) : () -> ()
    %barrier3A_49 = arith.constant 0 : index
    tpu.barrier barrier_id(%barrier3A_49)
    %dma_start3A_50 = arith.constant 0 : i32
    %dma_start3A_51 = arith.constant 0 : i32
    %dma_start3A_52 = tpu.memref_slice %arg9[%dma_start3A_50, %dma_start3A_51] : memref<125x80xi32, #tpu.memory_space<vmem>> -> memref<1x80xi32, #tpu.memory_space<vmem>>
    %dma_start3A_53 = tpu.memref_squeeze %dma_start3A_52 : memref<1x80xi32, #tpu.memory_space<vmem>> -> memref<80xi32, #tpu.memory_space<vmem>>
    %dma_start3A_54 = arith.constant 0 : i32
    %dma_start3A_55 = arith.constant 0 : i32
    %dma_start3A_56 = tpu.memref_slice %arg2[%dma_start3A_54, %dma_start3A_55] : memref<20000x64xf32, #tpu.memory_space<hbm>> -> memref<20000x64xf32, #tpu.memory_space<hbm>>
    tpu.enqueue_indirect_dma source(%dma_start3A_56 : memref<20000x64xf32, #tpu.memory_space<hbm>>) target(%arg11 : memref<80x64xf32, #tpu.memory_space<vmem>>) offsets(%dma_start3A_53 : memref<80xi32, #tpu.memory_space<vmem>>) semaphore(%arg17 : memref<!tpu.dma_semaphore, #tpu.memory_space<semaphore_mem>>)
    %dma_start3A_57 = arith.constant 1 : i32
    %dma_start3A_58 = arith.constant 0 : i32
    %dma_start3A_59 = tpu.memref_slice %arg9[%dma_start3A_57, %dma_start3A_58] : memref<125x80xi32, #tpu.memory_space<vmem>> -> memref<1x80xi32, #tpu.memory_space<vmem>>
    %dma_start3A_60 = tpu.memref_squeeze %dma_start3A_59 : memref<1x80xi32, #tpu.memory_space<vmem>> -> memref<80xi32, #tpu.memory_space<vmem>>
    %dma_start3A_61 = arith.constant 0 : i32
    %dma_start3A_62 = arith.constant 0 : i32
    %dma_start3A_63 = tpu.memref_slice %arg2[%dma_start3A_61, %dma_start3A_62] : memref<20000x64xf32, #tpu.memory_space<hbm>> -> memref<20000x64xf32, #tpu.memory_space<hbm>>
    tpu.enqueue_indirect_dma source(%dma_start3A_63 : memref<20000x64xf32, #tpu.memory_space<hbm>>) target(%arg12 : memref<80x64xf32, #tpu.memory_space<vmem>>) offsets(%dma_start3A_60 : memref<80xi32, #tpu.memory_space<vmem>>) semaphore(%arg18 : memref<!tpu.dma_semaphore, #tpu.memory_space<semaphore_mem>>)
    %dma_start3A_64 = arith.constant 2 : i32
    %dma_start3A_65 = arith.constant 0 : i32
    %dma_start3A_66 = tpu.memref_slice %arg9[%dma_start3A_64, %dma_start3A_65] : memref<125x80xi32, #tpu.memory_space<vmem>> -> memref<1x80xi32, #tpu.memory_space<vmem>>
    %dma_start3A_67 = tpu.memref_squeeze %dma_start3A_66 : memref<1x80xi32, #tpu.memory_space<vmem>> -> memref<80xi32, #tpu.memory_space<vmem>>
    %dma_start3A_68 = arith.constant 0 : i32
    %dma_start3A_69 = arith.constant 0 : i32
    %dma_start3A_70 = tpu.memref_slice %arg2[%dma_start3A_68, %dma_start3A_69] : memref<20000x64xf32, #tpu.memory_space<hbm>> -> memref<20000x64xf32, #tpu.memory_space<hbm>>
    tpu.enqueue_indirect_dma source(%dma_start3A_70 : memref<20000x64xf32, #tpu.memory_space<hbm>>) target(%arg13 : memref<80x64xf32, #tpu.memory_space<vmem>>) offsets(%dma_start3A_67 : memref<80xi32, #tpu.memory_space<vmem>>) semaphore(%arg19 : memref<!tpu.dma_semaphore, #tpu.memory_space<semaphore_mem>>)
    %dma_start3A_71 = arith.constant 3 : i32
    %dma_start3A_72 = arith.constant 0 : i32
    %dma_start3A_73 = tpu.memref_slice %arg9[%dma_start3A_71, %dma_start3A_72] : memref<125x80xi32, #tpu.memory_space<vmem>> -> memref<1x80xi32, #tpu.memory_space<vmem>>
    %dma_start3A_74 = tpu.memref_squeeze %dma_start3A_73 : memref<1x80xi32, #tpu.memory_space<vmem>> -> memref<80xi32, #tpu.memory_space<vmem>>
    %dma_start3A_75 = arith.constant 0 : i32
    %dma_start3A_76 = arith.constant 0 : i32
    %dma_start3A_77 = tpu.memref_slice %arg2[%dma_start3A_75, %dma_start3A_76] : memref<20000x64xf32, #tpu.memory_space<hbm>> -> memref<20000x64xf32, #tpu.memory_space<hbm>>
    tpu.enqueue_indirect_dma source(%dma_start3A_77 : memref<20000x64xf32, #tpu.memory_space<hbm>>) target(%arg14 : memref<80x64xf32, #tpu.memory_space<vmem>>) offsets(%dma_start3A_74 : memref<80xi32, #tpu.memory_space<vmem>>) semaphore(%arg20 : memref<!tpu.dma_semaphore, #tpu.memory_space<semaphore_mem>>)
    %dma_start3A_78 = arith.constant 4 : i32
    %dma_start3A_79 = arith.constant 0 : i32
    %dma_start3A_80 = tpu.memref_slice %arg9[%dma_start3A_78, %dma_start3A_79] : memref<125x80xi32, #tpu.memory_space<vmem>> -> memref<1x80xi32, #tpu.memory_space<vmem>>
    %dma_start3A_81 = tpu.memref_squeeze %dma_start3A_80 : memref<1x80xi32, #tpu.memory_space<vmem>> -> memref<80xi32, #tpu.memory_space<vmem>>
    %dma_start3A_82 = arith.constant 0 : i32
    %dma_start3A_83 = arith.constant 0 : i32
    %dma_start3A_84 = tpu.memref_slice %arg2[%dma_start3A_82, %dma_start3A_83] : memref<20000x64xf32, #tpu.memory_space<hbm>> -> memref<20000x64xf32, #tpu.memory_space<hbm>>
    tpu.enqueue_indirect_dma source(%dma_start3A_84 : memref<20000x64xf32, #tpu.memory_space<hbm>>) target(%arg15 : memref<80x64xf32, #tpu.memory_space<vmem>>) offsets(%dma_start3A_81 : memref<80xi32, #tpu.memory_space<vmem>>) semaphore(%arg21 : memref<!tpu.dma_semaphore, #tpu.memory_space<semaphore_mem>>)
    "tpu.region"() ({
      %run_scoped3A = tpu.sem_alloc : memref<!tpu.dma_semaphore, #tpu.memory_space<semaphore_mem>>
      %dma_start3A_93 = arith.constant 0 : i32
      %dma_start3A_94 = tpu.memref_slice %arg16[%mul3A_2, %dma_start3A_93] : memref<10240x64xf32, #tpu.memory_space<vmem_shared>> -> memref<640x64xf32, #tpu.memory_space<vmem_shared>>
      tpu.enqueue_dma source(%arg5 : memref<640x64xf32, #tpu.memory_space<hbm>>) target(%dma_start3A_94 : memref<640x64xf32, #tpu.memory_space<vmem_shared>>) target_semaphore(%run_scoped3A : memref<!tpu.dma_semaphore, #tpu.memory_space<semaphore_mem>>)
      %dma_wait3A = arith.constant 0 : i32
      %dma_wait3A_95 = tpu.memref_slice %arg16[%mul3A_2, %dma_wait3A] : memref<10240x64xf32, #tpu.memory_space<vmem_shared>> -> memref<640x64xf32, #tpu.memory_space<vmem_shared>>
      tpu.wait_dma2 semaphore(%run_scoped3A : memref<!tpu.dma_semaphore, #tpu.memory_space<semaphore_mem>>) src(%arg5 : memref<640x64xf32, #tpu.memory_space<hbm>>) dst(%dma_wait3A_95 : memref<640x64xf32, #tpu.memory_space<vmem_shared>>)
      tpu.yield
    }) : () -> ()
    %barrier3A_85 = arith.constant 0 : index
    tpu.barrier barrier_id(%barrier3A_85)
    %scan3A_86 = arith.constant 0 : i32
    %scan3A_87 = arith.constant 0 : i32
    %scan3A_88 = arith.constant 25 : i32
    %scan3A_89 = arith.addi %scan3A_87, %scan3A_88 : i32
    %scan3A_90 = arith.constant 1 : i32
    scf.for %scan3A_93 = %scan3A_87 to %scan3A_89 step %scan3A_90  : i32 {
      %mul3A_94 = arith.constant 5 : i32
      %mul3A_95 = arith.muli %mul3A_94, %scan3A_93 : i32
      %add3A_96 = arith.constant 0 : i32
      %add3A_97 = arith.addi %mul3A_95, %add3A_96 : i32
      %dma_wait3A = arith.constant 0 : i32
      %dma_wait3A_98 = tpu.memref_slice %arg9[%add3A_97, %dma_wait3A] : memref<125x80xi32, #tpu.memory_space<vmem>> -> memref<1x80xi32, #tpu.memory_space<vmem>>
      %dma_wait3A_99 = tpu.memref_squeeze %dma_wait3A_98 : memref<1x80xi32, #tpu.memory_space<vmem>> -> memref<80xi32, #tpu.memory_space<vmem>>
      %dma_wait3A_100 = arith.constant 0 : i32
      %dma_wait3A_101 = arith.constant 0 : i32
      %dma_wait3A_102 = tpu.memref_slice %arg2[%dma_wait3A_100, %dma_wait3A_101] : memref<20000x64xf32, #tpu.memory_space<hbm>> -> memref<20000x64xf32, #tpu.memory_space<hbm>>
      tpu.wait_indirect_dma semaphore(%arg17 : memref<!tpu.dma_semaphore, #tpu.memory_space<semaphore_mem>>) src(%dma_wait3A_102 : memref<20000x64xf32, #tpu.memory_space<hbm>>) dst(%arg11 : memref<80x64xf32, #tpu.memory_space<vmem>>)
      "tpu.region"() ({
        %run_scoped3A = tpu.sem_alloc : memref<!tpu.dma_semaphore, #tpu.memory_space<semaphore_mem>>
        %dma_start3A_175 = arith.constant 0 : i32
        %dma_start3A_176 = tpu.memref_slice %arg10[%add3A_97, %dma_start3A_175] : memref<125x80xi32, #tpu.memory_space<vmem>> -> memref<1x80xi32, #tpu.memory_space<vmem>>
        %dma_start3A_177 = tpu.memref_squeeze %dma_start3A_176 : memref<1x80xi32, #tpu.memory_space<vmem>> -> memref<80xi32, #tpu.memory_space<vmem>>
        %dma_start3A_178 = arith.constant 0 : i32
        %dma_start3A_179 = arith.constant 0 : i32
        %dma_start3A_180 = tpu.memref_slice %arg16[%dma_start3A_178, %dma_start3A_179] : memref<10240x64xf32, #tpu.memory_space<vmem_shared>> -> memref<10240x64xf32, #tpu.memory_space<vmem_shared>>
        tpu.enqueue_indirect_dma source(%arg11 : memref<80x64xf32, #tpu.memory_space<vmem>>) target(%dma_start3A_180 : memref<10240x64xf32, #tpu.memory_space<vmem_shared>>) offsets(%dma_start3A_177 : memref<80xi32, #tpu.memory_space<vmem>>) semaphore(%run_scoped3A : memref<!tpu.dma_semaphore, #tpu.memory_space<semaphore_mem>>) {add = true}
        %dma_wait3A_181 = arith.constant 0 : i32
        %dma_wait3A_182 = tpu.memref_slice %arg10[%add3A_97, %dma_wait3A_181] : memref<125x80xi32, #tpu.memory_space<vmem>> -> memref<1x80xi32, #tpu.memory_space<vmem>>
        %dma_wait3A_183 = tpu.memref_squeeze %dma_wait3A_182 : memref<1x80xi32, #tpu.memory_space<vmem>> -> memref<80xi32, #tpu.memory_space<vmem>>
        %dma_wait3A_184 = arith.constant 0 : i32
        %dma_wait3A_185 = arith.constant 0 : i32
        %dma_wait3A_186 = tpu.memref_slice %arg16[%dma_wait3A_184, %dma_wait3A_185] : memref<10240x64xf32, #tpu.memory_space<vmem_shared>> -> memref<10240x64xf32, #tpu.memory_space<vmem_shared>>
        tpu.wait_indirect_dma semaphore(%run_scoped3A : memref<!tpu.dma_semaphore, #tpu.memory_space<semaphore_mem>>) src(%arg11 : memref<80x64xf32, #tpu.memory_space<vmem>>) dst(%dma_wait3A_186 : memref<10240x64xf32, #tpu.memory_space<vmem_shared>>)
        tpu.yield
      }) : () -> ()
      %add3A_103 = arith.constant 5 : i32
      %add3A_104 = arith.addi %add3A_97, %add3A_103 : i32
      %lt3A = arith.constant 125 : i32
      %lt3A_105 = arith.cmpi slt, %add3A_104, %lt3A : i32
      %convert_element_type3A = arith.extui %lt3A_105 : i1 to i32
      %cond3A = arith.constant 0 : i32
      %cond3A_106 = arith.cmpi ne, %convert_element_type3A, %cond3A : i32
      scf.if %cond3A_106 {
        %add3A_175 = arith.constant 5 : i32
        %add3A_176 = arith.addi %add3A_97, %add3A_175 : i32
        %dma_start3A_177 = arith.constant 0 : i32
        %dma_start3A_178 = tpu.memref_slice %arg9[%add3A_176, %dma_start3A_177] : memref<125x80xi32, #tpu.memory_space<vmem>> -> memref<1x80xi32, #tpu.memory_space<vmem>>
        %dma_start3A_179 = tpu.memref_squeeze %dma_start3A_178 : memref<1x80xi32, #tpu.memory_space<vmem>> -> memref<80xi32, #tpu.memory_space<vmem>>
        %dma_start3A_180 = arith.constant 0 : i32
        %dma_start3A_181 = arith.constant 0 : i32
        %dma_start3A_182 = tpu.memref_slice %arg2[%dma_start3A_180, %dma_start3A_181] : memref<20000x64xf32, #tpu.memory_space<hbm>> -> memref<20000x64xf32, #tpu.memory_space<hbm>>
        tpu.enqueue_indirect_dma source(%dma_start3A_182 : memref<20000x64xf32, #tpu.memory_space<hbm>>) target(%arg11 : memref<80x64xf32, #tpu.memory_space<vmem>>) offsets(%dma_start3A_179 : memref<80xi32, #tpu.memory_space<vmem>>) semaphore(%arg17 : memref<!tpu.dma_semaphore, #tpu.memory_space<semaphore_mem>>)
      } else {
      }
      %mul3A_107 = arith.constant 5 : i32
      %mul3A_108 = arith.muli %mul3A_107, %scan3A_93 : i32
      %add3A_109 = arith.constant 1 : i32
      %add3A_110 = arith.addi %mul3A_108, %add3A_109 : i32
      %dma_wait3A_111 = arith.constant 0 : i32
      %dma_wait3A_112 = tpu.memref_slice %arg9[%add3A_110, %dma_wait3A_111] : memref<125x80xi32, #tpu.memory_space<vmem>> -> memref<1x80xi32, #tpu.memory_space<vmem>>
      %dma_wait3A_113 = tpu.memref_squeeze %dma_wait3A_112 : memref<1x80xi32, #tpu.memory_space<vmem>> -> memref<80xi32, #tpu.memory_space<vmem>>
      %dma_wait3A_114 = arith.constant 0 : i32
      %dma_wait3A_115 = arith.constant 0 : i32
      %dma_wait3A_116 = tpu.memref_slice %arg2[%dma_wait3A_114, %dma_wait3A_115] : memref<20000x64xf32, #tpu.memory_space<hbm>> -> memref<20000x64xf32, #tpu.memory_space<hbm>>
      tpu.wait_indirect_dma semaphore(%arg18 : memref<!tpu.dma_semaphore, #tpu.memory_space<semaphore_mem>>) src(%dma_wait3A_116 : memref<20000x64xf32, #tpu.memory_space<hbm>>) dst(%arg12 : memref<80x64xf32, #tpu.memory_space<vmem>>)
      "tpu.region"() ({
        %run_scoped3A = tpu.sem_alloc : memref<!tpu.dma_semaphore, #tpu.memory_space<semaphore_mem>>
        %dma_start3A_175 = arith.constant 0 : i32
        %dma_start3A_176 = tpu.memref_slice %arg10[%add3A_110, %dma_start3A_175] : memref<125x80xi32, #tpu.memory_space<vmem>> -> memref<1x80xi32, #tpu.memory_space<vmem>>
        %dma_start3A_177 = tpu.memref_squeeze %dma_start3A_176 : memref<1x80xi32, #tpu.memory_space<vmem>> -> memref<80xi32, #tpu.memory_space<vmem>>
        %dma_start3A_178 = arith.constant 0 : i32
        %dma_start3A_179 = arith.constant 0 : i32
        %dma_start3A_180 = tpu.memref_slice %arg16[%dma_start3A_178, %dma_start3A_179] : memref<10240x64xf32, #tpu.memory_space<vmem_shared>> -> memref<10240x64xf32, #tpu.memory_space<vmem_shared>>
        tpu.enqueue_indirect_dma source(%arg12 : memref<80x64xf32, #tpu.memory_space<vmem>>) target(%dma_start3A_180 : memref<10240x64xf32, #tpu.memory_space<vmem_shared>>) offsets(%dma_start3A_177 : memref<80xi32, #tpu.memory_space<vmem>>) semaphore(%run_scoped3A : memref<!tpu.dma_semaphore, #tpu.memory_space<semaphore_mem>>) {add = true}
        %dma_wait3A_181 = arith.constant 0 : i32
        %dma_wait3A_182 = tpu.memref_slice %arg10[%add3A_110, %dma_wait3A_181] : memref<125x80xi32, #tpu.memory_space<vmem>> -> memref<1x80xi32, #tpu.memory_space<vmem>>
        %dma_wait3A_183 = tpu.memref_squeeze %dma_wait3A_182 : memref<1x80xi32, #tpu.memory_space<vmem>> -> memref<80xi32, #tpu.memory_space<vmem>>
        %dma_wait3A_184 = arith.constant 0 : i32
        %dma_wait3A_185 = arith.constant 0 : i32
        %dma_wait3A_186 = tpu.memref_slice %arg16[%dma_wait3A_184, %dma_wait3A_185] : memref<10240x64xf32, #tpu.memory_space<vmem_shared>> -> memref<10240x64xf32, #tpu.memory_space<vmem_shared>>
        tpu.wait_indirect_dma semaphore(%run_scoped3A : memref<!tpu.dma_semaphore, #tpu.memory_space<semaphore_mem>>) src(%arg12 : memref<80x64xf32, #tpu.memory_space<vmem>>) dst(%dma_wait3A_186 : memref<10240x64xf32, #tpu.memory_space<vmem_shared>>)
        tpu.yield
      }) : () -> ()
      %add3A_117 = arith.constant 5 : i32
      %add3A_118 = arith.addi %add3A_110, %add3A_117 : i32
      %lt3A_119 = arith.constant 125 : i32
      %lt3A_120 = arith.cmpi slt, %add3A_118, %lt3A_119 : i32
      %convert_element_type3A_121 = arith.extui %lt3A_120 : i1 to i32
      %cond3A_122 = arith.constant 0 : i32
      %cond3A_123 = arith.cmpi ne, %convert_element_type3A_121, %cond3A_122 : i32
      scf.if %cond3A_123 {
        %add3A_175 = arith.constant 5 : i32
        %add3A_176 = arith.addi %add3A_110, %add3A_175 : i32
        %dma_start3A_177 = arith.constant 0 : i32
        %dma_start3A_178 = tpu.memref_slice %arg9[%add3A_176, %dma_start3A_177] : memref<125x80xi32, #tpu.memory_space<vmem>> -> memref<1x80xi32, #tpu.memory_space<vmem>>
        %dma_start3A_179 = tpu.memref_squeeze %dma_start3A_178 : memref<1x80xi32, #tpu.memory_space<vmem>> -> memref<80xi32, #tpu.memory_space<vmem>>
        %dma_start3A_180 = arith.constant 0 : i32
        %dma_start3A_181 = arith.constant 0 : i32
        %dma_start3A_182 = tpu.memref_slice %arg2[%dma_start3A_180, %dma_start3A_181] : memref<20000x64xf32, #tpu.memory_space<hbm>> -> memref<20000x64xf32, #tpu.memory_space<hbm>>
        tpu.enqueue_indirect_dma source(%dma_start3A_182 : memref<20000x64xf32, #tpu.memory_space<hbm>>) target(%arg12 : memref<80x64xf32, #tpu.memory_space<vmem>>) offsets(%dma_start3A_179 : memref<80xi32, #tpu.memory_space<vmem>>) semaphore(%arg18 : memref<!tpu.dma_semaphore, #tpu.memory_space<semaphore_mem>>)
      } else {
      }
      %mul3A_124 = arith.constant 5 : i32
      %mul3A_125 = arith.muli %mul3A_124, %scan3A_93 : i32
      %add3A_126 = arith.constant 2 : i32
      %add3A_127 = arith.addi %mul3A_125, %add3A_126 : i32
      %dma_wait3A_128 = arith.constant 0 : i32
      %dma_wait3A_129 = tpu.memref_slice %arg9[%add3A_127, %dma_wait3A_128] : memref<125x80xi32, #tpu.memory_space<vmem>> -> memref<1x80xi32, #tpu.memory_space<vmem>>
      %dma_wait3A_130 = tpu.memref_squeeze %dma_wait3A_129 : memref<1x80xi32, #tpu.memory_space<vmem>> -> memref<80xi32, #tpu.memory_space<vmem>>
      %dma_wait3A_131 = arith.constant 0 : i32
      %dma_wait3A_132 = arith.constant 0 : i32
      %dma_wait3A_133 = tpu.memref_slice %arg2[%dma_wait3A_131, %dma_wait3A_132] : memref<20000x64xf32, #tpu.memory_space<hbm>> -> memref<20000x64xf32, #tpu.memory_space<hbm>>
      tpu.wait_indirect_dma semaphore(%arg19 : memref<!tpu.dma_semaphore, #tpu.memory_space<semaphore_mem>>) src(%dma_wait3A_133 : memref<20000x64xf32, #tpu.memory_space<hbm>>) dst(%arg13 : memref<80x64xf32, #tpu.memory_space<vmem>>)
      "tpu.region"() ({
        %run_scoped3A = tpu.sem_alloc : memref<!tpu.dma_semaphore, #tpu.memory_space<semaphore_mem>>
        %dma_start3A_175 = arith.constant 0 : i32
        %dma_start3A_176 = tpu.memref_slice %arg10[%add3A_127, %dma_start3A_175] : memref<125x80xi32, #tpu.memory_space<vmem>> -> memref<1x80xi32, #tpu.memory_space<vmem>>
        %dma_start3A_177 = tpu.memref_squeeze %dma_start3A_176 : memref<1x80xi32, #tpu.memory_space<vmem>> -> memref<80xi32, #tpu.memory_space<vmem>>
        %dma_start3A_178 = arith.constant 0 : i32
        %dma_start3A_179 = arith.constant 0 : i32
        %dma_start3A_180 = tpu.memref_slice %arg16[%dma_start3A_178, %dma_start3A_179] : memref<10240x64xf32, #tpu.memory_space<vmem_shared>> -> memref<10240x64xf32, #tpu.memory_space<vmem_shared>>
        tpu.enqueue_indirect_dma source(%arg13 : memref<80x64xf32, #tpu.memory_space<vmem>>) target(%dma_start3A_180 : memref<10240x64xf32, #tpu.memory_space<vmem_shared>>) offsets(%dma_start3A_177 : memref<80xi32, #tpu.memory_space<vmem>>) semaphore(%run_scoped3A : memref<!tpu.dma_semaphore, #tpu.memory_space<semaphore_mem>>) {add = true}
        %dma_wait3A_181 = arith.constant 0 : i32
        %dma_wait3A_182 = tpu.memref_slice %arg10[%add3A_127, %dma_wait3A_181] : memref<125x80xi32, #tpu.memory_space<vmem>> -> memref<1x80xi32, #tpu.memory_space<vmem>>
        %dma_wait3A_183 = tpu.memref_squeeze %dma_wait3A_182 : memref<1x80xi32, #tpu.memory_space<vmem>> -> memref<80xi32, #tpu.memory_space<vmem>>
        %dma_wait3A_184 = arith.constant 0 : i32
        %dma_wait3A_185 = arith.constant 0 : i32
        %dma_wait3A_186 = tpu.memref_slice %arg16[%dma_wait3A_184, %dma_wait3A_185] : memref<10240x64xf32, #tpu.memory_space<vmem_shared>> -> memref<10240x64xf32, #tpu.memory_space<vmem_shared>>
        tpu.wait_indirect_dma semaphore(%run_scoped3A : memref<!tpu.dma_semaphore, #tpu.memory_space<semaphore_mem>>) src(%arg13 : memref<80x64xf32, #tpu.memory_space<vmem>>) dst(%dma_wait3A_186 : memref<10240x64xf32, #tpu.memory_space<vmem_shared>>)
        tpu.yield
      }) : () -> ()
      %add3A_134 = arith.constant 5 : i32
      %add3A_135 = arith.addi %add3A_127, %add3A_134 : i32
      %lt3A_136 = arith.constant 125 : i32
      %lt3A_137 = arith.cmpi slt, %add3A_135, %lt3A_136 : i32
      %convert_element_type3A_138 = arith.extui %lt3A_137 : i1 to i32
      %cond3A_139 = arith.constant 0 : i32
      %cond3A_140 = arith.cmpi ne, %convert_element_type3A_138, %cond3A_139 : i32
      scf.if %cond3A_140 {
        %add3A_175 = arith.constant 5 : i32
        %add3A_176 = arith.addi %add3A_127, %add3A_175 : i32
        %dma_start3A_177 = arith.constant 0 : i32
        %dma_start3A_178 = tpu.memref_slice %arg9[%add3A_176, %dma_start3A_177] : memref<125x80xi32, #tpu.memory_space<vmem>> -> memref<1x80xi32, #tpu.memory_space<vmem>>
        %dma_start3A_179 = tpu.memref_squeeze %dma_start3A_178 : memref<1x80xi32, #tpu.memory_space<vmem>> -> memref<80xi32, #tpu.memory_space<vmem>>
        %dma_start3A_180 = arith.constant 0 : i32
        %dma_start3A_181 = arith.constant 0 : i32
        %dma_start3A_182 = tpu.memref_slice %arg2[%dma_start3A_180, %dma_start3A_181] : memref<20000x64xf32, #tpu.memory_space<hbm>> -> memref<20000x64xf32, #tpu.memory_space<hbm>>
        tpu.enqueue_indirect_dma source(%dma_start3A_182 : memref<20000x64xf32, #tpu.memory_space<hbm>>) target(%arg13 : memref<80x64xf32, #tpu.memory_space<vmem>>) offsets(%dma_start3A_179 : memref<80xi32, #tpu.memory_space<vmem>>) semaphore(%arg19 : memref<!tpu.dma_semaphore, #tpu.memory_space<semaphore_mem>>)
      } else {
      }
      %mul3A_141 = arith.constant 5 : i32
      %mul3A_142 = arith.muli %mul3A_141, %scan3A_93 : i32
      %add3A_143 = arith.constant 3 : i32
      %add3A_144 = arith.addi %mul3A_142, %add3A_143 : i32
      %dma_wait3A_145 = arith.constant 0 : i32
      %dma_wait3A_146 = tpu.memref_slice %arg9[%add3A_144, %dma_wait3A_145] : memref<125x80xi32, #tpu.memory_space<vmem>> -> memref<1x80xi32, #tpu.memory_space<vmem>>
      %dma_wait3A_147 = tpu.memref_squeeze %dma_wait3A_146 : memref<1x80xi32, #tpu.memory_space<vmem>> -> memref<80xi32, #tpu.memory_space<vmem>>
      %dma_wait3A_148 = arith.constant 0 : i32
      %dma_wait3A_149 = arith.constant 0 : i32
      %dma_wait3A_150 = tpu.memref_slice %arg2[%dma_wait3A_148, %dma_wait3A_149] : memref<20000x64xf32, #tpu.memory_space<hbm>> -> memref<20000x64xf32, #tpu.memory_space<hbm>>
      tpu.wait_indirect_dma semaphore(%arg20 : memref<!tpu.dma_semaphore, #tpu.memory_space<semaphore_mem>>) src(%dma_wait3A_150 : memref<20000x64xf32, #tpu.memory_space<hbm>>) dst(%arg14 : memref<80x64xf32, #tpu.memory_space<vmem>>)
      "tpu.region"() ({
        %run_scoped3A = tpu.sem_alloc : memref<!tpu.dma_semaphore, #tpu.memory_space<semaphore_mem>>
        %dma_start3A_175 = arith.constant 0 : i32
        %dma_start3A_176 = tpu.memref_slice %arg10[%add3A_144, %dma_start3A_175] : memref<125x80xi32, #tpu.memory_space<vmem>> -> memref<1x80xi32, #tpu.memory_space<vmem>>
        %dma_start3A_177 = tpu.memref_squeeze %dma_start3A_176 : memref<1x80xi32, #tpu.memory_space<vmem>> -> memref<80xi32, #tpu.memory_space<vmem>>
        %dma_start3A_178 = arith.constant 0 : i32
        %dma_start3A_179 = arith.constant 0 : i32
        %dma_start3A_180 = tpu.memref_slice %arg16[%dma_start3A_178, %dma_start3A_179] : memref<10240x64xf32, #tpu.memory_space<vmem_shared>> -> memref<10240x64xf32, #tpu.memory_space<vmem_shared>>
        tpu.enqueue_indirect_dma source(%arg14 : memref<80x64xf32, #tpu.memory_space<vmem>>) target(%dma_start3A_180 : memref<10240x64xf32, #tpu.memory_space<vmem_shared>>) offsets(%dma_start3A_177 : memref<80xi32, #tpu.memory_space<vmem>>) semaphore(%run_scoped3A : memref<!tpu.dma_semaphore, #tpu.memory_space<semaphore_mem>>) {add = true}
        %dma_wait3A_181 = arith.constant 0 : i32
        %dma_wait3A_182 = tpu.memref_slice %arg10[%add3A_144, %dma_wait3A_181] : memref<125x80xi32, #tpu.memory_space<vmem>> -> memref<1x80xi32, #tpu.memory_space<vmem>>
        %dma_wait3A_183 = tpu.memref_squeeze %dma_wait3A_182 : memref<1x80xi32, #tpu.memory_space<vmem>> -> memref<80xi32, #tpu.memory_space<vmem>>
        %dma_wait3A_184 = arith.constant 0 : i32
        %dma_wait3A_185 = arith.constant 0 : i32
        %dma_wait3A_186 = tpu.memref_slice %arg16[%dma_wait3A_184, %dma_wait3A_185] : memref<10240x64xf32, #tpu.memory_space<vmem_shared>> -> memref<10240x64xf32, #tpu.memory_space<vmem_shared>>
        tpu.wait_indirect_dma semaphore(%run_scoped3A : memref<!tpu.dma_semaphore, #tpu.memory_space<semaphore_mem>>) src(%arg14 : memref<80x64xf32, #tpu.memory_space<vmem>>) dst(%dma_wait3A_186 : memref<10240x64xf32, #tpu.memory_space<vmem_shared>>)
        tpu.yield
      }) : () -> ()
      %add3A_151 = arith.constant 5 : i32
      %add3A_152 = arith.addi %add3A_144, %add3A_151 : i32
      %lt3A_153 = arith.constant 125 : i32
      %lt3A_154 = arith.cmpi slt, %add3A_152, %lt3A_153 : i32
      %convert_element_type3A_155 = arith.extui %lt3A_154 : i1 to i32
      %cond3A_156 = arith.constant 0 : i32
      %cond3A_157 = arith.cmpi ne, %convert_element_type3A_155, %cond3A_156 : i32
      scf.if %cond3A_157 {
        %add3A_175 = arith.constant 5 : i32
        %add3A_176 = arith.addi %add3A_144, %add3A_175 : i32
        %dma_start3A_177 = arith.constant 0 : i32
        %dma_start3A_178 = tpu.memref_slice %arg9[%add3A_176, %dma_start3A_177] : memref<125x80xi32, #tpu.memory_space<vmem>> -> memref<1x80xi32, #tpu.memory_space<vmem>>
        %dma_start3A_179 = tpu.memref_squeeze %dma_start3A_178 : memref<1x80xi32, #tpu.memory_space<vmem>> -> memref<80xi32, #tpu.memory_space<vmem>>
        %dma_start3A_180 = arith.constant 0 : i32
        %dma_start3A_181 = arith.constant 0 : i32
        %dma_start3A_182 = tpu.memref_slice %arg2[%dma_start3A_180, %dma_start3A_181] : memref<20000x64xf32, #tpu.memory_space<hbm>> -> memref<20000x64xf32, #tpu.memory_space<hbm>>
        tpu.enqueue_indirect_dma source(%dma_start3A_182 : memref<20000x64xf32, #tpu.memory_space<hbm>>) target(%arg14 : memref<80x64xf32, #tpu.memory_space<vmem>>) offsets(%dma_start3A_179 : memref<80xi32, #tpu.memory_space<vmem>>) semaphore(%arg20 : memref<!tpu.dma_semaphore, #tpu.memory_space<semaphore_mem>>)
      } else {
      }
      %mul3A_158 = arith.constant 5 : i32
      %mul3A_159 = arith.muli %mul3A_158, %scan3A_93 : i32
      %add3A_160 = arith.constant 4 : i32
      %add3A_161 = arith.addi %mul3A_159, %add3A_160 : i32
      %dma_wait3A_162 = arith.constant 0 : i32
      %dma_wait3A_163 = tpu.memref_slice %arg9[%add3A_161, %dma_wait3A_162] : memref<125x80xi32, #tpu.memory_space<vmem>> -> memref<1x80xi32, #tpu.memory_space<vmem>>
      %dma_wait3A_164 = tpu.memref_squeeze %dma_wait3A_163 : memref<1x80xi32, #tpu.memory_space<vmem>> -> memref<80xi32, #tpu.memory_space<vmem>>
      %dma_wait3A_165 = arith.constant 0 : i32
      %dma_wait3A_166 = arith.constant 0 : i32
      %dma_wait3A_167 = tpu.memref_slice %arg2[%dma_wait3A_165, %dma_wait3A_166] : memref<20000x64xf32, #tpu.memory_space<hbm>> -> memref<20000x64xf32, #tpu.memory_space<hbm>>
      tpu.wait_indirect_dma semaphore(%arg21 : memref<!tpu.dma_semaphore, #tpu.memory_space<semaphore_mem>>) src(%dma_wait3A_167 : memref<20000x64xf32, #tpu.memory_space<hbm>>) dst(%arg15 : memref<80x64xf32, #tpu.memory_space<vmem>>)
      "tpu.region"() ({
        %run_scoped3A = tpu.sem_alloc : memref<!tpu.dma_semaphore, #tpu.memory_space<semaphore_mem>>
        %dma_start3A_175 = arith.constant 0 : i32
        %dma_start3A_176 = tpu.memref_slice %arg10[%add3A_161, %dma_start3A_175] : memref<125x80xi32, #tpu.memory_space<vmem>> -> memref<1x80xi32, #tpu.memory_space<vmem>>
        %dma_start3A_177 = tpu.memref_squeeze %dma_start3A_176 : memref<1x80xi32, #tpu.memory_space<vmem>> -> memref<80xi32, #tpu.memory_space<vmem>>
        %dma_start3A_178 = arith.constant 0 : i32
        %dma_start3A_179 = arith.constant 0 : i32
        %dma_start3A_180 = tpu.memref_slice %arg16[%dma_start3A_178, %dma_start3A_179] : memref<10240x64xf32, #tpu.memory_space<vmem_shared>> -> memref<10240x64xf32, #tpu.memory_space<vmem_shared>>
        tpu.enqueue_indirect_dma source(%arg15 : memref<80x64xf32, #tpu.memory_space<vmem>>) target(%dma_start3A_180 : memref<10240x64xf32, #tpu.memory_space<vmem_shared>>) offsets(%dma_start3A_177 : memref<80xi32, #tpu.memory_space<vmem>>) semaphore(%run_scoped3A : memref<!tpu.dma_semaphore, #tpu.memory_space<semaphore_mem>>) {add = true}
        %dma_wait3A_181 = arith.constant 0 : i32
        %dma_wait3A_182 = tpu.memref_slice %arg10[%add3A_161, %dma_wait3A_181] : memref<125x80xi32, #tpu.memory_space<vmem>> -> memref<1x80xi32, #tpu.memory_space<vmem>>
        %dma_wait3A_183 = tpu.memref_squeeze %dma_wait3A_182 : memref<1x80xi32, #tpu.memory_space<vmem>> -> memref<80xi32, #tpu.memory_space<vmem>>
        %dma_wait3A_184 = arith.constant 0 : i32
        %dma_wait3A_185 = arith.constant 0 : i32
        %dma_wait3A_186 = tpu.memref_slice %arg16[%dma_wait3A_184, %dma_wait3A_185] : memref<10240x64xf32, #tpu.memory_space<vmem_shared>> -> memref<10240x64xf32, #tpu.memory_space<vmem_shared>>
        tpu.wait_indirect_dma semaphore(%run_scoped3A : memref<!tpu.dma_semaphore, #tpu.memory_space<semaphore_mem>>) src(%arg15 : memref<80x64xf32, #tpu.memory_space<vmem>>) dst(%dma_wait3A_186 : memref<10240x64xf32, #tpu.memory_space<vmem_shared>>)
        tpu.yield
      }) : () -> ()
      %add3A_168 = arith.constant 5 : i32
      %add3A_169 = arith.addi %add3A_161, %add3A_168 : i32
      %lt3A_170 = arith.constant 125 : i32
      %lt3A_171 = arith.cmpi slt, %add3A_169, %lt3A_170 : i32
      %convert_element_type3A_172 = arith.extui %lt3A_171 : i1 to i32
      %cond3A_173 = arith.constant 0 : i32
      %cond3A_174 = arith.cmpi ne, %convert_element_type3A_172, %cond3A_173 : i32
      scf.if %cond3A_174 {
        %add3A_175 = arith.constant 5 : i32
        %add3A_176 = arith.addi %add3A_161, %add3A_175 : i32
        %dma_start3A_177 = arith.constant 0 : i32
        %dma_start3A_178 = tpu.memref_slice %arg9[%add3A_176, %dma_start3A_177] : memref<125x80xi32, #tpu.memory_space<vmem>> -> memref<1x80xi32, #tpu.memory_space<vmem>>
        %dma_start3A_179 = tpu.memref_squeeze %dma_start3A_178 : memref<1x80xi32, #tpu.memory_space<vmem>> -> memref<80xi32, #tpu.memory_space<vmem>>
        %dma_start3A_180 = arith.constant 0 : i32
        %dma_start3A_181 = arith.constant 0 : i32
        %dma_start3A_182 = tpu.memref_slice %arg2[%dma_start3A_180, %dma_start3A_181] : memref<20000x64xf32, #tpu.memory_space<hbm>> -> memref<20000x64xf32, #tpu.memory_space<hbm>>
        tpu.enqueue_indirect_dma source(%dma_start3A_182 : memref<20000x64xf32, #tpu.memory_space<hbm>>) target(%arg15 : memref<80x64xf32, #tpu.memory_space<vmem>>) offsets(%dma_start3A_179 : memref<80xi32, #tpu.memory_space<vmem>>) semaphore(%arg21 : memref<!tpu.dma_semaphore, #tpu.memory_space<semaphore_mem>>)
      } else {
      }
    }
    %scan3A_91 = arith.constant 25 : i32
    %barrier3A_92 = arith.constant 0 : index
    tpu.barrier barrier_id(%barrier3A_92)
    "tpu.region"() ({
      %run_scoped3A = tpu.sem_alloc : memref<!tpu.dma_semaphore, #tpu.memory_space<semaphore_mem>>
      %dma_start3A_93 = arith.constant 0 : i32
      %dma_start3A_94 = arith.constant 0 : i32
      %dma_start3A_95 = tpu.memref_slice %arg6[%arg0, %dma_start3A_93, %dma_start3A_94] : memref<2x10240x128xf32, #tpu.memory_space<hbm>> -> memref<1x10240x128xf32, #tpu.memory_space<hbm>>
      %dma_start3A_96 = tpu.memref_squeeze %dma_start3A_95 : memref<1x10240x128xf32, #tpu.memory_space<hbm>> -> memref<10240x128xf32, #tpu.memory_space<hbm>>
      %dma_start3A_97 = arith.constant 0 : i32
      %dma_start3A_98 = tpu.memref_slice %dma_start3A_96[%mul3A_2, %dma_start3A_97] : memref<10240x128xf32, #tpu.memory_space<hbm>> -> memref<640x128xf32, #tpu.memory_space<hbm>>
      %dma_start3A_99 = arith.constant 0 : i32
      %dma_start3A_100 = arith.constant 64 : i32
      %dma_start3A_101 = tpu.memref_slice %dma_start3A_98[%dma_start3A_99, %dma_start3A_100] : memref<640x128xf32, #tpu.memory_space<hbm>> -> memref<640x64xf32, #tpu.memory_space<hbm>>
      %dma_start3A_102 = arith.constant 0 : i32
      %dma_start3A_103 = tpu.memref_slice %arg16[%mul3A_2, %dma_start3A_102] : memref<10240x64xf32, #tpu.memory_space<vmem_shared>> -> memref<640x64xf32, #tpu.memory_space<vmem_shared>>
      tpu.enqueue_dma source(%dma_start3A_103 : memref<640x64xf32, #tpu.memory_space<vmem_shared>>) target(%dma_start3A_101 : memref<640x64xf32, #tpu.memory_space<hbm>>) target_semaphore(%run_scoped3A : memref<!tpu.dma_semaphore, #tpu.memory_space<semaphore_mem>>)
      %dma_wait3A = arith.constant 0 : i32
      %dma_wait3A_104 = arith.constant 0 : i32
      %dma_wait3A_105 = tpu.memref_slice %arg6[%arg0, %dma_wait3A, %dma_wait3A_104] : memref<2x10240x128xf32, #tpu.memory_space<hbm>> -> memref<1x10240x128xf32, #tpu.memory_space<hbm>>
      %dma_wait3A_106 = tpu.memref_squeeze %dma_wait3A_105 : memref<1x10240x128xf32, #tpu.memory_space<hbm>> -> memref<10240x128xf32, #tpu.memory_space<hbm>>
      %dma_wait3A_107 = arith.constant 0 : i32
      %dma_wait3A_108 = tpu.memref_slice %dma_wait3A_106[%mul3A_2, %dma_wait3A_107] : memref<10240x128xf32, #tpu.memory_space<hbm>> -> memref<640x128xf32, #tpu.memory_space<hbm>>
      %dma_wait3A_109 = arith.constant 0 : i32
      %dma_wait3A_110 = arith.constant 64 : i32
      %dma_wait3A_111 = tpu.memref_slice %dma_wait3A_108[%dma_wait3A_109, %dma_wait3A_110] : memref<640x128xf32, #tpu.memory_space<hbm>> -> memref<640x64xf32, #tpu.memory_space<hbm>>
      %dma_wait3A_112 = arith.constant 0 : i32
      %dma_wait3A_113 = tpu.memref_slice %arg16[%mul3A_2, %dma_wait3A_112] : memref<10240x64xf32, #tpu.memory_space<vmem_shared>> -> memref<640x64xf32, #tpu.memory_space<vmem_shared>>
      tpu.wait_dma2 semaphore(%run_scoped3A : memref<!tpu.dma_semaphore, #tpu.memory_space<semaphore_mem>>) src(%dma_wait3A_113 : memref<640x64xf32, #tpu.memory_space<vmem_shared>>) dst(%dma_wait3A_111 : memref<640x64xf32, #tpu.memory_space<hbm>>)
      tpu.yield
    }) : () -> ()
    return
  }
}

#map = affine_map<(d0, d1) -> (0, 0)>
#map1 = affine_map<(d0, d1) -> (0, 0, 0)>
module attributes {stable_mosaic.version = 14 : i64} {
  func.func @_agg_sc(%arg0: i32, %arg1: i32, %arg2: memref<20000x64xf32, #tpu.memory_space<hbm>>, %arg3: memref<32x125x80xi32, #tpu.memory_space<hbm>>, %arg4: memref<32x125x80xi32, #tpu.memory_space<hbm>>, %arg5: memref<640x64xf32, #tpu.memory_space<hbm>>, %arg6: memref<2x10240x128xf32, #tpu.memory_space<hbm>>, %arg7: memref<125x80xi32, #tpu.memory_space<vmem>>, %arg8: memref<125x80xi32, #tpu.memory_space<vmem>>, %arg9: memref<125x80xi32, #tpu.memory_space<vmem>>, %arg10: memref<125x80xi32, #tpu.memory_space<vmem>>, %arg11: memref<80x64xf32, #tpu.memory_space<vmem>>, %arg12: memref<80x64xf32, #tpu.memory_space<vmem>>, %arg13: memref<80x64xf32, #tpu.memory_space<vmem>>, %arg14: memref<80x64xf32, #tpu.memory_space<vmem>>, %arg15: memref<80x64xf32, #tpu.memory_space<vmem>>, %arg16: memref<10240x64xf32, #tpu.memory_space<vmem_shared>>, %arg17: memref<!tpu.dma_semaphore, #tpu.memory_space<semaphore_mem>>, %arg18: memref<!tpu.dma_semaphore, #tpu.memory_space<semaphore_mem>>, %arg19: memref<!tpu.dma_semaphore, #tpu.memory_space<semaphore_mem>>, %arg20: memref<!tpu.dma_semaphore, #tpu.memory_space<semaphore_mem>>, %arg21: memref<!tpu.dma_semaphore, #tpu.memory_space<semaphore_mem>>) attributes {dimension_semantics = [#tpu.dimension_semantics<core_parallel>, #tpu.dimension_semantics<subcore_parallel>], iteration_bounds = array<i64: 2, 16>, scalar_prefetch = 0 : i64, scratch_operands = 15 : i64, tpu.core_type = #tpu.core_type<sc_vector_subcore>, window_params = [{transform_indices = #map}, {transform_indices = #map1}, {transform_indices = #map1}, {transform_indices = #map}, {transform_indices = #map1}]} {
    %mul3A = arith.constant 2 : i32
    %mul3A_0 = arith.muli %arg1, %mul3A : i32
    %add3A = arith.addi %mul3A_0, %arg0 : i32
    %mul3A_1 = arith.constant 640 : i32
    %mul3A_2 = arith.muli %arg1, %mul3A_1 : i32
    "tpu.region"() ({
      %run_scoped3A = tpu.sem_alloc : memref<!tpu.dma_semaphore, #tpu.memory_space<semaphore_mem>>
      %dma_start3A_93 = arith.constant 0 : i32
      %dma_start3A_94 = arith.constant 0 : i32
      %dma_start3A_95 = tpu.memref_slice %arg3[%add3A, %dma_start3A_93, %dma_start3A_94] : memref<32x125x80xi32, #tpu.memory_space<hbm>> -> memref<1x125x80xi32, #tpu.memory_space<hbm>>
      %dma_start3A_96 = tpu.memref_squeeze %dma_start3A_95 : memref<1x125x80xi32, #tpu.memory_space<hbm>> -> memref<125x80xi32, #tpu.memory_space<hbm>>
      %dma_start3A_97 = arith.constant 0 : i32
      %dma_start3A_98 = arith.constant 0 : i32
      %dma_start3A_99 = tpu.memref_slice %arg3[%add3A, %dma_start3A_97, %dma_start3A_98] : memref<32x125x80xi32, #tpu.memory_space<hbm>> -> memref<1x125x80xi32, #tpu.memory_space<hbm>>
      %dma_start3A_100 = tpu.memref_squeeze %dma_start3A_99 : memref<1x125x80xi32, #tpu.memory_space<hbm>> -> memref<125x80xi32, #tpu.memory_space<hbm>>
      tpu.enqueue_dma source(%dma_start3A_100 : memref<125x80xi32, #tpu.memory_space<hbm>>) target(%arg7 : memref<125x80xi32, #tpu.memory_space<vmem>>) target_semaphore(%run_scoped3A : memref<!tpu.dma_semaphore, #tpu.memory_space<semaphore_mem>>)
      %dma_wait3A = arith.constant 0 : i32
      %dma_wait3A_101 = arith.constant 0 : i32
      %dma_wait3A_102 = tpu.memref_slice %arg3[%add3A, %dma_wait3A, %dma_wait3A_101] : memref<32x125x80xi32, #tpu.memory_space<hbm>> -> memref<1x125x80xi32, #tpu.memory_space<hbm>>
      %dma_wait3A_103 = tpu.memref_squeeze %dma_wait3A_102 : memref<1x125x80xi32, #tpu.memory_space<hbm>> -> memref<125x80xi32, #tpu.memory_space<hbm>>
      %dma_wait3A_104 = arith.constant 0 : i32
      %dma_wait3A_105 = arith.constant 0 : i32
      %dma_wait3A_106 = tpu.memref_slice %arg3[%add3A, %dma_wait3A_104, %dma_wait3A_105] : memref<32x125x80xi32, #tpu.memory_space<hbm>> -> memref<1x125x80xi32, #tpu.memory_space<hbm>>
      %dma_wait3A_107 = tpu.memref_squeeze %dma_wait3A_106 : memref<1x125x80xi32, #tpu.memory_space<hbm>> -> memref<125x80xi32, #tpu.memory_space<hbm>>
      tpu.wait_dma2 semaphore(%run_scoped3A : memref<!tpu.dma_semaphore, #tpu.memory_space<semaphore_mem>>) src(%dma_wait3A_107 : memref<125x80xi32, #tpu.memory_space<hbm>>) dst(%arg7 : memref<125x80xi32, #tpu.memory_space<vmem>>)
      tpu.yield
    }) : () -> ()
    "tpu.region"() ({
      %run_scoped3A = tpu.sem_alloc : memref<!tpu.dma_semaphore, #tpu.memory_space<semaphore_mem>>
      %dma_start3A_93 = arith.constant 0 : i32
      %dma_start3A_94 = arith.constant 0 : i32
      %dma_start3A_95 = tpu.memref_slice %arg4[%add3A, %dma_start3A_93, %dma_start3A_94] : memref<32x125x80xi32, #tpu.memory_space<hbm>> -> memref<1x125x80xi32, #tpu.memory_space<hbm>>
      %dma_start3A_96 = tpu.memref_squeeze %dma_start3A_95 : memref<1x125x80xi32, #tpu.memory_space<hbm>> -> memref<125x80xi32, #tpu.memory_space<hbm>>
      %dma_start3A_97 = arith.constant 0 : i32
      %dma_start3A_98 = arith.constant 0 : i32
      %dma_start3A_99 = tpu.memref_slice %arg4[%add3A, %dma_start3A_97, %dma_start3A_98] : memref<32x125x80xi32, #tpu.memory_space<hbm>> -> memref<1x125x80xi32, #tpu.memory_space<hbm>>
      %dma_start3A_100 = tpu.memref_squeeze %dma_start3A_99 : memref<1x125x80xi32, #tpu.memory_space<hbm>> -> memref<125x80xi32, #tpu.memory_space<hbm>>
      tpu.enqueue_dma source(%dma_start3A_100 : memref<125x80xi32, #tpu.memory_space<hbm>>) target(%arg10 : memref<125x80xi32, #tpu.memory_space<vmem>>) target_semaphore(%run_scoped3A : memref<!tpu.dma_semaphore, #tpu.memory_space<semaphore_mem>>)
      %dma_wait3A = arith.constant 0 : i32
      %dma_wait3A_101 = arith.constant 0 : i32
      %dma_wait3A_102 = tpu.memref_slice %arg4[%add3A, %dma_wait3A, %dma_wait3A_101] : memref<32x125x80xi32, #tpu.memory_space<hbm>> -> memref<1x125x80xi32, #tpu.memory_space<hbm>>
      %dma_wait3A_103 = tpu.memref_squeeze %dma_wait3A_102 : memref<1x125x80xi32, #tpu.memory_space<hbm>> -> memref<125x80xi32, #tpu.memory_space<hbm>>
      %dma_wait3A_104 = arith.constant 0 : i32
      %dma_wait3A_105 = arith.constant 0 : i32
      %dma_wait3A_106 = tpu.memref_slice %arg4[%add3A, %dma_wait3A_104, %dma_wait3A_105] : memref<32x125x80xi32, #tpu.memory_space<hbm>> -> memref<1x125x80xi32, #tpu.memory_space<hbm>>
      %dma_wait3A_107 = tpu.memref_squeeze %dma_wait3A_106 : memref<1x125x80xi32, #tpu.memory_space<hbm>> -> memref<125x80xi32, #tpu.memory_space<hbm>>
      tpu.wait_dma2 semaphore(%run_scoped3A : memref<!tpu.dma_semaphore, #tpu.memory_space<semaphore_mem>>) src(%dma_wait3A_107 : memref<125x80xi32, #tpu.memory_space<hbm>>) dst(%arg10 : memref<125x80xi32, #tpu.memory_space<vmem>>)
      tpu.yield
    }) : () -> ()
    %scan3A = arith.constant 0 : i32
    %scan3A_3 = arith.constant 0 : i32
    %scan3A_4 = arith.constant 125 : i32
    %scan3A_5 = arith.addi %scan3A_3, %scan3A_4 : i32
    %scan3A_6 = arith.constant 1 : i32
    scf.for %scan3A_93 = %scan3A_3 to %scan3A_5 step %scan3A_6  : i32 {
      %get3A = arith.index_cast %scan3A_93 : i32 to index
      %get3A_94 = arith.constant 0 : index
      %get3A_95 = tpu.vector_load %arg7[%get3A, %get3A_94] {strides = array<i32>} : memref<125x80xi32, #tpu.memory_space<vmem>>, vector<1x16xi32>,
      %get3A_96 = vector.shape_cast %get3A_95 : vector<1x16xi32> to vector<16xi32>
      %mul3A_97 = arith.constant 2 : i32
      %mul3A_98 = vector.broadcast %mul3A_97 : i32 to vector<16xi32>
      %mul3A_99 = arith.muli %get3A_96, %mul3A_98 : vector<16xi32>
      %swap3A = arith.index_cast %scan3A_93 : i32 to index
      %swap3A_100 = arith.constant 0 : index
      %swap3A_101 = tpu.vector_load %arg8[%swap3A, %swap3A_100] {strides = array<i32>} : memref<125x80xi32, #tpu.memory_space<vmem>>, vector<1x16xi32>,
      %swap3A_102 = vector.shape_cast %swap3A_101 : vector<1x16xi32> to vector<16xi32>
      %swap3A_103 = vector.shape_cast %mul3A_99 : vector<16xi32> to vector<1x16xi32>
      tpu.vector_store %arg8[%swap3A, %swap3A_100], %swap3A_103 {strides = array<i32>} : memref<125x80xi32, #tpu.memory_space<vmem>>, vector<1x16xi32>,
      %add3A_104 = arith.constant 1 : i32
      %add3A_105 = vector.broadcast %add3A_104 : i32 to vector<16xi32>
      %add3A_106 = arith.addi %mul3A_99, %add3A_105 : vector<16xi32>
      %swap3A_107 = arith.index_cast %scan3A_93 : i32 to index
      %swap3A_108 = arith.constant 0 : index
      %swap3A_109 = tpu.vector_load %arg9[%swap3A_107, %swap3A_108] {strides = array<i32>} : memref<125x80xi32, #tpu.memory_space<vmem>>, vector<1x16xi32>,
      %swap3A_110 = vector.shape_cast %swap3A_109 : vector<1x16xi32> to vector<16xi32>
      %swap3A_111 = vector.shape_cast %add3A_106 : vector<16xi32> to vector<1x16xi32>
      tpu.vector_store %arg9[%swap3A_107, %swap3A_108], %swap3A_111 {strides = array<i32>} : memref<125x80xi32, #tpu.memory_space<vmem>>, vector<1x16xi32>,
      %get3A_112 = arith.index_cast %scan3A_93 : i32 to index
      %get3A_113 = arith.constant 16 : index
      %get3A_114 = tpu.vector_load %arg7[%get3A_112, %get3A_113] {strides = array<i32>} : memref<125x80xi32, #tpu.memory_space<vmem>>, vector<1x16xi32>,
      %get3A_115 = vector.shape_cast %get3A_114 : vector<1x16xi32> to vector<16xi32>
      %mul3A_116 = arith.constant 2 : i32
      %mul3A_117 = vector.broadcast %mul3A_116 : i32 to vector<16xi32>
      %mul3A_118 = arith.muli %get3A_115, %mul3A_117 : vector<16xi32>
      %swap3A_119 = arith.index_cast %scan3A_93 : i32 to index
      %swap3A_120 = arith.constant 16 : index
      %swap3A_121 = tpu.vector_load %arg8[%swap3A_119, %swap3A_120] {strides = array<i32>} : memref<125x80xi32, #tpu.memory_space<vmem>>, vector<1x16xi32>,
      %swap3A_122 = vector.shape_cast %swap3A_121 : vector<1x16xi32> to vector<16xi32>
      %swap3A_123 = vector.shape_cast %mul3A_118 : vector<16xi32> to vector<1x16xi32>
      tpu.vector_store %arg8[%swap3A_119, %swap3A_120], %swap3A_123 {strides = array<i32>} : memref<125x80xi32, #tpu.memory_space<vmem>>, vector<1x16xi32>,
      %add3A_124 = arith.constant 1 : i32
      %add3A_125 = vector.broadcast %add3A_124 : i32 to vector<16xi32>
      %add3A_126 = arith.addi %mul3A_118, %add3A_125 : vector<16xi32>
      %swap3A_127 = arith.index_cast %scan3A_93 : i32 to index
      %swap3A_128 = arith.constant 16 : index
      %swap3A_129 = tpu.vector_load %arg9[%swap3A_127, %swap3A_128] {strides = array<i32>} : memref<125x80xi32, #tpu.memory_space<vmem>>, vector<1x16xi32>,
      %swap3A_130 = vector.shape_cast %swap3A_129 : vector<1x16xi32> to vector<16xi32>
      %swap3A_131 = vector.shape_cast %add3A_126 : vector<16xi32> to vector<1x16xi32>
      tpu.vector_store %arg9[%swap3A_127, %swap3A_128], %swap3A_131 {strides = array<i32>} : memref<125x80xi32, #tpu.memory_space<vmem>>, vector<1x16xi32>,
      %get3A_132 = arith.index_cast %scan3A_93 : i32 to index
      %get3A_133 = arith.constant 32 : index
      %get3A_134 = tpu.vector_load %arg7[%get3A_132, %get3A_133] {strides = array<i32>} : memref<125x80xi32, #tpu.memory_space<vmem>>, vector<1x16xi32>,
      %get3A_135 = vector.shape_cast %get3A_134 : vector<1x16xi32> to vector<16xi32>
      %mul3A_136 = arith.constant 2 : i32
      %mul3A_137 = vector.broadcast %mul3A_136 : i32 to vector<16xi32>
      %mul3A_138 = arith.muli %get3A_135, %mul3A_137 : vector<16xi32>
      %swap3A_139 = arith.index_cast %scan3A_93 : i32 to index
      %swap3A_140 = arith.constant 32 : index
      %swap3A_141 = tpu.vector_load %arg8[%swap3A_139, %swap3A_140] {strides = array<i32>} : memref<125x80xi32, #tpu.memory_space<vmem>>, vector<1x16xi32>,
      %swap3A_142 = vector.shape_cast %swap3A_141 : vector<1x16xi32> to vector<16xi32>
      %swap3A_143 = vector.shape_cast %mul3A_138 : vector<16xi32> to vector<1x16xi32>
      tpu.vector_store %arg8[%swap3A_139, %swap3A_140], %swap3A_143 {strides = array<i32>} : memref<125x80xi32, #tpu.memory_space<vmem>>, vector<1x16xi32>,
      %add3A_144 = arith.constant 1 : i32
      %add3A_145 = vector.broadcast %add3A_144 : i32 to vector<16xi32>
      %add3A_146 = arith.addi %mul3A_138, %add3A_145 : vector<16xi32>
      %swap3A_147 = arith.index_cast %scan3A_93 : i32 to index
      %swap3A_148 = arith.constant 32 : index
      %swap3A_149 = tpu.vector_load %arg9[%swap3A_147, %swap3A_148] {strides = array<i32>} : memref<125x80xi32, #tpu.memory_space<vmem>>, vector<1x16xi32>,
      %swap3A_150 = vector.shape_cast %swap3A_149 : vector<1x16xi32> to vector<16xi32>
      %swap3A_151 = vector.shape_cast %add3A_146 : vector<16xi32> to vector<1x16xi32>
      tpu.vector_store %arg9[%swap3A_147, %swap3A_148], %swap3A_151 {strides = array<i32>} : memref<125x80xi32, #tpu.memory_space<vmem>>, vector<1x16xi32>,
      %get3A_152 = arith.index_cast %scan3A_93 : i32 to index
      %get3A_153 = arith.constant 48 : index
      %get3A_154 = tpu.vector_load %arg7[%get3A_152, %get3A_153] {strides = array<i32>} : memref<125x80xi32, #tpu.memory_space<vmem>>, vector<1x16xi32>,
      %get3A_155 = vector.shape_cast %get3A_154 : vector<1x16xi32> to vector<16xi32>
      %mul3A_156 = arith.constant 2 : i32
      %mul3A_157 = vector.broadcast %mul3A_156 : i32 to vector<16xi32>
      %mul3A_158 = arith.muli %get3A_155, %mul3A_157 : vector<16xi32>
      %swap3A_159 = arith.index_cast %scan3A_93 : i32 to index
      %swap3A_160 = arith.constant 48 : index
      %swap3A_161 = tpu.vector_load %arg8[%swap3A_159, %swap3A_160] {strides = array<i32>} : memref<125x80xi32, #tpu.memory_space<vmem>>, vector<1x16xi32>,
      %swap3A_162 = vector.shape_cast %swap3A_161 : vector<1x16xi32> to vector<16xi32>
      %swap3A_163 = vector.shape_cast %mul3A_158 : vector<16xi32> to vector<1x16xi32>
      tpu.vector_store %arg8[%swap3A_159, %swap3A_160], %swap3A_163 {strides = array<i32>} : memref<125x80xi32, #tpu.memory_space<vmem>>, vector<1x16xi32>,
      %add3A_164 = arith.constant 1 : i32
      %add3A_165 = vector.broadcast %add3A_164 : i32 to vector<16xi32>
      %add3A_166 = arith.addi %mul3A_158, %add3A_165 : vector<16xi32>
      %swap3A_167 = arith.index_cast %scan3A_93 : i32 to index
      %swap3A_168 = arith.constant 48 : index
      %swap3A_169 = tpu.vector_load %arg9[%swap3A_167, %swap3A_168] {strides = array<i32>} : memref<125x80xi32, #tpu.memory_space<vmem>>, vector<1x16xi32>,
      %swap3A_170 = vector.shape_cast %swap3A_169 : vector<1x16xi32> to vector<16xi32>
      %swap3A_171 = vector.shape_cast %add3A_166 : vector<16xi32> to vector<1x16xi32>
      tpu.vector_store %arg9[%swap3A_167, %swap3A_168], %swap3A_171 {strides = array<i32>} : memref<125x80xi32, #tpu.memory_space<vmem>>, vector<1x16xi32>,
      %get3A_172 = arith.index_cast %scan3A_93 : i32 to index
      %get3A_173 = arith.constant 64 : index
      %get3A_174 = tpu.vector_load %arg7[%get3A_172, %get3A_173] {strides = array<i32>} : memref<125x80xi32, #tpu.memory_space<vmem>>, vector<1x16xi32>,
      %get3A_175 = vector.shape_cast %get3A_174 : vector<1x16xi32> to vector<16xi32>
      %mul3A_176 = arith.constant 2 : i32
      %mul3A_177 = vector.broadcast %mul3A_176 : i32 to vector<16xi32>
      %mul3A_178 = arith.muli %get3A_175, %mul3A_177 : vector<16xi32>
      %swap3A_179 = arith.index_cast %scan3A_93 : i32 to index
      %swap3A_180 = arith.constant 64 : index
      %swap3A_181 = tpu.vector_load %arg8[%swap3A_179, %swap3A_180] {strides = array<i32>} : memref<125x80xi32, #tpu.memory_space<vmem>>, vector<1x16xi32>,
      %swap3A_182 = vector.shape_cast %swap3A_181 : vector<1x16xi32> to vector<16xi32>
      %swap3A_183 = vector.shape_cast %mul3A_178 : vector<16xi32> to vector<1x16xi32>
      tpu.vector_store %arg8[%swap3A_179, %swap3A_180], %swap3A_183 {strides = array<i32>} : memref<125x80xi32, #tpu.memory_space<vmem>>, vector<1x16xi32>,
      %add3A_184 = arith.constant 1 : i32
      %add3A_185 = vector.broadcast %add3A_184 : i32 to vector<16xi32>
      %add3A_186 = arith.addi %mul3A_178, %add3A_185 : vector<16xi32>
      %swap3A_187 = arith.index_cast %scan3A_93 : i32 to index
      %swap3A_188 = arith.constant 64 : index
      %swap3A_189 = tpu.vector_load %arg9[%swap3A_187, %swap3A_188] {strides = array<i32>} : memref<125x80xi32, #tpu.memory_space<vmem>>, vector<1x16xi32>,
      %swap3A_190 = vector.shape_cast %swap3A_189 : vector<1x16xi32> to vector<16xi32>
      %swap3A_191 = vector.shape_cast %add3A_186 : vector<16xi32> to vector<1x16xi32>
      tpu.vector_store %arg9[%swap3A_187, %swap3A_188], %swap3A_191 {strides = array<i32>} : memref<125x80xi32, #tpu.memory_space<vmem>>, vector<1x16xi32>,
    }
    %scan3A_7 = arith.constant 125 : i32
    %dma_start3A = arith.constant 0 : i32
    %dma_start3A_8 = arith.constant 0 : i32
    %dma_start3A_9 = tpu.memref_slice %arg8[%dma_start3A, %dma_start3A_8] : memref<125x80xi32, #tpu.memory_space<vmem>> -> memref<1x80xi32, #tpu.memory_space<vmem>>
    %dma_start3A_10 = tpu.memref_squeeze %dma_start3A_9 : memref<1x80xi32, #tpu.memory_space<vmem>> -> memref<80xi32, #tpu.memory_space<vmem>>
    %dma_start3A_11 = arith.constant 0 : i32
    %dma_start3A_12 = arith.constant 0 : i32
    %dma_start3A_13 = tpu.memref_slice %arg2[%dma_start3A_11, %dma_start3A_12] : memref<20000x64xf32, #tpu.memory_space<hbm>> -> memref<20000x64xf32, #tpu.memory_space<hbm>>
    tpu.enqueue_indirect_dma source(%dma_start3A_13 : memref<20000x64xf32, #tpu.memory_space<hbm>>) target(%arg11 : memref<80x64xf32, #tpu.memory_space<vmem>>) offsets(%dma_start3A_10 : memref<80xi32, #tpu.memory_space<vmem>>) semaphore(%arg17 : memref<!tpu.dma_semaphore, #tpu.memory_space<semaphore_mem>>)
    %dma_start3A_14 = arith.constant 1 : i32
    %dma_start3A_15 = arith.constant 0 : i32
    %dma_start3A_16 = tpu.memref_slice %arg8[%dma_start3A_14, %dma_start3A_15] : memref<125x80xi32, #tpu.memory_space<vmem>> -> memref<1x80xi32, #tpu.memory_space<vmem>>
    %dma_start3A_17 = tpu.memref_squeeze %dma_start3A_16 : memref<1x80xi32, #tpu.memory_space<vmem>> -> memref<80xi32, #tpu.memory_space<vmem>>
    %dma_start3A_18 = arith.constant 0 : i32
    %dma_start3A_19 = arith.constant 0 : i32
    %dma_start3A_20 = tpu.memref_slice %arg2[%dma_start3A_18, %dma_start3A_19] : memref<20000x64xf32, #tpu.memory_space<hbm>> -> memref<20000x64xf32, #tpu.memory_space<hbm>>
    tpu.enqueue_indirect_dma source(%dma_start3A_20 : memref<20000x64xf32, #tpu.memory_space<hbm>>) target(%arg12 : memref<80x64xf32, #tpu.memory_space<vmem>>) offsets(%dma_start3A_17 : memref<80xi32, #tpu.memory_space<vmem>>) semaphore(%arg18 : memref<!tpu.dma_semaphore, #tpu.memory_space<semaphore_mem>>)
    %dma_start3A_21 = arith.constant 2 : i32
    %dma_start3A_22 = arith.constant 0 : i32
    %dma_start3A_23 = tpu.memref_slice %arg8[%dma_start3A_21, %dma_start3A_22] : memref<125x80xi32, #tpu.memory_space<vmem>> -> memref<1x80xi32, #tpu.memory_space<vmem>>
    %dma_start3A_24 = tpu.memref_squeeze %dma_start3A_23 : memref<1x80xi32, #tpu.memory_space<vmem>> -> memref<80xi32, #tpu.memory_space<vmem>>
    %dma_start3A_25 = arith.constant 0 : i32
    %dma_start3A_26 = arith.constant 0 : i32
    %dma_start3A_27 = tpu.memref_slice %arg2[%dma_start3A_25, %dma_start3A_26] : memref<20000x64xf32, #tpu.memory_space<hbm>> -> memref<20000x64xf32, #tpu.memory_space<hbm>>
    tpu.enqueue_indirect_dma source(%dma_start3A_27 : memref<20000x64xf32, #tpu.memory_space<hbm>>) target(%arg13 : memref<80x64xf32, #tpu.memory_space<vmem>>) offsets(%dma_start3A_24 : memref<80xi32, #tpu.memory_space<vmem>>) semaphore(%arg19 : memref<!tpu.dma_semaphore, #tpu.memory_space<semaphore_mem>>)
    %dma_start3A_28 = arith.constant 3 : i32
    %dma_start3A_29 = arith.constant 0 : i32
    %dma_start3A_30 = tpu.memref_slice %arg8[%dma_start3A_28, %dma_start3A_29] : memref<125x80xi32, #tpu.memory_space<vmem>> -> memref<1x80xi32, #tpu.memory_space<vmem>>
    %dma_start3A_31 = tpu.memref_squeeze %dma_start3A_30 : memref<1x80xi32, #tpu.memory_space<vmem>> -> memref<80xi32, #tpu.memory_space<vmem>>
    %dma_start3A_32 = arith.constant 0 : i32
    %dma_start3A_33 = arith.constant 0 : i32
    %dma_start3A_34 = tpu.memref_slice %arg2[%dma_start3A_32, %dma_start3A_33] : memref<20000x64xf32, #tpu.memory_space<hbm>> -> memref<20000x64xf32, #tpu.memory_space<hbm>>
    tpu.enqueue_indirect_dma source(%dma_start3A_34 : memref<20000x64xf32, #tpu.memory_space<hbm>>) target(%arg14 : memref<80x64xf32, #tpu.memory_space<vmem>>) offsets(%dma_start3A_31 : memref<80xi32, #tpu.memory_space<vmem>>) semaphore(%arg20 : memref<!tpu.dma_semaphore, #tpu.memory_space<semaphore_mem>>)
    %dma_start3A_35 = arith.constant 4 : i32
    %dma_start3A_36 = arith.constant 0 : i32
    %dma_start3A_37 = tpu.memref_slice %arg8[%dma_start3A_35, %dma_start3A_36] : memref<125x80xi32, #tpu.memory_space<vmem>> -> memref<1x80xi32, #tpu.memory_space<vmem>>
    %dma_start3A_38 = tpu.memref_squeeze %dma_start3A_37 : memref<1x80xi32, #tpu.memory_space<vmem>> -> memref<80xi32, #tpu.memory_space<vmem>>
    %dma_start3A_39 = arith.constant 0 : i32
    %dma_start3A_40 = arith.constant 0 : i32
    %dma_start3A_41 = tpu.memref_slice %arg2[%dma_start3A_39, %dma_start3A_40] : memref<20000x64xf32, #tpu.memory_space<hbm>> -> memref<20000x64xf32, #tpu.memory_space<hbm>>
    tpu.enqueue_indirect_dma source(%dma_start3A_41 : memref<20000x64xf32, #tpu.memory_space<hbm>>) target(%arg15 : memref<80x64xf32, #tpu.memory_space<vmem>>) offsets(%dma_start3A_38 : memref<80xi32, #tpu.memory_space<vmem>>) semaphore(%arg21 : memref<!tpu.dma_semaphore, #tpu.memory_space<semaphore_mem>>)
    "tpu.region"() ({
      %run_scoped3A = tpu.sem_alloc : memref<!tpu.dma_semaphore, #tpu.memory_space<semaphore_mem>>
      %dma_start3A_93 = arith.constant 0 : i32
      %dma_start3A_94 = tpu.memref_slice %arg16[%mul3A_2, %dma_start3A_93] : memref<10240x64xf32, #tpu.memory_space<vmem_shared>> -> memref<640x64xf32, #tpu.memory_space<vmem_shared>>
      tpu.enqueue_dma source(%arg5 : memref<640x64xf32, #tpu.memory_space<hbm>>) target(%dma_start3A_94 : memref<640x64xf32, #tpu.memory_space<vmem_shared>>) target_semaphore(%run_scoped3A : memref<!tpu.dma_semaphore, #tpu.memory_space<semaphore_mem>>)
      %dma_wait3A = arith.constant 0 : i32
      %dma_wait3A_95 = tpu.memref_slice %arg16[%mul3A_2, %dma_wait3A] : memref<10240x64xf32, #tpu.memory_space<vmem_shared>> -> memref<640x64xf32, #tpu.memory_space<vmem_shared>>
      tpu.wait_dma2 semaphore(%run_scoped3A : memref<!tpu.dma_semaphore, #tpu.memory_space<semaphore_mem>>) src(%arg5 : memref<640x64xf32, #tpu.memory_space<hbm>>) dst(%dma_wait3A_95 : memref<640x64xf32, #tpu.memory_space<vmem_shared>>)
      tpu.yield
    }) : () -> ()
    %barrier3A = arith.constant 0 : index
    tpu.barrier barrier_id(%barrier3A)
    %scan3A_42 = arith.constant 0 : i32
    %scan3A_43 = arith.constant 0 : i32
    %scan3A_44 = arith.constant 25 : i32
    %scan3A_45 = arith.addi %scan3A_43, %scan3A_44 : i32
    %scan3A_46 = arith.constant 1 : i32
    scf.for %scan3A_93 = %scan3A_43 to %scan3A_45 step %scan3A_46  : i32 {
      %mul3A_94 = arith.constant 5 : i32
      %mul3A_95 = arith.muli %mul3A_94, %scan3A_93 : i32
      %add3A_96 = arith.constant 0 : i32
      %add3A_97 = arith.addi %mul3A_95, %add3A_96 : i32
      %dma_wait3A = arith.constant 0 : i32
      %dma_wait3A_98 = tpu.memref_slice %arg8[%add3A_97, %dma_wait3A] : memref<125x80xi32, #tpu.memory_space<vmem>> -> memref<1x80xi32, #tpu.memory_space<vmem>>
      %dma_wait3A_99 = tpu.memref_squeeze %dma_wait3A_98 : memref<1x80xi32, #tpu.memory_space<vmem>> -> memref<80xi32, #tpu.memory_space<vmem>>
      %dma_wait3A_100 = arith.constant 0 : i32
      %dma_wait3A_101 = arith.constant 0 : i32
      %dma_wait3A_102 = tpu.memref_slice %arg2[%dma_wait3A_100, %dma_wait3A_101] : memref<20000x64xf32, #tpu.memory_space<hbm>> -> memref<20000x64xf32, #tpu.memory_space<hbm>>
      tpu.wait_indirect_dma semaphore(%arg17 : memref<!tpu.dma_semaphore, #tpu.memory_space<semaphore_mem>>) src(%dma_wait3A_102 : memref<20000x64xf32, #tpu.memory_space<hbm>>) dst(%arg11 : memref<80x64xf32, #tpu.memory_space<vmem>>)
      "tpu.region"() ({
        %run_scoped3A = tpu.sem_alloc : memref<!tpu.dma_semaphore, #tpu.memory_space<semaphore_mem>>
        %dma_start3A_175 = arith.constant 0 : i32
        %dma_start3A_176 = tpu.memref_slice %arg10[%add3A_97, %dma_start3A_175] : memref<125x80xi32, #tpu.memory_space<vmem>> -> memref<1x80xi32, #tpu.memory_space<vmem>>
        %dma_start3A_177 = tpu.memref_squeeze %dma_start3A_176 : memref<1x80xi32, #tpu.memory_space<vmem>> -> memref<80xi32, #tpu.memory_space<vmem>>
        %dma_start3A_178 = arith.constant 0 : i32
        %dma_start3A_179 = arith.constant 0 : i32
        %dma_start3A_180 = tpu.memref_slice %arg16[%dma_start3A_178, %dma_start3A_179] : memref<10240x64xf32, #tpu.memory_space<vmem_shared>> -> memref<10240x64xf32, #tpu.memory_space<vmem_shared>>
        tpu.enqueue_indirect_dma source(%arg11 : memref<80x64xf32, #tpu.memory_space<vmem>>) target(%dma_start3A_180 : memref<10240x64xf32, #tpu.memory_space<vmem_shared>>) offsets(%dma_start3A_177 : memref<80xi32, #tpu.memory_space<vmem>>) semaphore(%run_scoped3A : memref<!tpu.dma_semaphore, #tpu.memory_space<semaphore_mem>>) {add = true}
        %dma_wait3A_181 = arith.constant 0 : i32
        %dma_wait3A_182 = tpu.memref_slice %arg10[%add3A_97, %dma_wait3A_181] : memref<125x80xi32, #tpu.memory_space<vmem>> -> memref<1x80xi32, #tpu.memory_space<vmem>>
        %dma_wait3A_183 = tpu.memref_squeeze %dma_wait3A_182 : memref<1x80xi32, #tpu.memory_space<vmem>> -> memref<80xi32, #tpu.memory_space<vmem>>
        %dma_wait3A_184 = arith.constant 0 : i32
        %dma_wait3A_185 = arith.constant 0 : i32
        %dma_wait3A_186 = tpu.memref_slice %arg16[%dma_wait3A_184, %dma_wait3A_185] : memref<10240x64xf32, #tpu.memory_space<vmem_shared>> -> memref<10240x64xf32, #tpu.memory_space<vmem_shared>>
        tpu.wait_indirect_dma semaphore(%run_scoped3A : memref<!tpu.dma_semaphore, #tpu.memory_space<semaphore_mem>>) src(%arg11 : memref<80x64xf32, #tpu.memory_space<vmem>>) dst(%dma_wait3A_186 : memref<10240x64xf32, #tpu.memory_space<vmem_shared>>)
        tpu.yield
      }) : () -> ()
      %add3A_103 = arith.constant 5 : i32
      %add3A_104 = arith.addi %add3A_97, %add3A_103 : i32
      %lt3A = arith.constant 125 : i32
      %lt3A_105 = arith.cmpi slt, %add3A_104, %lt3A : i32
      %convert_element_type3A = arith.extui %lt3A_105 : i1 to i32
      %cond3A = arith.constant 0 : i32
      %cond3A_106 = arith.cmpi ne, %convert_element_type3A, %cond3A : i32
      scf.if %cond3A_106 {
        %add3A_175 = arith.constant 5 : i32
        %add3A_176 = arith.addi %add3A_97, %add3A_175 : i32
        %dma_start3A_177 = arith.constant 0 : i32
        %dma_start3A_178 = tpu.memref_slice %arg8[%add3A_176, %dma_start3A_177] : memref<125x80xi32, #tpu.memory_space<vmem>> -> memref<1x80xi32, #tpu.memory_space<vmem>>
        %dma_start3A_179 = tpu.memref_squeeze %dma_start3A_178 : memref<1x80xi32, #tpu.memory_space<vmem>> -> memref<80xi32, #tpu.memory_space<vmem>>
        %dma_start3A_180 = arith.constant 0 : i32
        %dma_start3A_181 = arith.constant 0 : i32
        %dma_start3A_182 = tpu.memref_slice %arg2[%dma_start3A_180, %dma_start3A_181] : memref<20000x64xf32, #tpu.memory_space<hbm>> -> memref<20000x64xf32, #tpu.memory_space<hbm>>
        tpu.enqueue_indirect_dma source(%dma_start3A_182 : memref<20000x64xf32, #tpu.memory_space<hbm>>) target(%arg11 : memref<80x64xf32, #tpu.memory_space<vmem>>) offsets(%dma_start3A_179 : memref<80xi32, #tpu.memory_space<vmem>>) semaphore(%arg17 : memref<!tpu.dma_semaphore, #tpu.memory_space<semaphore_mem>>)
      } else {
      }
      %mul3A_107 = arith.constant 5 : i32
      %mul3A_108 = arith.muli %mul3A_107, %scan3A_93 : i32
      %add3A_109 = arith.constant 1 : i32
      %add3A_110 = arith.addi %mul3A_108, %add3A_109 : i32
      %dma_wait3A_111 = arith.constant 0 : i32
      %dma_wait3A_112 = tpu.memref_slice %arg8[%add3A_110, %dma_wait3A_111] : memref<125x80xi32, #tpu.memory_space<vmem>> -> memref<1x80xi32, #tpu.memory_space<vmem>>
      %dma_wait3A_113 = tpu.memref_squeeze %dma_wait3A_112 : memref<1x80xi32, #tpu.memory_space<vmem>> -> memref<80xi32, #tpu.memory_space<vmem>>
      %dma_wait3A_114 = arith.constant 0 : i32
      %dma_wait3A_115 = arith.constant 0 : i32
      %dma_wait3A_116 = tpu.memref_slice %arg2[%dma_wait3A_114, %dma_wait3A_115] : memref<20000x64xf32, #tpu.memory_space<hbm>> -> memref<20000x64xf32, #tpu.memory_space<hbm>>
      tpu.wait_indirect_dma semaphore(%arg18 : memref<!tpu.dma_semaphore, #tpu.memory_space<semaphore_mem>>) src(%dma_wait3A_116 : memref<20000x64xf32, #tpu.memory_space<hbm>>) dst(%arg12 : memref<80x64xf32, #tpu.memory_space<vmem>>)
      "tpu.region"() ({
        %run_scoped3A = tpu.sem_alloc : memref<!tpu.dma_semaphore, #tpu.memory_space<semaphore_mem>>
        %dma_start3A_175 = arith.constant 0 : i32
        %dma_start3A_176 = tpu.memref_slice %arg10[%add3A_110, %dma_start3A_175] : memref<125x80xi32, #tpu.memory_space<vmem>> -> memref<1x80xi32, #tpu.memory_space<vmem>>
        %dma_start3A_177 = tpu.memref_squeeze %dma_start3A_176 : memref<1x80xi32, #tpu.memory_space<vmem>> -> memref<80xi32, #tpu.memory_space<vmem>>
        %dma_start3A_178 = arith.constant 0 : i32
        %dma_start3A_179 = arith.constant 0 : i32
        %dma_start3A_180 = tpu.memref_slice %arg16[%dma_start3A_178, %dma_start3A_179] : memref<10240x64xf32, #tpu.memory_space<vmem_shared>> -> memref<10240x64xf32, #tpu.memory_space<vmem_shared>>
        tpu.enqueue_indirect_dma source(%arg12 : memref<80x64xf32, #tpu.memory_space<vmem>>) target(%dma_start3A_180 : memref<10240x64xf32, #tpu.memory_space<vmem_shared>>) offsets(%dma_start3A_177 : memref<80xi32, #tpu.memory_space<vmem>>) semaphore(%run_scoped3A : memref<!tpu.dma_semaphore, #tpu.memory_space<semaphore_mem>>) {add = true}
        %dma_wait3A_181 = arith.constant 0 : i32
        %dma_wait3A_182 = tpu.memref_slice %arg10[%add3A_110, %dma_wait3A_181] : memref<125x80xi32, #tpu.memory_space<vmem>> -> memref<1x80xi32, #tpu.memory_space<vmem>>
        %dma_wait3A_183 = tpu.memref_squeeze %dma_wait3A_182 : memref<1x80xi32, #tpu.memory_space<vmem>> -> memref<80xi32, #tpu.memory_space<vmem>>
        %dma_wait3A_184 = arith.constant 0 : i32
        %dma_wait3A_185 = arith.constant 0 : i32
        %dma_wait3A_186 = tpu.memref_slice %arg16[%dma_wait3A_184, %dma_wait3A_185] : memref<10240x64xf32, #tpu.memory_space<vmem_shared>> -> memref<10240x64xf32, #tpu.memory_space<vmem_shared>>
        tpu.wait_indirect_dma semaphore(%run_scoped3A : memref<!tpu.dma_semaphore, #tpu.memory_space<semaphore_mem>>) src(%arg12 : memref<80x64xf32, #tpu.memory_space<vmem>>) dst(%dma_wait3A_186 : memref<10240x64xf32, #tpu.memory_space<vmem_shared>>)
        tpu.yield
      }) : () -> ()
      %add3A_117 = arith.constant 5 : i32
      %add3A_118 = arith.addi %add3A_110, %add3A_117 : i32
      %lt3A_119 = arith.constant 125 : i32
      %lt3A_120 = arith.cmpi slt, %add3A_118, %lt3A_119 : i32
      %convert_element_type3A_121 = arith.extui %lt3A_120 : i1 to i32
      %cond3A_122 = arith.constant 0 : i32
      %cond3A_123 = arith.cmpi ne, %convert_element_type3A_121, %cond3A_122 : i32
      scf.if %cond3A_123 {
        %add3A_175 = arith.constant 5 : i32
        %add3A_176 = arith.addi %add3A_110, %add3A_175 : i32
        %dma_start3A_177 = arith.constant 0 : i32
        %dma_start3A_178 = tpu.memref_slice %arg8[%add3A_176, %dma_start3A_177] : memref<125x80xi32, #tpu.memory_space<vmem>> -> memref<1x80xi32, #tpu.memory_space<vmem>>
        %dma_start3A_179 = tpu.memref_squeeze %dma_start3A_178 : memref<1x80xi32, #tpu.memory_space<vmem>> -> memref<80xi32, #tpu.memory_space<vmem>>
        %dma_start3A_180 = arith.constant 0 : i32
        %dma_start3A_181 = arith.constant 0 : i32
        %dma_start3A_182 = tpu.memref_slice %arg2[%dma_start3A_180, %dma_start3A_181] : memref<20000x64xf32, #tpu.memory_space<hbm>> -> memref<20000x64xf32, #tpu.memory_space<hbm>>
        tpu.enqueue_indirect_dma source(%dma_start3A_182 : memref<20000x64xf32, #tpu.memory_space<hbm>>) target(%arg12 : memref<80x64xf32, #tpu.memory_space<vmem>>) offsets(%dma_start3A_179 : memref<80xi32, #tpu.memory_space<vmem>>) semaphore(%arg18 : memref<!tpu.dma_semaphore, #tpu.memory_space<semaphore_mem>>)
      } else {
      }
      %mul3A_124 = arith.constant 5 : i32
      %mul3A_125 = arith.muli %mul3A_124, %scan3A_93 : i32
      %add3A_126 = arith.constant 2 : i32
      %add3A_127 = arith.addi %mul3A_125, %add3A_126 : i32
      %dma_wait3A_128 = arith.constant 0 : i32
      %dma_wait3A_129 = tpu.memref_slice %arg8[%add3A_127, %dma_wait3A_128] : memref<125x80xi32, #tpu.memory_space<vmem>> -> memref<1x80xi32, #tpu.memory_space<vmem>>
      %dma_wait3A_130 = tpu.memref_squeeze %dma_wait3A_129 : memref<1x80xi32, #tpu.memory_space<vmem>> -> memref<80xi32, #tpu.memory_space<vmem>>
      %dma_wait3A_131 = arith.constant 0 : i32
      %dma_wait3A_132 = arith.constant 0 : i32
      %dma_wait3A_133 = tpu.memref_slice %arg2[%dma_wait3A_131, %dma_wait3A_132] : memref<20000x64xf32, #tpu.memory_space<hbm>> -> memref<20000x64xf32, #tpu.memory_space<hbm>>
      tpu.wait_indirect_dma semaphore(%arg19 : memref<!tpu.dma_semaphore, #tpu.memory_space<semaphore_mem>>) src(%dma_wait3A_133 : memref<20000x64xf32, #tpu.memory_space<hbm>>) dst(%arg13 : memref<80x64xf32, #tpu.memory_space<vmem>>)
      "tpu.region"() ({
        %run_scoped3A = tpu.sem_alloc : memref<!tpu.dma_semaphore, #tpu.memory_space<semaphore_mem>>
        %dma_start3A_175 = arith.constant 0 : i32
        %dma_start3A_176 = tpu.memref_slice %arg10[%add3A_127, %dma_start3A_175] : memref<125x80xi32, #tpu.memory_space<vmem>> -> memref<1x80xi32, #tpu.memory_space<vmem>>
        %dma_start3A_177 = tpu.memref_squeeze %dma_start3A_176 : memref<1x80xi32, #tpu.memory_space<vmem>> -> memref<80xi32, #tpu.memory_space<vmem>>
        %dma_start3A_178 = arith.constant 0 : i32
        %dma_start3A_179 = arith.constant 0 : i32
        %dma_start3A_180 = tpu.memref_slice %arg16[%dma_start3A_178, %dma_start3A_179] : memref<10240x64xf32, #tpu.memory_space<vmem_shared>> -> memref<10240x64xf32, #tpu.memory_space<vmem_shared>>
        tpu.enqueue_indirect_dma source(%arg13 : memref<80x64xf32, #tpu.memory_space<vmem>>) target(%dma_start3A_180 : memref<10240x64xf32, #tpu.memory_space<vmem_shared>>) offsets(%dma_start3A_177 : memref<80xi32, #tpu.memory_space<vmem>>) semaphore(%run_scoped3A : memref<!tpu.dma_semaphore, #tpu.memory_space<semaphore_mem>>) {add = true}
        %dma_wait3A_181 = arith.constant 0 : i32
        %dma_wait3A_182 = tpu.memref_slice %arg10[%add3A_127, %dma_wait3A_181] : memref<125x80xi32, #tpu.memory_space<vmem>> -> memref<1x80xi32, #tpu.memory_space<vmem>>
        %dma_wait3A_183 = tpu.memref_squeeze %dma_wait3A_182 : memref<1x80xi32, #tpu.memory_space<vmem>> -> memref<80xi32, #tpu.memory_space<vmem>>
        %dma_wait3A_184 = arith.constant 0 : i32
        %dma_wait3A_185 = arith.constant 0 : i32
        %dma_wait3A_186 = tpu.memref_slice %arg16[%dma_wait3A_184, %dma_wait3A_185] : memref<10240x64xf32, #tpu.memory_space<vmem_shared>> -> memref<10240x64xf32, #tpu.memory_space<vmem_shared>>
        tpu.wait_indirect_dma semaphore(%run_scoped3A : memref<!tpu.dma_semaphore, #tpu.memory_space<semaphore_mem>>) src(%arg13 : memref<80x64xf32, #tpu.memory_space<vmem>>) dst(%dma_wait3A_186 : memref<10240x64xf32, #tpu.memory_space<vmem_shared>>)
        tpu.yield
      }) : () -> ()
      %add3A_134 = arith.constant 5 : i32
      %add3A_135 = arith.addi %add3A_127, %add3A_134 : i32
      %lt3A_136 = arith.constant 125 : i32
      %lt3A_137 = arith.cmpi slt, %add3A_135, %lt3A_136 : i32
      %convert_element_type3A_138 = arith.extui %lt3A_137 : i1 to i32
      %cond3A_139 = arith.constant 0 : i32
      %cond3A_140 = arith.cmpi ne, %convert_element_type3A_138, %cond3A_139 : i32
      scf.if %cond3A_140 {
        %add3A_175 = arith.constant 5 : i32
        %add3A_176 = arith.addi %add3A_127, %add3A_175 : i32
        %dma_start3A_177 = arith.constant 0 : i32
        %dma_start3A_178 = tpu.memref_slice %arg8[%add3A_176, %dma_start3A_177] : memref<125x80xi32, #tpu.memory_space<vmem>> -> memref<1x80xi32, #tpu.memory_space<vmem>>
        %dma_start3A_179 = tpu.memref_squeeze %dma_start3A_178 : memref<1x80xi32, #tpu.memory_space<vmem>> -> memref<80xi32, #tpu.memory_space<vmem>>
        %dma_start3A_180 = arith.constant 0 : i32
        %dma_start3A_181 = arith.constant 0 : i32
        %dma_start3A_182 = tpu.memref_slice %arg2[%dma_start3A_180, %dma_start3A_181] : memref<20000x64xf32, #tpu.memory_space<hbm>> -> memref<20000x64xf32, #tpu.memory_space<hbm>>
        tpu.enqueue_indirect_dma source(%dma_start3A_182 : memref<20000x64xf32, #tpu.memory_space<hbm>>) target(%arg13 : memref<80x64xf32, #tpu.memory_space<vmem>>) offsets(%dma_start3A_179 : memref<80xi32, #tpu.memory_space<vmem>>) semaphore(%arg19 : memref<!tpu.dma_semaphore, #tpu.memory_space<semaphore_mem>>)
      } else {
      }
      %mul3A_141 = arith.constant 5 : i32
      %mul3A_142 = arith.muli %mul3A_141, %scan3A_93 : i32
      %add3A_143 = arith.constant 3 : i32
      %add3A_144 = arith.addi %mul3A_142, %add3A_143 : i32
      %dma_wait3A_145 = arith.constant 0 : i32
      %dma_wait3A_146 = tpu.memref_slice %arg8[%add3A_144, %dma_wait3A_145] : memref<125x80xi32, #tpu.memory_space<vmem>> -> memref<1x80xi32, #tpu.memory_space<vmem>>
      %dma_wait3A_147 = tpu.memref_squeeze %dma_wait3A_146 : memref<1x80xi32, #tpu.memory_space<vmem>> -> memref<80xi32, #tpu.memory_space<vmem>>
      %dma_wait3A_148 = arith.constant 0 : i32
      %dma_wait3A_149 = arith.constant 0 : i32
      %dma_wait3A_150 = tpu.memref_slice %arg2[%dma_wait3A_148, %dma_wait3A_149] : memref<20000x64xf32, #tpu.memory_space<hbm>> -> memref<20000x64xf32, #tpu.memory_space<hbm>>
      tpu.wait_indirect_dma semaphore(%arg20 : memref<!tpu.dma_semaphore, #tpu.memory_space<semaphore_mem>>) src(%dma_wait3A_150 : memref<20000x64xf32, #tpu.memory_space<hbm>>) dst(%arg14 : memref<80x64xf32, #tpu.memory_space<vmem>>)
      "tpu.region"() ({
        %run_scoped3A = tpu.sem_alloc : memref<!tpu.dma_semaphore, #tpu.memory_space<semaphore_mem>>
        %dma_start3A_175 = arith.constant 0 : i32
        %dma_start3A_176 = tpu.memref_slice %arg10[%add3A_144, %dma_start3A_175] : memref<125x80xi32, #tpu.memory_space<vmem>> -> memref<1x80xi32, #tpu.memory_space<vmem>>
        %dma_start3A_177 = tpu.memref_squeeze %dma_start3A_176 : memref<1x80xi32, #tpu.memory_space<vmem>> -> memref<80xi32, #tpu.memory_space<vmem>>
        %dma_start3A_178 = arith.constant 0 : i32
        %dma_start3A_179 = arith.constant 0 : i32
        %dma_start3A_180 = tpu.memref_slice %arg16[%dma_start3A_178, %dma_start3A_179] : memref<10240x64xf32, #tpu.memory_space<vmem_shared>> -> memref<10240x64xf32, #tpu.memory_space<vmem_shared>>
        tpu.enqueue_indirect_dma source(%arg14 : memref<80x64xf32, #tpu.memory_space<vmem>>) target(%dma_start3A_180 : memref<10240x64xf32, #tpu.memory_space<vmem_shared>>) offsets(%dma_start3A_177 : memref<80xi32, #tpu.memory_space<vmem>>) semaphore(%run_scoped3A : memref<!tpu.dma_semaphore, #tpu.memory_space<semaphore_mem>>) {add = true}
        %dma_wait3A_181 = arith.constant 0 : i32
        %dma_wait3A_182 = tpu.memref_slice %arg10[%add3A_144, %dma_wait3A_181] : memref<125x80xi32, #tpu.memory_space<vmem>> -> memref<1x80xi32, #tpu.memory_space<vmem>>
        %dma_wait3A_183 = tpu.memref_squeeze %dma_wait3A_182 : memref<1x80xi32, #tpu.memory_space<vmem>> -> memref<80xi32, #tpu.memory_space<vmem>>
        %dma_wait3A_184 = arith.constant 0 : i32
        %dma_wait3A_185 = arith.constant 0 : i32
        %dma_wait3A_186 = tpu.memref_slice %arg16[%dma_wait3A_184, %dma_wait3A_185] : memref<10240x64xf32, #tpu.memory_space<vmem_shared>> -> memref<10240x64xf32, #tpu.memory_space<vmem_shared>>
        tpu.wait_indirect_dma semaphore(%run_scoped3A : memref<!tpu.dma_semaphore, #tpu.memory_space<semaphore_mem>>) src(%arg14 : memref<80x64xf32, #tpu.memory_space<vmem>>) dst(%dma_wait3A_186 : memref<10240x64xf32, #tpu.memory_space<vmem_shared>>)
        tpu.yield
      }) : () -> ()
      %add3A_151 = arith.constant 5 : i32
      %add3A_152 = arith.addi %add3A_144, %add3A_151 : i32
      %lt3A_153 = arith.constant 125 : i32
      %lt3A_154 = arith.cmpi slt, %add3A_152, %lt3A_153 : i32
      %convert_element_type3A_155 = arith.extui %lt3A_154 : i1 to i32
      %cond3A_156 = arith.constant 0 : i32
      %cond3A_157 = arith.cmpi ne, %convert_element_type3A_155, %cond3A_156 : i32
      scf.if %cond3A_157 {
        %add3A_175 = arith.constant 5 : i32
        %add3A_176 = arith.addi %add3A_144, %add3A_175 : i32
        %dma_start3A_177 = arith.constant 0 : i32
        %dma_start3A_178 = tpu.memref_slice %arg8[%add3A_176, %dma_start3A_177] : memref<125x80xi32, #tpu.memory_space<vmem>> -> memref<1x80xi32, #tpu.memory_space<vmem>>
        %dma_start3A_179 = tpu.memref_squeeze %dma_start3A_178 : memref<1x80xi32, #tpu.memory_space<vmem>> -> memref<80xi32, #tpu.memory_space<vmem>>
        %dma_start3A_180 = arith.constant 0 : i32
        %dma_start3A_181 = arith.constant 0 : i32
        %dma_start3A_182 = tpu.memref_slice %arg2[%dma_start3A_180, %dma_start3A_181] : memref<20000x64xf32, #tpu.memory_space<hbm>> -> memref<20000x64xf32, #tpu.memory_space<hbm>>
        tpu.enqueue_indirect_dma source(%dma_start3A_182 : memref<20000x64xf32, #tpu.memory_space<hbm>>) target(%arg14 : memref<80x64xf32, #tpu.memory_space<vmem>>) offsets(%dma_start3A_179 : memref<80xi32, #tpu.memory_space<vmem>>) semaphore(%arg20 : memref<!tpu.dma_semaphore, #tpu.memory_space<semaphore_mem>>)
      } else {
      }
      %mul3A_158 = arith.constant 5 : i32
      %mul3A_159 = arith.muli %mul3A_158, %scan3A_93 : i32
      %add3A_160 = arith.constant 4 : i32
      %add3A_161 = arith.addi %mul3A_159, %add3A_160 : i32
      %dma_wait3A_162 = arith.constant 0 : i32
      %dma_wait3A_163 = tpu.memref_slice %arg8[%add3A_161, %dma_wait3A_162] : memref<125x80xi32, #tpu.memory_space<vmem>> -> memref<1x80xi32, #tpu.memory_space<vmem>>
      %dma_wait3A_164 = tpu.memref_squeeze %dma_wait3A_163 : memref<1x80xi32, #tpu.memory_space<vmem>> -> memref<80xi32, #tpu.memory_space<vmem>>
      %dma_wait3A_165 = arith.constant 0 : i32
      %dma_wait3A_166 = arith.constant 0 : i32
      %dma_wait3A_167 = tpu.memref_slice %arg2[%dma_wait3A_165, %dma_wait3A_166] : memref<20000x64xf32, #tpu.memory_space<hbm>> -> memref<20000x64xf32, #tpu.memory_space<hbm>>
      tpu.wait_indirect_dma semaphore(%arg21 : memref<!tpu.dma_semaphore, #tpu.memory_space<semaphore_mem>>) src(%dma_wait3A_167 : memref<20000x64xf32, #tpu.memory_space<hbm>>) dst(%arg15 : memref<80x64xf32, #tpu.memory_space<vmem>>)
      "tpu.region"() ({
        %run_scoped3A = tpu.sem_alloc : memref<!tpu.dma_semaphore, #tpu.memory_space<semaphore_mem>>
        %dma_start3A_175 = arith.constant 0 : i32
        %dma_start3A_176 = tpu.memref_slice %arg10[%add3A_161, %dma_start3A_175] : memref<125x80xi32, #tpu.memory_space<vmem>> -> memref<1x80xi32, #tpu.memory_space<vmem>>
        %dma_start3A_177 = tpu.memref_squeeze %dma_start3A_176 : memref<1x80xi32, #tpu.memory_space<vmem>> -> memref<80xi32, #tpu.memory_space<vmem>>
        %dma_start3A_178 = arith.constant 0 : i32
        %dma_start3A_179 = arith.constant 0 : i32
        %dma_start3A_180 = tpu.memref_slice %arg16[%dma_start3A_178, %dma_start3A_179] : memref<10240x64xf32, #tpu.memory_space<vmem_shared>> -> memref<10240x64xf32, #tpu.memory_space<vmem_shared>>
        tpu.enqueue_indirect_dma source(%arg15 : memref<80x64xf32, #tpu.memory_space<vmem>>) target(%dma_start3A_180 : memref<10240x64xf32, #tpu.memory_space<vmem_shared>>) offsets(%dma_start3A_177 : memref<80xi32, #tpu.memory_space<vmem>>) semaphore(%run_scoped3A : memref<!tpu.dma_semaphore, #tpu.memory_space<semaphore_mem>>) {add = true}
        %dma_wait3A_181 = arith.constant 0 : i32
        %dma_wait3A_182 = tpu.memref_slice %arg10[%add3A_161, %dma_wait3A_181] : memref<125x80xi32, #tpu.memory_space<vmem>> -> memref<1x80xi32, #tpu.memory_space<vmem>>
        %dma_wait3A_183 = tpu.memref_squeeze %dma_wait3A_182 : memref<1x80xi32, #tpu.memory_space<vmem>> -> memref<80xi32, #tpu.memory_space<vmem>>
        %dma_wait3A_184 = arith.constant 0 : i32
        %dma_wait3A_185 = arith.constant 0 : i32
        %dma_wait3A_186 = tpu.memref_slice %arg16[%dma_wait3A_184, %dma_wait3A_185] : memref<10240x64xf32, #tpu.memory_space<vmem_shared>> -> memref<10240x64xf32, #tpu.memory_space<vmem_shared>>
        tpu.wait_indirect_dma semaphore(%run_scoped3A : memref<!tpu.dma_semaphore, #tpu.memory_space<semaphore_mem>>) src(%arg15 : memref<80x64xf32, #tpu.memory_space<vmem>>) dst(%dma_wait3A_186 : memref<10240x64xf32, #tpu.memory_space<vmem_shared>>)
        tpu.yield
      }) : () -> ()
      %add3A_168 = arith.constant 5 : i32
      %add3A_169 = arith.addi %add3A_161, %add3A_168 : i32
      %lt3A_170 = arith.constant 125 : i32
      %lt3A_171 = arith.cmpi slt, %add3A_169, %lt3A_170 : i32
      %convert_element_type3A_172 = arith.extui %lt3A_171 : i1 to i32
      %cond3A_173 = arith.constant 0 : i32
      %cond3A_174 = arith.cmpi ne, %convert_element_type3A_172, %cond3A_173 : i32
      scf.if %cond3A_174 {
        %add3A_175 = arith.constant 5 : i32
        %add3A_176 = arith.addi %add3A_161, %add3A_175 : i32
        %dma_start3A_177 = arith.constant 0 : i32
        %dma_start3A_178 = tpu.memref_slice %arg8[%add3A_176, %dma_start3A_177] : memref<125x80xi32, #tpu.memory_space<vmem>> -> memref<1x80xi32, #tpu.memory_space<vmem>>
        %dma_start3A_179 = tpu.memref_squeeze %dma_start3A_178 : memref<1x80xi32, #tpu.memory_space<vmem>> -> memref<80xi32, #tpu.memory_space<vmem>>
        %dma_start3A_180 = arith.constant 0 : i32
        %dma_start3A_181 = arith.constant 0 : i32
        %dma_start3A_182 = tpu.memref_slice %arg2[%dma_start3A_180, %dma_start3A_181] : memref<20000x64xf32, #tpu.memory_space<hbm>> -> memref<20000x64xf32, #tpu.memory_space<hbm>>
        tpu.enqueue_indirect_dma source(%dma_start3A_182 : memref<20000x64xf32, #tpu.memory_space<hbm>>) target(%arg15 : memref<80x64xf32, #tpu.memory_space<vmem>>) offsets(%dma_start3A_179 : memref<80xi32, #tpu.memory_space<vmem>>) semaphore(%arg21 : memref<!tpu.dma_semaphore, #tpu.memory_space<semaphore_mem>>)
      } else {
      }
    }
    %scan3A_47 = arith.constant 25 : i32
    %barrier3A_48 = arith.constant 0 : index
    tpu.barrier barrier_id(%barrier3A_48)
    "tpu.region"() ({
      %run_scoped3A = tpu.sem_alloc : memref<!tpu.dma_semaphore, #tpu.memory_space<semaphore_mem>>
      %dma_start3A_93 = arith.constant 0 : i32
      %dma_start3A_94 = arith.constant 0 : i32
      %dma_start3A_95 = tpu.memref_slice %arg6[%arg0, %dma_start3A_93, %dma_start3A_94] : memref<2x10240x128xf32, #tpu.memory_space<hbm>> -> memref<1x10240x128xf32, #tpu.memory_space<hbm>>
      %dma_start3A_96 = tpu.memref_squeeze %dma_start3A_95 : memref<1x10240x128xf32, #tpu.memory_space<hbm>> -> memref<10240x128xf32, #tpu.memory_space<hbm>>
      %dma_start3A_97 = arith.constant 0 : i32
      %dma_start3A_98 = tpu.memref_slice %dma_start3A_96[%mul3A_2, %dma_start3A_97] : memref<10240x128xf32, #tpu.memory_space<hbm>> -> memref<640x128xf32, #tpu.memory_space<hbm>>
      %dma_start3A_99 = arith.constant 0 : i32
      %dma_start3A_100 = arith.constant 0 : i32
      %dma_start3A_101 = tpu.memref_slice %dma_start3A_98[%dma_start3A_99, %dma_start3A_100] : memref<640x128xf32, #tpu.memory_space<hbm>> -> memref<640x64xf32, #tpu.memory_space<hbm>>
      %dma_start3A_102 = arith.constant 0 : i32
      %dma_start3A_103 = tpu.memref_slice %arg16[%mul3A_2, %dma_start3A_102] : memref<10240x64xf32, #tpu.memory_space<vmem_shared>> -> memref<640x64xf32, #tpu.memory_space<vmem_shared>>
      tpu.enqueue_dma source(%dma_start3A_103 : memref<640x64xf32, #tpu.memory_space<vmem_shared>>) target(%dma_start3A_101 : memref<640x64xf32, #tpu.memory_space<hbm>>) target_semaphore(%run_scoped3A : memref<!tpu.dma_semaphore, #tpu.memory_space<semaphore_mem>>)
      %dma_wait3A = arith.constant 0 : i32
      %dma_wait3A_104 = arith.constant 0 : i32
      %dma_wait3A_105 = tpu.memref_slice %arg6[%arg0, %dma_wait3A, %dma_wait3A_104] : memref<2x10240x128xf32, #tpu.memory_space<hbm>> -> memref<1x10240x128xf32, #tpu.memory_space<hbm>>
      %dma_wait3A_106 = tpu.memref_squeeze %dma_wait3A_105 : memref<1x10240x128xf32, #tpu.memory_space<hbm>> -> memref<10240x128xf32, #tpu.memory_space<hbm>>
      %dma_wait3A_107 = arith.constant 0 : i32
      %dma_wait3A_108 = tpu.memref_slice %dma_wait3A_106[%mul3A_2, %dma_wait3A_107] : memref<10240x128xf32, #tpu.memory_space<hbm>> -> memref<640x128xf32, #tpu.memory_space<hbm>>
      %dma_wait3A_109 = arith.constant 0 : i32
      %dma_wait3A_110 = arith.constant 0 : i32
      %dma_wait3A_111 = tpu.memref_slice %dma_wait3A_108[%dma_wait3A_109, %dma_wait3A_110] : memref<640x128xf32, #tpu.memory_space<hbm>> -> memref<640x64xf32, #tpu.memory_space<hbm>>
      %dma_wait3A_112 = arith.constant 0 : i32
      %dma_wait3A_113 = tpu.memref_slice %arg16[%mul3A_2, %dma_wait3A_112] : memref<10240x64xf32, #tpu.memory_space<vmem_shared>> -> memref<640x64xf32, #tpu.memory_space<vmem_shared>>
      tpu.wait_dma2 semaphore(%run_scoped3A : memref<!tpu.dma_semaphore, #tpu.memory_space<semaphore_mem>>) src(%dma_wait3A_113 : memref<640x64xf32, #tpu.memory_space<vmem_shared>>) dst(%dma_wait3A_111 : memref<640x64xf32, #tpu.memory_space<hbm>>)
      tpu.yield
    }) : () -> ()
    %barrier3A_49 = arith.constant 0 : index
    tpu.barrier barrier_id(%barrier3A_49)
    %dma_start3A_50 = arith.constant 0 : i32
    %dma_start3A_51 = arith.constant 0 : i32
    %dma_start3A_52 = tpu.memref_slice %arg9[%dma_start3A_50, %dma_start3A_51] : memref<125x80xi32, #tpu.memory_space<vmem>> -> memref<1x80xi32, #tpu.memory_space<vmem>>
    %dma_start3A_53 = tpu.memref_squeeze %dma_start3A_52 : memref<1x80xi32, #tpu.memory_space<vmem>> -> memref<80xi32, #tpu.memory_space<vmem>>
    %dma_start3A_54 = arith.constant 0 : i32
    %dma_start3A_55 = arith.constant 0 : i32
    %dma_start3A_56 = tpu.memref_slice %arg2[%dma_start3A_54, %dma_start3A_55] : memref<20000x64xf32, #tpu.memory_space<hbm>> -> memref<20000x64xf32, #tpu.memory_space<hbm>>
    tpu.enqueue_indirect_dma source(%dma_start3A_56 : memref<20000x64xf32, #tpu.memory_space<hbm>>) target(%arg11 : memref<80x64xf32, #tpu.memory_space<vmem>>) offsets(%dma_start3A_53 : memref<80xi32, #tpu.memory_space<vmem>>) semaphore(%arg17 : memref<!tpu.dma_semaphore, #tpu.memory_space<semaphore_mem>>)
    %dma_start3A_57 = arith.constant 1 : i32
    %dma_start3A_58 = arith.constant 0 : i32
    %dma_start3A_59 = tpu.memref_slice %arg9[%dma_start3A_57, %dma_start3A_58] : memref<125x80xi32, #tpu.memory_space<vmem>> -> memref<1x80xi32, #tpu.memory_space<vmem>>
    %dma_start3A_60 = tpu.memref_squeeze %dma_start3A_59 : memref<1x80xi32, #tpu.memory_space<vmem>> -> memref<80xi32, #tpu.memory_space<vmem>>
    %dma_start3A_61 = arith.constant 0 : i32
    %dma_start3A_62 = arith.constant 0 : i32
    %dma_start3A_63 = tpu.memref_slice %arg2[%dma_start3A_61, %dma_start3A_62] : memref<20000x64xf32, #tpu.memory_space<hbm>> -> memref<20000x64xf32, #tpu.memory_space<hbm>>
    tpu.enqueue_indirect_dma source(%dma_start3A_63 : memref<20000x64xf32, #tpu.memory_space<hbm>>) target(%arg12 : memref<80x64xf32, #tpu.memory_space<vmem>>) offsets(%dma_start3A_60 : memref<80xi32, #tpu.memory_space<vmem>>) semaphore(%arg18 : memref<!tpu.dma_semaphore, #tpu.memory_space<semaphore_mem>>)
    %dma_start3A_64 = arith.constant 2 : i32
    %dma_start3A_65 = arith.constant 0 : i32
    %dma_start3A_66 = tpu.memref_slice %arg9[%dma_start3A_64, %dma_start3A_65] : memref<125x80xi32, #tpu.memory_space<vmem>> -> memref<1x80xi32, #tpu.memory_space<vmem>>
    %dma_start3A_67 = tpu.memref_squeeze %dma_start3A_66 : memref<1x80xi32, #tpu.memory_space<vmem>> -> memref<80xi32, #tpu.memory_space<vmem>>
    %dma_start3A_68 = arith.constant 0 : i32
    %dma_start3A_69 = arith.constant 0 : i32
    %dma_start3A_70 = tpu.memref_slice %arg2[%dma_start3A_68, %dma_start3A_69] : memref<20000x64xf32, #tpu.memory_space<hbm>> -> memref<20000x64xf32, #tpu.memory_space<hbm>>
    tpu.enqueue_indirect_dma source(%dma_start3A_70 : memref<20000x64xf32, #tpu.memory_space<hbm>>) target(%arg13 : memref<80x64xf32, #tpu.memory_space<vmem>>) offsets(%dma_start3A_67 : memref<80xi32, #tpu.memory_space<vmem>>) semaphore(%arg19 : memref<!tpu.dma_semaphore, #tpu.memory_space<semaphore_mem>>)
    %dma_start3A_71 = arith.constant 3 : i32
    %dma_start3A_72 = arith.constant 0 : i32
    %dma_start3A_73 = tpu.memref_slice %arg9[%dma_start3A_71, %dma_start3A_72] : memref<125x80xi32, #tpu.memory_space<vmem>> -> memref<1x80xi32, #tpu.memory_space<vmem>>
    %dma_start3A_74 = tpu.memref_squeeze %dma_start3A_73 : memref<1x80xi32, #tpu.memory_space<vmem>> -> memref<80xi32, #tpu.memory_space<vmem>>
    %dma_start3A_75 = arith.constant 0 : i32
    %dma_start3A_76 = arith.constant 0 : i32
    %dma_start3A_77 = tpu.memref_slice %arg2[%dma_start3A_75, %dma_start3A_76] : memref<20000x64xf32, #tpu.memory_space<hbm>> -> memref<20000x64xf32, #tpu.memory_space<hbm>>
    tpu.enqueue_indirect_dma source(%dma_start3A_77 : memref<20000x64xf32, #tpu.memory_space<hbm>>) target(%arg14 : memref<80x64xf32, #tpu.memory_space<vmem>>) offsets(%dma_start3A_74 : memref<80xi32, #tpu.memory_space<vmem>>) semaphore(%arg20 : memref<!tpu.dma_semaphore, #tpu.memory_space<semaphore_mem>>)
    %dma_start3A_78 = arith.constant 4 : i32
    %dma_start3A_79 = arith.constant 0 : i32
    %dma_start3A_80 = tpu.memref_slice %arg9[%dma_start3A_78, %dma_start3A_79] : memref<125x80xi32, #tpu.memory_space<vmem>> -> memref<1x80xi32, #tpu.memory_space<vmem>>
    %dma_start3A_81 = tpu.memref_squeeze %dma_start3A_80 : memref<1x80xi32, #tpu.memory_space<vmem>> -> memref<80xi32, #tpu.memory_space<vmem>>
    %dma_start3A_82 = arith.constant 0 : i32
    %dma_start3A_83 = arith.constant 0 : i32
    %dma_start3A_84 = tpu.memref_slice %arg2[%dma_start3A_82, %dma_start3A_83] : memref<20000x64xf32, #tpu.memory_space<hbm>> -> memref<20000x64xf32, #tpu.memory_space<hbm>>
    tpu.enqueue_indirect_dma source(%dma_start3A_84 : memref<20000x64xf32, #tpu.memory_space<hbm>>) target(%arg15 : memref<80x64xf32, #tpu.memory_space<vmem>>) offsets(%dma_start3A_81 : memref<80xi32, #tpu.memory_space<vmem>>) semaphore(%arg21 : memref<!tpu.dma_semaphore, #tpu.memory_space<semaphore_mem>>)
    "tpu.region"() ({
      %run_scoped3A = tpu.sem_alloc : memref<!tpu.dma_semaphore, #tpu.memory_space<semaphore_mem>>
      %dma_start3A_93 = arith.constant 0 : i32
      %dma_start3A_94 = tpu.memref_slice %arg16[%mul3A_2, %dma_start3A_93] : memref<10240x64xf32, #tpu.memory_space<vmem_shared>> -> memref<640x64xf32, #tpu.memory_space<vmem_shared>>
      tpu.enqueue_dma source(%arg5 : memref<640x64xf32, #tpu.memory_space<hbm>>) target(%dma_start3A_94 : memref<640x64xf32, #tpu.memory_space<vmem_shared>>) target_semaphore(%run_scoped3A : memref<!tpu.dma_semaphore, #tpu.memory_space<semaphore_mem>>)
      %dma_wait3A = arith.constant 0 : i32
      %dma_wait3A_95 = tpu.memref_slice %arg16[%mul3A_2, %dma_wait3A] : memref<10240x64xf32, #tpu.memory_space<vmem_shared>> -> memref<640x64xf32, #tpu.memory_space<vmem_shared>>
      tpu.wait_dma2 semaphore(%run_scoped3A : memref<!tpu.dma_semaphore, #tpu.memory_space<semaphore_mem>>) src(%arg5 : memref<640x64xf32, #tpu.memory_space<hbm>>) dst(%dma_wait3A_95 : memref<640x64xf32, #tpu.memory_space<vmem_shared>>)
      tpu.yield
    }) : () -> ()
    %barrier3A_85 = arith.constant 0 : index
    tpu.barrier barrier_id(%barrier3A_85)
    %scan3A_86 = arith.constant 0 : i32
    %scan3A_87 = arith.constant 0 : i32
    %scan3A_88 = arith.constant 25 : i32
    %scan3A_89 = arith.addi %scan3A_87, %scan3A_88 : i32
    %scan3A_90 = arith.constant 1 : i32
    scf.for %scan3A_93 = %scan3A_87 to %scan3A_89 step %scan3A_90  : i32 {
      %mul3A_94 = arith.constant 5 : i32
      %mul3A_95 = arith.muli %mul3A_94, %scan3A_93 : i32
      %add3A_96 = arith.constant 0 : i32
      %add3A_97 = arith.addi %mul3A_95, %add3A_96 : i32
      %dma_wait3A = arith.constant 0 : i32
      %dma_wait3A_98 = tpu.memref_slice %arg9[%add3A_97, %dma_wait3A] : memref<125x80xi32, #tpu.memory_space<vmem>> -> memref<1x80xi32, #tpu.memory_space<vmem>>
      %dma_wait3A_99 = tpu.memref_squeeze %dma_wait3A_98 : memref<1x80xi32, #tpu.memory_space<vmem>> -> memref<80xi32, #tpu.memory_space<vmem>>
      %dma_wait3A_100 = arith.constant 0 : i32
      %dma_wait3A_101 = arith.constant 0 : i32
      %dma_wait3A_102 = tpu.memref_slice %arg2[%dma_wait3A_100, %dma_wait3A_101] : memref<20000x64xf32, #tpu.memory_space<hbm>> -> memref<20000x64xf32, #tpu.memory_space<hbm>>
      tpu.wait_indirect_dma semaphore(%arg17 : memref<!tpu.dma_semaphore, #tpu.memory_space<semaphore_mem>>) src(%dma_wait3A_102 : memref<20000x64xf32, #tpu.memory_space<hbm>>) dst(%arg11 : memref<80x64xf32, #tpu.memory_space<vmem>>)
      "tpu.region"() ({
        %run_scoped3A = tpu.sem_alloc : memref<!tpu.dma_semaphore, #tpu.memory_space<semaphore_mem>>
        %dma_start3A_175 = arith.constant 0 : i32
        %dma_start3A_176 = tpu.memref_slice %arg10[%add3A_97, %dma_start3A_175] : memref<125x80xi32, #tpu.memory_space<vmem>> -> memref<1x80xi32, #tpu.memory_space<vmem>>
        %dma_start3A_177 = tpu.memref_squeeze %dma_start3A_176 : memref<1x80xi32, #tpu.memory_space<vmem>> -> memref<80xi32, #tpu.memory_space<vmem>>
        %dma_start3A_178 = arith.constant 0 : i32
        %dma_start3A_179 = arith.constant 0 : i32
        %dma_start3A_180 = tpu.memref_slice %arg16[%dma_start3A_178, %dma_start3A_179] : memref<10240x64xf32, #tpu.memory_space<vmem_shared>> -> memref<10240x64xf32, #tpu.memory_space<vmem_shared>>
        tpu.enqueue_indirect_dma source(%arg11 : memref<80x64xf32, #tpu.memory_space<vmem>>) target(%dma_start3A_180 : memref<10240x64xf32, #tpu.memory_space<vmem_shared>>) offsets(%dma_start3A_177 : memref<80xi32, #tpu.memory_space<vmem>>) semaphore(%run_scoped3A : memref<!tpu.dma_semaphore, #tpu.memory_space<semaphore_mem>>) {add = true}
        %dma_wait3A_181 = arith.constant 0 : i32
        %dma_wait3A_182 = tpu.memref_slice %arg10[%add3A_97, %dma_wait3A_181] : memref<125x80xi32, #tpu.memory_space<vmem>> -> memref<1x80xi32, #tpu.memory_space<vmem>>
        %dma_wait3A_183 = tpu.memref_squeeze %dma_wait3A_182 : memref<1x80xi32, #tpu.memory_space<vmem>> -> memref<80xi32, #tpu.memory_space<vmem>>
        %dma_wait3A_184 = arith.constant 0 : i32
        %dma_wait3A_185 = arith.constant 0 : i32
        %dma_wait3A_186 = tpu.memref_slice %arg16[%dma_wait3A_184, %dma_wait3A_185] : memref<10240x64xf32, #tpu.memory_space<vmem_shared>> -> memref<10240x64xf32, #tpu.memory_space<vmem_shared>>
        tpu.wait_indirect_dma semaphore(%run_scoped3A : memref<!tpu.dma_semaphore, #tpu.memory_space<semaphore_mem>>) src(%arg11 : memref<80x64xf32, #tpu.memory_space<vmem>>) dst(%dma_wait3A_186 : memref<10240x64xf32, #tpu.memory_space<vmem_shared>>)
        tpu.yield
      }) : () -> ()
      %add3A_103 = arith.constant 5 : i32
      %add3A_104 = arith.addi %add3A_97, %add3A_103 : i32
      %lt3A = arith.constant 125 : i32
      %lt3A_105 = arith.cmpi slt, %add3A_104, %lt3A : i32
      %convert_element_type3A = arith.extui %lt3A_105 : i1 to i32
      %cond3A = arith.constant 0 : i32
      %cond3A_106 = arith.cmpi ne, %convert_element_type3A, %cond3A : i32
      scf.if %cond3A_106 {
        %add3A_175 = arith.constant 5 : i32
        %add3A_176 = arith.addi %add3A_97, %add3A_175 : i32
        %dma_start3A_177 = arith.constant 0 : i32
        %dma_start3A_178 = tpu.memref_slice %arg9[%add3A_176, %dma_start3A_177] : memref<125x80xi32, #tpu.memory_space<vmem>> -> memref<1x80xi32, #tpu.memory_space<vmem>>
        %dma_start3A_179 = tpu.memref_squeeze %dma_start3A_178 : memref<1x80xi32, #tpu.memory_space<vmem>> -> memref<80xi32, #tpu.memory_space<vmem>>
        %dma_start3A_180 = arith.constant 0 : i32
        %dma_start3A_181 = arith.constant 0 : i32
        %dma_start3A_182 = tpu.memref_slice %arg2[%dma_start3A_180, %dma_start3A_181] : memref<20000x64xf32, #tpu.memory_space<hbm>> -> memref<20000x64xf32, #tpu.memory_space<hbm>>
        tpu.enqueue_indirect_dma source(%dma_start3A_182 : memref<20000x64xf32, #tpu.memory_space<hbm>>) target(%arg11 : memref<80x64xf32, #tpu.memory_space<vmem>>) offsets(%dma_start3A_179 : memref<80xi32, #tpu.memory_space<vmem>>) semaphore(%arg17 : memref<!tpu.dma_semaphore, #tpu.memory_space<semaphore_mem>>)
      } else {
      }
      %mul3A_107 = arith.constant 5 : i32
      %mul3A_108 = arith.muli %mul3A_107, %scan3A_93 : i32
      %add3A_109 = arith.constant 1 : i32
      %add3A_110 = arith.addi %mul3A_108, %add3A_109 : i32
      %dma_wait3A_111 = arith.constant 0 : i32
      %dma_wait3A_112 = tpu.memref_slice %arg9[%add3A_110, %dma_wait3A_111] : memref<125x80xi32, #tpu.memory_space<vmem>> -> memref<1x80xi32, #tpu.memory_space<vmem>>
      %dma_wait3A_113 = tpu.memref_squeeze %dma_wait3A_112 : memref<1x80xi32, #tpu.memory_space<vmem>> -> memref<80xi32, #tpu.memory_space<vmem>>
      %dma_wait3A_114 = arith.constant 0 : i32
      %dma_wait3A_115 = arith.constant 0 : i32
      %dma_wait3A_116 = tpu.memref_slice %arg2[%dma_wait3A_114, %dma_wait3A_115] : memref<20000x64xf32, #tpu.memory_space<hbm>> -> memref<20000x64xf32, #tpu.memory_space<hbm>>
      tpu.wait_indirect_dma semaphore(%arg18 : memref<!tpu.dma_semaphore, #tpu.memory_space<semaphore_mem>>) src(%dma_wait3A_116 : memref<20000x64xf32, #tpu.memory_space<hbm>>) dst(%arg12 : memref<80x64xf32, #tpu.memory_space<vmem>>)
      "tpu.region"() ({
        %run_scoped3A = tpu.sem_alloc : memref<!tpu.dma_semaphore, #tpu.memory_space<semaphore_mem>>
        %dma_start3A_175 = arith.constant 0 : i32
        %dma_start3A_176 = tpu.memref_slice %arg10[%add3A_110, %dma_start3A_175] : memref<125x80xi32, #tpu.memory_space<vmem>> -> memref<1x80xi32, #tpu.memory_space<vmem>>
        %dma_start3A_177 = tpu.memref_squeeze %dma_start3A_176 : memref<1x80xi32, #tpu.memory_space<vmem>> -> memref<80xi32, #tpu.memory_space<vmem>>
        %dma_start3A_178 = arith.constant 0 : i32
        %dma_start3A_179 = arith.constant 0 : i32
        %dma_start3A_180 = tpu.memref_slice %arg16[%dma_start3A_178, %dma_start3A_179] : memref<10240x64xf32, #tpu.memory_space<vmem_shared>> -> memref<10240x64xf32, #tpu.memory_space<vmem_shared>>
        tpu.enqueue_indirect_dma source(%arg12 : memref<80x64xf32, #tpu.memory_space<vmem>>) target(%dma_start3A_180 : memref<10240x64xf32, #tpu.memory_space<vmem_shared>>) offsets(%dma_start3A_177 : memref<80xi32, #tpu.memory_space<vmem>>) semaphore(%run_scoped3A : memref<!tpu.dma_semaphore, #tpu.memory_space<semaphore_mem>>) {add = true}
        %dma_wait3A_181 = arith.constant 0 : i32
        %dma_wait3A_182 = tpu.memref_slice %arg10[%add3A_110, %dma_wait3A_181] : memref<125x80xi32, #tpu.memory_space<vmem>> -> memref<1x80xi32, #tpu.memory_space<vmem>>
        %dma_wait3A_183 = tpu.memref_squeeze %dma_wait3A_182 : memref<1x80xi32, #tpu.memory_space<vmem>> -> memref<80xi32, #tpu.memory_space<vmem>>
        %dma_wait3A_184 = arith.constant 0 : i32
        %dma_wait3A_185 = arith.constant 0 : i32
        %dma_wait3A_186 = tpu.memref_slice %arg16[%dma_wait3A_184, %dma_wait3A_185] : memref<10240x64xf32, #tpu.memory_space<vmem_shared>> -> memref<10240x64xf32, #tpu.memory_space<vmem_shared>>
        tpu.wait_indirect_dma semaphore(%run_scoped3A : memref<!tpu.dma_semaphore, #tpu.memory_space<semaphore_mem>>) src(%arg12 : memref<80x64xf32, #tpu.memory_space<vmem>>) dst(%dma_wait3A_186 : memref<10240x64xf32, #tpu.memory_space<vmem_shared>>)
        tpu.yield
      }) : () -> ()
      %add3A_117 = arith.constant 5 : i32
      %add3A_118 = arith.addi %add3A_110, %add3A_117 : i32
      %lt3A_119 = arith.constant 125 : i32
      %lt3A_120 = arith.cmpi slt, %add3A_118, %lt3A_119 : i32
      %convert_element_type3A_121 = arith.extui %lt3A_120 : i1 to i32
      %cond3A_122 = arith.constant 0 : i32
      %cond3A_123 = arith.cmpi ne, %convert_element_type3A_121, %cond3A_122 : i32
      scf.if %cond3A_123 {
        %add3A_175 = arith.constant 5 : i32
        %add3A_176 = arith.addi %add3A_110, %add3A_175 : i32
        %dma_start3A_177 = arith.constant 0 : i32
        %dma_start3A_178 = tpu.memref_slice %arg9[%add3A_176, %dma_start3A_177] : memref<125x80xi32, #tpu.memory_space<vmem>> -> memref<1x80xi32, #tpu.memory_space<vmem>>
        %dma_start3A_179 = tpu.memref_squeeze %dma_start3A_178 : memref<1x80xi32, #tpu.memory_space<vmem>> -> memref<80xi32, #tpu.memory_space<vmem>>
        %dma_start3A_180 = arith.constant 0 : i32
        %dma_start3A_181 = arith.constant 0 : i32
        %dma_start3A_182 = tpu.memref_slice %arg2[%dma_start3A_180, %dma_start3A_181] : memref<20000x64xf32, #tpu.memory_space<hbm>> -> memref<20000x64xf32, #tpu.memory_space<hbm>>
        tpu.enqueue_indirect_dma source(%dma_start3A_182 : memref<20000x64xf32, #tpu.memory_space<hbm>>) target(%arg12 : memref<80x64xf32, #tpu.memory_space<vmem>>) offsets(%dma_start3A_179 : memref<80xi32, #tpu.memory_space<vmem>>) semaphore(%arg18 : memref<!tpu.dma_semaphore, #tpu.memory_space<semaphore_mem>>)
      } else {
      }
      %mul3A_124 = arith.constant 5 : i32
      %mul3A_125 = arith.muli %mul3A_124, %scan3A_93 : i32
      %add3A_126 = arith.constant 2 : i32
      %add3A_127 = arith.addi %mul3A_125, %add3A_126 : i32
      %dma_wait3A_128 = arith.constant 0 : i32
      %dma_wait3A_129 = tpu.memref_slice %arg9[%add3A_127, %dma_wait3A_128] : memref<125x80xi32, #tpu.memory_space<vmem>> -> memref<1x80xi32, #tpu.memory_space<vmem>>
      %dma_wait3A_130 = tpu.memref_squeeze %dma_wait3A_129 : memref<1x80xi32, #tpu.memory_space<vmem>> -> memref<80xi32, #tpu.memory_space<vmem>>
      %dma_wait3A_131 = arith.constant 0 : i32
      %dma_wait3A_132 = arith.constant 0 : i32
      %dma_wait3A_133 = tpu.memref_slice %arg2[%dma_wait3A_131, %dma_wait3A_132] : memref<20000x64xf32, #tpu.memory_space<hbm>> -> memref<20000x64xf32, #tpu.memory_space<hbm>>
      tpu.wait_indirect_dma semaphore(%arg19 : memref<!tpu.dma_semaphore, #tpu.memory_space<semaphore_mem>>) src(%dma_wait3A_133 : memref<20000x64xf32, #tpu.memory_space<hbm>>) dst(%arg13 : memref<80x64xf32, #tpu.memory_space<vmem>>)
      "tpu.region"() ({
        %run_scoped3A = tpu.sem_alloc : memref<!tpu.dma_semaphore, #tpu.memory_space<semaphore_mem>>
        %dma_start3A_175 = arith.constant 0 : i32
        %dma_start3A_176 = tpu.memref_slice %arg10[%add3A_127, %dma_start3A_175] : memref<125x80xi32, #tpu.memory_space<vmem>> -> memref<1x80xi32, #tpu.memory_space<vmem>>
        %dma_start3A_177 = tpu.memref_squeeze %dma_start3A_176 : memref<1x80xi32, #tpu.memory_space<vmem>> -> memref<80xi32, #tpu.memory_space<vmem>>
        %dma_start3A_178 = arith.constant 0 : i32
        %dma_start3A_179 = arith.constant 0 : i32
        %dma_start3A_180 = tpu.memref_slice %arg16[%dma_start3A_178, %dma_start3A_179] : memref<10240x64xf32, #tpu.memory_space<vmem_shared>> -> memref<10240x64xf32, #tpu.memory_space<vmem_shared>>
        tpu.enqueue_indirect_dma source(%arg13 : memref<80x64xf32, #tpu.memory_space<vmem>>) target(%dma_start3A_180 : memref<10240x64xf32, #tpu.memory_space<vmem_shared>>) offsets(%dma_start3A_177 : memref<80xi32, #tpu.memory_space<vmem>>) semaphore(%run_scoped3A : memref<!tpu.dma_semaphore, #tpu.memory_space<semaphore_mem>>) {add = true}
        %dma_wait3A_181 = arith.constant 0 : i32
        %dma_wait3A_182 = tpu.memref_slice %arg10[%add3A_127, %dma_wait3A_181] : memref<125x80xi32, #tpu.memory_space<vmem>> -> memref<1x80xi32, #tpu.memory_space<vmem>>
        %dma_wait3A_183 = tpu.memref_squeeze %dma_wait3A_182 : memref<1x80xi32, #tpu.memory_space<vmem>> -> memref<80xi32, #tpu.memory_space<vmem>>
        %dma_wait3A_184 = arith.constant 0 : i32
        %dma_wait3A_185 = arith.constant 0 : i32
        %dma_wait3A_186 = tpu.memref_slice %arg16[%dma_wait3A_184, %dma_wait3A_185] : memref<10240x64xf32, #tpu.memory_space<vmem_shared>> -> memref<10240x64xf32, #tpu.memory_space<vmem_shared>>
        tpu.wait_indirect_dma semaphore(%run_scoped3A : memref<!tpu.dma_semaphore, #tpu.memory_space<semaphore_mem>>) src(%arg13 : memref<80x64xf32, #tpu.memory_space<vmem>>) dst(%dma_wait3A_186 : memref<10240x64xf32, #tpu.memory_space<vmem_shared>>)
        tpu.yield
      }) : () -> ()
      %add3A_134 = arith.constant 5 : i32
      %add3A_135 = arith.addi %add3A_127, %add3A_134 : i32
      %lt3A_136 = arith.constant 125 : i32
      %lt3A_137 = arith.cmpi slt, %add3A_135, %lt3A_136 : i32
      %convert_element_type3A_138 = arith.extui %lt3A_137 : i1 to i32
      %cond3A_139 = arith.constant 0 : i32
      %cond3A_140 = arith.cmpi ne, %convert_element_type3A_138, %cond3A_139 : i32
      scf.if %cond3A_140 {
        %add3A_175 = arith.constant 5 : i32
        %add3A_176 = arith.addi %add3A_127, %add3A_175 : i32
        %dma_start3A_177 = arith.constant 0 : i32
        %dma_start3A_178 = tpu.memref_slice %arg9[%add3A_176, %dma_start3A_177] : memref<125x80xi32, #tpu.memory_space<vmem>> -> memref<1x80xi32, #tpu.memory_space<vmem>>
        %dma_start3A_179 = tpu.memref_squeeze %dma_start3A_178 : memref<1x80xi32, #tpu.memory_space<vmem>> -> memref<80xi32, #tpu.memory_space<vmem>>
        %dma_start3A_180 = arith.constant 0 : i32
        %dma_start3A_181 = arith.constant 0 : i32
        %dma_start3A_182 = tpu.memref_slice %arg2[%dma_start3A_180, %dma_start3A_181] : memref<20000x64xf32, #tpu.memory_space<hbm>> -> memref<20000x64xf32, #tpu.memory_space<hbm>>
        tpu.enqueue_indirect_dma source(%dma_start3A_182 : memref<20000x64xf32, #tpu.memory_space<hbm>>) target(%arg13 : memref<80x64xf32, #tpu.memory_space<vmem>>) offsets(%dma_start3A_179 : memref<80xi32, #tpu.memory_space<vmem>>) semaphore(%arg19 : memref<!tpu.dma_semaphore, #tpu.memory_space<semaphore_mem>>)
      } else {
      }
      %mul3A_141 = arith.constant 5 : i32
      %mul3A_142 = arith.muli %mul3A_141, %scan3A_93 : i32
      %add3A_143 = arith.constant 3 : i32
      %add3A_144 = arith.addi %mul3A_142, %add3A_143 : i32
      %dma_wait3A_145 = arith.constant 0 : i32
      %dma_wait3A_146 = tpu.memref_slice %arg9[%add3A_144, %dma_wait3A_145] : memref<125x80xi32, #tpu.memory_space<vmem>> -> memref<1x80xi32, #tpu.memory_space<vmem>>
      %dma_wait3A_147 = tpu.memref_squeeze %dma_wait3A_146 : memref<1x80xi32, #tpu.memory_space<vmem>> -> memref<80xi32, #tpu.memory_space<vmem>>
      %dma_wait3A_148 = arith.constant 0 : i32
      %dma_wait3A_149 = arith.constant 0 : i32
      %dma_wait3A_150 = tpu.memref_slice %arg2[%dma_wait3A_148, %dma_wait3A_149] : memref<20000x64xf32, #tpu.memory_space<hbm>> -> memref<20000x64xf32, #tpu.memory_space<hbm>>
      tpu.wait_indirect_dma semaphore(%arg20 : memref<!tpu.dma_semaphore, #tpu.memory_space<semaphore_mem>>) src(%dma_wait3A_150 : memref<20000x64xf32, #tpu.memory_space<hbm>>) dst(%arg14 : memref<80x64xf32, #tpu.memory_space<vmem>>)
      "tpu.region"() ({
        %run_scoped3A = tpu.sem_alloc : memref<!tpu.dma_semaphore, #tpu.memory_space<semaphore_mem>>
        %dma_start3A_175 = arith.constant 0 : i32
        %dma_start3A_176 = tpu.memref_slice %arg10[%add3A_144, %dma_start3A_175] : memref<125x80xi32, #tpu.memory_space<vmem>> -> memref<1x80xi32, #tpu.memory_space<vmem>>
        %dma_start3A_177 = tpu.memref_squeeze %dma_start3A_176 : memref<1x80xi32, #tpu.memory_space<vmem>> -> memref<80xi32, #tpu.memory_space<vmem>>
        %dma_start3A_178 = arith.constant 0 : i32
        %dma_start3A_179 = arith.constant 0 : i32
        %dma_start3A_180 = tpu.memref_slice %arg16[%dma_start3A_178, %dma_start3A_179] : memref<10240x64xf32, #tpu.memory_space<vmem_shared>> -> memref<10240x64xf32, #tpu.memory_space<vmem_shared>>
        tpu.enqueue_indirect_dma source(%arg14 : memref<80x64xf32, #tpu.memory_space<vmem>>) target(%dma_start3A_180 : memref<10240x64xf32, #tpu.memory_space<vmem_shared>>) offsets(%dma_start3A_177 : memref<80xi32, #tpu.memory_space<vmem>>) semaphore(%run_scoped3A : memref<!tpu.dma_semaphore, #tpu.memory_space<semaphore_mem>>) {add = true}
        %dma_wait3A_181 = arith.constant 0 : i32
        %dma_wait3A_182 = tpu.memref_slice %arg10[%add3A_144, %dma_wait3A_181] : memref<125x80xi32, #tpu.memory_space<vmem>> -> memref<1x80xi32, #tpu.memory_space<vmem>>
        %dma_wait3A_183 = tpu.memref_squeeze %dma_wait3A_182 : memref<1x80xi32, #tpu.memory_space<vmem>> -> memref<80xi32, #tpu.memory_space<vmem>>
        %dma_wait3A_184 = arith.constant 0 : i32
        %dma_wait3A_185 = arith.constant 0 : i32
        %dma_wait3A_186 = tpu.memref_slice %arg16[%dma_wait3A_184, %dma_wait3A_185] : memref<10240x64xf32, #tpu.memory_space<vmem_shared>> -> memref<10240x64xf32, #tpu.memory_space<vmem_shared>>
        tpu.wait_indirect_dma semaphore(%run_scoped3A : memref<!tpu.dma_semaphore, #tpu.memory_space<semaphore_mem>>) src(%arg14 : memref<80x64xf32, #tpu.memory_space<vmem>>) dst(%dma_wait3A_186 : memref<10240x64xf32, #tpu.memory_space<vmem_shared>>)
        tpu.yield
      }) : () -> ()
      %add3A_151 = arith.constant 5 : i32
      %add3A_152 = arith.addi %add3A_144, %add3A_151 : i32
      %lt3A_153 = arith.constant 125 : i32
      %lt3A_154 = arith.cmpi slt, %add3A_152, %lt3A_153 : i32
      %convert_element_type3A_155 = arith.extui %lt3A_154 : i1 to i32
      %cond3A_156 = arith.constant 0 : i32
      %cond3A_157 = arith.cmpi ne, %convert_element_type3A_155, %cond3A_156 : i32
      scf.if %cond3A_157 {
        %add3A_175 = arith.constant 5 : i32
        %add3A_176 = arith.addi %add3A_144, %add3A_175 : i32
        %dma_start3A_177 = arith.constant 0 : i32
        %dma_start3A_178 = tpu.memref_slice %arg9[%add3A_176, %dma_start3A_177] : memref<125x80xi32, #tpu.memory_space<vmem>> -> memref<1x80xi32, #tpu.memory_space<vmem>>
        %dma_start3A_179 = tpu.memref_squeeze %dma_start3A_178 : memref<1x80xi32, #tpu.memory_space<vmem>> -> memref<80xi32, #tpu.memory_space<vmem>>
        %dma_start3A_180 = arith.constant 0 : i32
        %dma_start3A_181 = arith.constant 0 : i32
        %dma_start3A_182 = tpu.memref_slice %arg2[%dma_start3A_180, %dma_start3A_181] : memref<20000x64xf32, #tpu.memory_space<hbm>> -> memref<20000x64xf32, #tpu.memory_space<hbm>>
        tpu.enqueue_indirect_dma source(%dma_start3A_182 : memref<20000x64xf32, #tpu.memory_space<hbm>>) target(%arg14 : memref<80x64xf32, #tpu.memory_space<vmem>>) offsets(%dma_start3A_179 : memref<80xi32, #tpu.memory_space<vmem>>) semaphore(%arg20 : memref<!tpu.dma_semaphore, #tpu.memory_space<semaphore_mem>>)
      } else {
      }
      %mul3A_158 = arith.constant 5 : i32
      %mul3A_159 = arith.muli %mul3A_158, %scan3A_93 : i32
      %add3A_160 = arith.constant 4 : i32
      %add3A_161 = arith.addi %mul3A_159, %add3A_160 : i32
      %dma_wait3A_162 = arith.constant 0 : i32
      %dma_wait3A_163 = tpu.memref_slice %arg9[%add3A_161, %dma_wait3A_162] : memref<125x80xi32, #tpu.memory_space<vmem>> -> memref<1x80xi32, #tpu.memory_space<vmem>>
      %dma_wait3A_164 = tpu.memref_squeeze %dma_wait3A_163 : memref<1x80xi32, #tpu.memory_space<vmem>> -> memref<80xi32, #tpu.memory_space<vmem>>
      %dma_wait3A_165 = arith.constant 0 : i32
      %dma_wait3A_166 = arith.constant 0 : i32
      %dma_wait3A_167 = tpu.memref_slice %arg2[%dma_wait3A_165, %dma_wait3A_166] : memref<20000x64xf32, #tpu.memory_space<hbm>> -> memref<20000x64xf32, #tpu.memory_space<hbm>>
      tpu.wait_indirect_dma semaphore(%arg21 : memref<!tpu.dma_semaphore, #tpu.memory_space<semaphore_mem>>) src(%dma_wait3A_167 : memref<20000x64xf32, #tpu.memory_space<hbm>>) dst(%arg15 : memref<80x64xf32, #tpu.memory_space<vmem>>)
      "tpu.region"() ({
        %run_scoped3A = tpu.sem_alloc : memref<!tpu.dma_semaphore, #tpu.memory_space<semaphore_mem>>
        %dma_start3A_175 = arith.constant 0 : i32
        %dma_start3A_176 = tpu.memref_slice %arg10[%add3A_161, %dma_start3A_175] : memref<125x80xi32, #tpu.memory_space<vmem>> -> memref<1x80xi32, #tpu.memory_space<vmem>>
        %dma_start3A_177 = tpu.memref_squeeze %dma_start3A_176 : memref<1x80xi32, #tpu.memory_space<vmem>> -> memref<80xi32, #tpu.memory_space<vmem>>
        %dma_start3A_178 = arith.constant 0 : i32
        %dma_start3A_179 = arith.constant 0 : i32
        %dma_start3A_180 = tpu.memref_slice %arg16[%dma_start3A_178, %dma_start3A_179] : memref<10240x64xf32, #tpu.memory_space<vmem_shared>> -> memref<10240x64xf32, #tpu.memory_space<vmem_shared>>
        tpu.enqueue_indirect_dma source(%arg15 : memref<80x64xf32, #tpu.memory_space<vmem>>) target(%dma_start3A_180 : memref<10240x64xf32, #tpu.memory_space<vmem_shared>>) offsets(%dma_start3A_177 : memref<80xi32, #tpu.memory_space<vmem>>) semaphore(%run_scoped3A : memref<!tpu.dma_semaphore, #tpu.memory_space<semaphore_mem>>) {add = true}
        %dma_wait3A_181 = arith.constant 0 : i32
        %dma_wait3A_182 = tpu.memref_slice %arg10[%add3A_161, %dma_wait3A_181] : memref<125x80xi32, #tpu.memory_space<vmem>> -> memref<1x80xi32, #tpu.memory_space<vmem>>
        %dma_wait3A_183 = tpu.memref_squeeze %dma_wait3A_182 : memref<1x80xi32, #tpu.memory_space<vmem>> -> memref<80xi32, #tpu.memory_space<vmem>>
        %dma_wait3A_184 = arith.constant 0 : i32
        %dma_wait3A_185 = arith.constant 0 : i32
        %dma_wait3A_186 = tpu.memref_slice %arg16[%dma_wait3A_184, %dma_wait3A_185] : memref<10240x64xf32, #tpu.memory_space<vmem_shared>> -> memref<10240x64xf32, #tpu.memory_space<vmem_shared>>
        tpu.wait_indirect_dma semaphore(%run_scoped3A : memref<!tpu.dma_semaphore, #tpu.memory_space<semaphore_mem>>) src(%arg15 : memref<80x64xf32, #tpu.memory_space<vmem>>) dst(%dma_wait3A_186 : memref<10240x64xf32, #tpu.memory_space<vmem_shared>>)
        tpu.yield
      }) : () -> ()
      %add3A_168 = arith.constant 5 : i32
      %add3A_169 = arith.addi %add3A_161, %add3A_168 : i32
      %lt3A_170 = arith.constant 125 : i32
      %lt3A_171 = arith.cmpi slt, %add3A_169, %lt3A_170 : i32
      %convert_element_type3A_172 = arith.extui %lt3A_171 : i1 to i32
      %cond3A_173 = arith.constant 0 : i32
      %cond3A_174 = arith.cmpi ne, %convert_element_type3A_172, %cond3A_173 : i32
      scf.if %cond3A_174 {
        %add3A_175 = arith.constant 5 : i32
        %add3A_176 = arith.addi %add3A_161, %add3A_175 : i32
        %dma_start3A_177 = arith.constant 0 : i32
        %dma_start3A_178 = tpu.memref_slice %arg9[%add3A_176, %dma_start3A_177] : memref<125x80xi32, #tpu.memory_space<vmem>> -> memref<1x80xi32, #tpu.memory_space<vmem>>
        %dma_start3A_179 = tpu.memref_squeeze %dma_start3A_178 : memref<1x80xi32, #tpu.memory_space<vmem>> -> memref<80xi32, #tpu.memory_space<vmem>>
        %dma_start3A_180 = arith.constant 0 : i32
        %dma_start3A_181 = arith.constant 0 : i32
        %dma_start3A_182 = tpu.memref_slice %arg2[%dma_start3A_180, %dma_start3A_181] : memref<20000x64xf32, #tpu.memory_space<hbm>> -> memref<20000x64xf32, #tpu.memory_space<hbm>>
        tpu.enqueue_indirect_dma source(%dma_start3A_182 : memref<20000x64xf32, #tpu.memory_space<hbm>>) target(%arg15 : memref<80x64xf32, #tpu.memory_space<vmem>>) offsets(%dma_start3A_179 : memref<80xi32, #tpu.memory_space<vmem>>) semaphore(%arg21 : memref<!tpu.dma_semaphore, #tpu.memory_space<semaphore_mem>>)
      } else {
      }
    }
    %scan3A_91 = arith.constant 25 : i32
    %barrier3A_92 = arith.constant 0 : index
    tpu.barrier barrier_id(%barrier3A_92)
    "tpu.region"() ({
      %run_scoped3A = tpu.sem_alloc : memref<!tpu.dma_semaphore, #tpu.memory_space<semaphore_mem>>
      %dma_start3A_93 = arith.constant 0 : i32
      %dma_start3A_94 = arith.constant 0 : i32
      %dma_start3A_95 = tpu.memref_slice %arg6[%arg0, %dma_start3A_93, %dma_start3A_94] : memref<2x10240x128xf32, #tpu.memory_space<hbm>> -> memref<1x10240x128xf32, #tpu.memory_space<hbm>>
      %dma_start3A_96 = tpu.memref_squeeze %dma_start3A_95 : memref<1x10240x128xf32, #tpu.memory_space<hbm>> -> memref<10240x128xf32, #tpu.memory_space<hbm>>
      %dma_start3A_97 = arith.constant 0 : i32
      %dma_start3A_98 = tpu.memref_slice %dma_start3A_96[%mul3A_2, %dma_start3A_97] : memref<10240x128xf32, #tpu.memory_space<hbm>> -> memref<640x128xf32, #tpu.memory_space<hbm>>
      %dma_start3A_99 = arith.constant 0 : i32
      %dma_start3A_100 = arith.constant 64 : i32
      %dma_start3A_101 = tpu.memref_slice %dma_start3A_98[%dma_start3A_99, %dma_start3A_100] : memref<640x128xf32, #tpu.memory_space<hbm>> -> memref<640x64xf32, #tpu.memory_space<hbm>>
      %dma_start3A_102 = arith.constant 0 : i32
      %dma_start3A_103 = tpu.memref_slice %arg16[%mul3A_2, %dma_start3A_102] : memref<10240x64xf32, #tpu.memory_space<vmem_shared>> -> memref<640x64xf32, #tpu.memory_space<vmem_shared>>
      tpu.enqueue_dma source(%dma_start3A_103 : memref<640x64xf32, #tpu.memory_space<vmem_shared>>) target(%dma_start3A_101 : memref<640x64xf32, #tpu.memory_space<hbm>>) target_semaphore(%run_scoped3A : memref<!tpu.dma_semaphore, #tpu.memory_space<semaphore_mem>>)
      %dma_wait3A = arith.constant 0 : i32
      %dma_wait3A_104 = arith.constant 0 : i32
      %dma_wait3A_105 = tpu.memref_slice %arg6[%arg0, %dma_wait3A, %dma_wait3A_104] : memref<2x10240x128xf32, #tpu.memory_space<hbm>> -> memref<1x10240x128xf32, #tpu.memory_space<hbm>>
      %dma_wait3A_106 = tpu.memref_squeeze %dma_wait3A_105 : memref<1x10240x128xf32, #tpu.memory_space<hbm>> -> memref<10240x128xf32, #tpu.memory_space<hbm>>
      %dma_wait3A_107 = arith.constant 0 : i32
      %dma_wait3A_108 = tpu.memref_slice %dma_wait3A_106[%mul3A_2, %dma_wait3A_107] : memref<10240x128xf32, #tpu.memory_space<hbm>> -> memref<640x128xf32, #tpu.memory_space<hbm>>
      %dma_wait3A_109 = arith.constant 0 : i32
      %dma_wait3A_110 = arith.constant 64 : i32
      %dma_wait3A_111 = tpu.memref_slice %dma_wait3A_108[%dma_wait3A_109, %dma_wait3A_110] : memref<640x128xf32, #tpu.memory_space<hbm>> -> memref<640x64xf32, #tpu.memory_space<hbm>>
      %dma_wait3A_112 = arith.constant 0 : i32
      %dma_wait3A_113 = tpu.memref_slice %arg16[%mul3A_2, %dma_wait3A_112] : memref<10240x64xf32, #tpu.memory_space<vmem_shared>> -> memref<640x64xf32, #tpu.memory_space<vmem_shared>>
      tpu.wait_dma2 semaphore(%run_scoped3A : memref<!tpu.dma_semaphore, #tpu.memory_space<semaphore_mem>>) src(%dma_wait3A_113 : memref<640x64xf32, #tpu.memory_space<vmem_shared>>) dst(%dma_wait3A_111 : memref<640x64xf32, #tpu.memory_space<hbm>>)
      tpu.yield
    }) : () -> ()
    return
  }
}

module attributes {stable_mosaic.version = 14 : i64} {
  func.func @_mm_plain_body(%arg0: i32, %arg1: memref<1000x128xf32, #tpu.memory_space<vmem>>, %arg2: memref<128x128xf32, #tpu.memory_space<vmem>>, %arg3: memref<1000x128xf32, #tpu.memory_space<vmem>>) attributes {dimension_semantics = [#tpu.dimension_semantics<arbitrary>], iteration_bounds = array<i64: 10>, scalar_prefetch = 0 : i64, scratch_operands = 0 : i64, tpu.core_type = #tpu.core_type<tc>, window_params = [{transform_indices = @transform_0, window_bounds = array<i64: 1000, 128>}, {pipeline_mode = #tpu.pipeline_mode<synchronous>, transform_indices = @transform_1, window_bounds = array<i64: 128, 128>}, {transform_indices = @transform_2, window_bounds = array<i64: 1000, 128>}]} {
    %get3A = arith.constant 0 : index
    %get3A_0 = arith.constant 0 : index
    %get3A_1 = vector.load %arg1[%get3A, %get3A_0] : memref<1000x128xf32, #tpu.memory_space<vmem>>, vector<1000x128xf32>
    %get3A_2 = arith.constant 0 : index
    %get3A_3 = arith.constant 0 : index
    %get3A_4 = vector.load %arg2[%get3A_2, %get3A_3] : memref<128x128xf32, #tpu.memory_space<vmem>>, vector<128x128xf32>
    %dot_general3A = arith.constant dense<0.000000e+00> : vector<1000x128xf32>
    %dot_general3A_5 = tpu.matmul %get3A_1, %get3A_4, %dot_general3A {dimension_numbers = #tpu.dot_dimension_numbers<[1], [0], [0], [1], [0, 0, 1, 1], [], []>, transpose_lhs_hint = false} : vector<1000x128xf32>, vector<128x128xf32>, vector<1000x128xf32> -> vector<1000x128xf32>
    %swap3A = arith.constant 0 : index
    %swap3A_6 = arith.constant 0 : index
    %swap3A_7 = vector.load %arg3[%swap3A, %swap3A_6] : memref<1000x128xf32, #tpu.memory_space<vmem>>, vector<1000x128xf32>
    tpu.vector_store %arg3[%swap3A, %swap3A_6], %dot_general3A_5 {strides = array<i32>} : memref<1000x128xf32, #tpu.memory_space<vmem>>, vector<1000x128xf32>,
    return
  }
  func.func @transform_0(%arg0: i32) -> (i32, i32) {
    %c0_i32 = arith.constant 0 : i32
    %c0_i32_0 = arith.constant 0 : i32
    return %arg0, %c0_i32 : i32, i32
  }
  func.func @transform_1(%arg0: i32) -> (i32, i32) {
    %c0_i32 = arith.constant 0 : i32
    %c0_i32_0 = arith.constant 0 : i32
    %c0_i32_1 = arith.constant 0 : i32
    return %c0_i32, %c0_i32_0 : i32, i32
  }
  func.func @transform_2(%arg0: i32) -> (i32, i32) {
    %c0_i32 = arith.constant 0 : i32
    %c0_i32_0 = arith.constant 0 : i32
    return %arg0, %c0_i32 : i32, i32
  }
}

module attributes {stable_mosaic.version = 14 : i64} {
  func.func @_scale_body(%arg0: i32, %arg1: memref<1000x128xf32, #tpu.memory_space<vmem>>, %arg2: memref<1000x1xf32, #tpu.memory_space<vmem>>, %arg3: memref<1000x1xf32, #tpu.memory_space<vmem>>, %arg4: memref<1000x128xf32, #tpu.memory_space<vmem>>) attributes {dimension_semantics = [#tpu.dimension_semantics<arbitrary>], iteration_bounds = array<i64: 10>, scalar_prefetch = 0 : i64, scratch_operands = 0 : i64, tpu.core_type = #tpu.core_type<tc>, window_params = [{transform_indices = @transform_0, window_bounds = array<i64: 1000, 128>}, {transform_indices = @transform_1, window_bounds = array<i64: 1000, 1>}, {transform_indices = @transform_2, window_bounds = array<i64: 1000, 1>}, {transform_indices = @transform_3, window_bounds = array<i64: 1000, 128>}]} {
    %get3A = arith.constant 0 : index
    %get3A_0 = arith.constant 0 : index
    %get3A_1 = vector.load %arg2[%get3A, %get3A_0] : memref<1000x1xf32, #tpu.memory_space<vmem>>, vector<1000x1xf32>
    %get3A_2 = arith.constant 0 : index
    %get3A_3 = arith.constant 0 : index
    %get3A_4 = vector.load %arg3[%get3A_2, %get3A_3] : memref<1000x1xf32, #tpu.memory_space<vmem>>, vector<1000x1xf32>
    %add3A = arith.addf %get3A_1, %get3A_4 : vector<1000x1xf32>
    %add3A_5 = arith.constant 1.000000e+00 : f32
    %add3A_6 = vector.broadcast %add3A_5 : f32 to vector<1000x1xf32>
    %add3A_7 = arith.addf %add3A, %add3A_6 : vector<1000x1xf32>
    %rsqrt3A = math.rsqrt %add3A_7 : vector<1000x1xf32>
    %get3A_8 = arith.constant 0 : index
    %get3A_9 = arith.constant 0 : index
    %get3A_10 = vector.load %arg1[%get3A_8, %get3A_9] : memref<1000x128xf32, #tpu.memory_space<vmem>>, vector<1000x128xf32>
    %mul3A = vector.broadcast %rsqrt3A : vector<1000x1xf32> to vector<1000x128xf32>
    %mul3A_11 = arith.mulf %get3A_10, %mul3A : vector<1000x128xf32>
    %swap3A = arith.constant 0 : index
    %swap3A_12 = arith.constant 0 : index
    %swap3A_13 = vector.load %arg4[%swap3A, %swap3A_12] : memref<1000x128xf32, #tpu.memory_space<vmem>>, vector<1000x128xf32>
    tpu.vector_store %arg4[%swap3A, %swap3A_12], %mul3A_11 {strides = array<i32>} : memref<1000x128xf32, #tpu.memory_space<vmem>>, vector<1000x128xf32>,
    return
  }
  func.func @transform_0(%arg0: i32) -> (i32, i32) {
    %c0_i32 = arith.constant 0 : i32
    %c0_i32_0 = arith.constant 0 : i32
    return %arg0, %c0_i32 : i32, i32
  }
  func.func @transform_1(%arg0: i32) -> (i32, i32) {
    %c0_i32 = arith.constant 0 : i32
    %c0_i32_0 = arith.constant 0 : i32
    return %arg0, %c0_i32 : i32, i32
  }
  func.func @transform_2(%arg0: i32) -> (i32, i32) {
    %c0_i32 = arith.constant 0 : i32
    %c0_i32_0 = arith.constant 0 : i32
    return %arg0, %c0_i32 : i32, i32
  }
  func.func @transform_3(%arg0: i32) -> (i32, i32) {
    %c0_i32 = arith.constant 0 : i32
    %c0_i32_0 = arith.constant 0 : i32
    return %arg0, %c0_i32 : i32, i32
  }
}

module attributes {stable_mosaic.version = 14 : i64} {
  func.func @_mm2_body(%arg0: i32, %arg1: memref<1000x128xf32, #tpu.memory_space<vmem>>, %arg2: memref<1000x128xf32, #tpu.memory_space<vmem>>, %arg3: memref<1000x128xf32, #tpu.memory_space<vmem>>, %arg4: memref<1000x1xf32, #tpu.memory_space<vmem>>, %arg5: memref<1000x1xf32, #tpu.memory_space<vmem>>, %arg6: memref<1x128xf32, #tpu.memory_space<vmem>>, %arg7: memref<128x128xf32, #tpu.memory_space<vmem>>, %arg8: memref<1000x128xf32, #tpu.memory_space<vmem>>) attributes {dimension_semantics = [#tpu.dimension_semantics<arbitrary>], iteration_bounds = array<i64: 10>, scalar_prefetch = 0 : i64, scratch_operands = 0 : i64, tpu.core_type = #tpu.core_type<tc>, window_params = [{transform_indices = @transform_0, window_bounds = array<i64: 1000, 128>}, {transform_indices = @transform_1, window_bounds = array<i64: 1000, 128>}, {transform_indices = @transform_2, window_bounds = array<i64: 1000, 128>}, {transform_indices = @transform_3, window_bounds = array<i64: 1000, 1>}, {transform_indices = @transform_4, window_bounds = array<i64: 1000, 1>}, {pipeline_mode = #tpu.pipeline_mode<synchronous>, transform_indices = @transform_5, window_bounds = array<i64: 1, 128>}, {pipeline_mode = #tpu.pipeline_mode<synchronous>, transform_indices = @transform_6, window_bounds = array<i64: 128, 128>}, {transform_indices = @transform_7, window_bounds = array<i64: 1000, 128>}]} {
    %get3A = arith.constant 0 : index
    %get3A_0 = arith.constant 0 : index
    %get3A_1 = vector.load %arg4[%get3A, %get3A_0] : memref<1000x1xf32, #tpu.memory_space<vmem>>, vector<1000x1xf32>
    %get3A_2 = arith.constant 0 : index
    %get3A_3 = arith.constant 0 : index
    %get3A_4 = vector.load %arg5[%get3A_2, %get3A_3] : memref<1000x1xf32, #tpu.memory_space<vmem>>, vector<1000x1xf32>
    %add3A = arith.addf %get3A_1, %get3A_4 : vector<1000x1xf32>
    %add3A_5 = arith.constant 1.000000e+00 : f32
    %add3A_6 = vector.broadcast %add3A_5 : f32 to vector<1000x1xf32>
    %add3A_7 = arith.addf %add3A, %add3A_6 : vector<1000x1xf32>
    %rsqrt3A = math.rsqrt %add3A_7 : vector<1000x1xf32>
    %get3A_8 = arith.constant 0 : index
    %get3A_9 = arith.constant 0 : index
    %get3A_10 = vector.load %arg1[%get3A_8, %get3A_9] : memref<1000x128xf32, #tpu.memory_space<vmem>>, vector<1000x128xf32>
    %get3A_11 = arith.constant 0 : index
    %get3A_12 = arith.constant 0 : index
    %get3A_13 = vector.load %arg2[%get3A_11, %get3A_12] : memref<1000x128xf32, #tpu.memory_space<vmem>>, vector<1000x128xf32>
    %add3A_14 = arith.addf %get3A_10, %get3A_13 : vector<1000x128xf32>
    %get3A_15 = arith.constant 0 : index
    %get3A_16 = arith.constant 0 : index
    %get3A_17 = vector.load %arg3[%get3A_15, %get3A_16] : memref<1000x128xf32, #tpu.memory_space<vmem>>, vector<1000x128xf32>
    %add3A_18 = arith.addf %add3A_14, %get3A_17 : vector<1000x128xf32>
    %mul3A = vector.broadcast %rsqrt3A : vector<1000x1xf32> to vector<1000x128xf32>
    %mul3A_19 = arith.mulf %mul3A, %add3A_18 : vector<1000x128xf32>
    %get3A_20 = arith.constant 0 : index
    %get3A_21 = arith.constant 0 : index
    %get3A_22 = vector.load %arg6[%get3A_20, %get3A_21] : memref<1x128xf32, #tpu.memory_space<vmem>>, vector<1x128xf32>
    %add3A_23 = vector.broadcast %get3A_22 : vector<1x128xf32> to vector<1000x128xf32>
    %add3A_24 = arith.addf %mul3A_19, %add3A_23 : vector<1000x128xf32>
    %max3A = arith.constant 0.000000e+00 : f32
    %max3A_25 = vector.broadcast %max3A : f32 to vector<1000x128xf32>
    %max3A_26 = arith.maximumf %add3A_24, %max3A_25 : vector<1000x128xf32>
    %get3A_27 = arith.constant 0 : index
    %get3A_28 = arith.constant 0 : index
    %get3A_29 = vector.load %arg7[%get3A_27, %get3A_28] : memref<128x128xf32, #tpu.memory_space<vmem>>, vector<128x128xf32>
    %dot_general3A = arith.constant dense<0.000000e+00> : vector<1000x128xf32>
    %dot_general3A_30 = tpu.matmul %max3A_26, %get3A_29, %dot_general3A {dimension_numbers = #tpu.dot_dimension_numbers<[1], [0], [0], [1], [0, 0, 1, 1], [], []>, transpose_lhs_hint = false} : vector<1000x128xf32>, vector<128x128xf32>, vector<1000x128xf32> -> vector<1000x128xf32>
    %mul3A_31 = vector.broadcast %rsqrt3A : vector<1000x1xf32> to vector<1000x128xf32>
    %mul3A_32 = arith.mulf %dot_general3A_30, %mul3A_31 : vector<1000x128xf32>
    %swap3A = arith.constant 0 : index
    %swap3A_33 = arith.constant 0 : index
    %swap3A_34 = vector.load %arg8[%swap3A, %swap3A_33] : memref<1000x128xf32, #tpu.memory_space<vmem>>, vector<1000x128xf32>
    tpu.vector_store %arg8[%swap3A, %swap3A_33], %mul3A_32 {strides = array<i32>} : memref<1000x128xf32, #tpu.memory_space<vmem>>, vector<1000x128xf32>,
    return
  }
  func.func @transform_0(%arg0: i32) -> (i32, i32) {
    %c0_i32 = arith.constant 0 : i32
    %c0_i32_0 = arith.constant 0 : i32
    return %arg0, %c0_i32 : i32, i32
  }
  func.func @transform_1(%arg0: i32) -> (i32, i32) {
    %c0_i32 = arith.constant 0 : i32
    %c0_i32_0 = arith.constant 0 : i32
    return %arg0, %c0_i32 : i32, i32
  }
  func.func @transform_2(%arg0: i32) -> (i32, i32) {
    %c0_i32 = arith.constant 0 : i32
    %c0_i32_0 = arith.constant 0 : i32
    return %arg0, %c0_i32 : i32, i32
  }
  func.func @transform_3(%arg0: i32) -> (i32, i32) {
    %c0_i32 = arith.constant 0 : i32
    %c0_i32_0 = arith.constant 0 : i32
    return %arg0, %c0_i32 : i32, i32
  }
  func.func @transform_4(%arg0: i32) -> (i32, i32) {
    %c0_i32 = arith.constant 0 : i32
    %c0_i32_0 = arith.constant 0 : i32
    return %arg0, %c0_i32 : i32, i32
  }
  func.func @transform_5(%arg0: i32) -> (i32, i32) {
    %c0_i32 = arith.constant 0 : i32
    %c0_i32_0 = arith.constant 0 : i32
    %c0_i32_1 = arith.constant 0 : i32
    return %c0_i32, %c0_i32_0 : i32, i32
  }
  func.func @transform_6(%arg0: i32) -> (i32, i32) {
    %c0_i32 = arith.constant 0 : i32
    %c0_i32_0 = arith.constant 0 : i32
    %c0_i32_1 = arith.constant 0 : i32
    return %c0_i32, %c0_i32_0 : i32, i32
  }
  func.func @transform_7(%arg0: i32) -> (i32, i32) {
    %c0_i32 = arith.constant 0 : i32
    %c0_i32_0 = arith.constant 0 : i32
    return %arg0, %c0_i32 : i32, i32
  }
}

module attributes {stable_mosaic.version = 14 : i64} {
  func.func @_out_body(%arg0: i32, %arg1: memref<1000x128xf32, #tpu.memory_space<vmem>>, %arg2: memref<1000x128xf32, #tpu.memory_space<vmem>>, %arg3: memref<1000x128xf32, #tpu.memory_space<vmem>>, %arg4: memref<1000x1xf32, #tpu.memory_space<vmem>>, %arg5: memref<1000x1xf32, #tpu.memory_space<vmem>>, %arg6: memref<1x128xf32, #tpu.memory_space<vmem>>, %arg7: memref<1000x128xf32, #tpu.memory_space<vmem>>) attributes {dimension_semantics = [#tpu.dimension_semantics<arbitrary>], iteration_bounds = array<i64: 10>, scalar_prefetch = 0 : i64, scratch_operands = 0 : i64, tpu.core_type = #tpu.core_type<tc>, window_params = [{transform_indices = @transform_0, window_bounds = array<i64: 1000, 128>}, {transform_indices = @transform_1, window_bounds = array<i64: 1000, 128>}, {transform_indices = @transform_2, window_bounds = array<i64: 1000, 128>}, {transform_indices = @transform_3, window_bounds = array<i64: 1000, 1>}, {transform_indices = @transform_4, window_bounds = array<i64: 1000, 1>}, {pipeline_mode = #tpu.pipeline_mode<synchronous>, transform_indices = @transform_5, window_bounds = array<i64: 1, 128>}, {transform_indices = @transform_6, window_bounds = array<i64: 1000, 128>}]} {
    %get3A = arith.constant 0 : index
    %get3A_0 = arith.constant 0 : index
    %get3A_1 = vector.load %arg4[%get3A, %get3A_0] : memref<1000x1xf32, #tpu.memory_space<vmem>>, vector<1000x1xf32>
    %get3A_2 = arith.constant 0 : index
    %get3A_3 = arith.constant 0 : index
    %get3A_4 = vector.load %arg5[%get3A_2, %get3A_3] : memref<1000x1xf32, #tpu.memory_space<vmem>>, vector<1000x1xf32>
    %add3A = arith.addf %get3A_1, %get3A_4 : vector<1000x1xf32>
    %add3A_5 = arith.constant 1.000000e+00 : f32
    %add3A_6 = vector.broadcast %add3A_5 : f32 to vector<1000x1xf32>
    %add3A_7 = arith.addf %add3A, %add3A_6 : vector<1000x1xf32>
    %rsqrt3A = math.rsqrt %add3A_7 : vector<1000x1xf32>
    %get3A_8 = arith.constant 0 : index
    %get3A_9 = arith.constant 0 : index
    %get3A_10 = vector.load %arg1[%get3A_8, %get3A_9] : memref<1000x128xf32, #tpu.memory_space<vmem>>, vector<1000x128xf32>
    %get3A_11 = arith.constant 0 : index
    %get3A_12 = arith.constant 0 : index
    %get3A_13 = vector.load %arg2[%get3A_11, %get3A_12] : memref<1000x128xf32, #tpu.memory_space<vmem>>, vector<1000x128xf32>
    %add3A_14 = arith.addf %get3A_10, %get3A_13 : vector<1000x128xf32>
    %get3A_15 = arith.constant 0 : index
    %get3A_16 = arith.constant 0 : index
    %get3A_17 = vector.load %arg3[%get3A_15, %get3A_16] : memref<1000x128xf32, #tpu.memory_space<vmem>>, vector<1000x128xf32>
    %add3A_18 = arith.addf %add3A_14, %get3A_17 : vector<1000x128xf32>
    %mul3A = vector.broadcast %rsqrt3A : vector<1000x1xf32> to vector<1000x128xf32>
    %mul3A_19 = arith.mulf %mul3A, %add3A_18 : vector<1000x128xf32>
    %get3A_20 = arith.constant 0 : index
    %get3A_21 = arith.constant 0 : index
    %get3A_22 = vector.load %arg6[%get3A_20, %get3A_21] : memref<1x128xf32, #tpu.memory_space<vmem>>, vector<1x128xf32>
    %add3A_23 = vector.broadcast %get3A_22 : vector<1x128xf32> to vector<1000x128xf32>
    %add3A_24 = arith.addf %mul3A_19, %add3A_23 : vector<1000x128xf32>
    %swap3A = arith.constant 0 : index
    %swap3A_25 = arith.constant 0 : index
    %swap3A_26 = vector.load %arg7[%swap3A, %swap3A_25] : memref<1000x128xf32, #tpu.memory_space<vmem>>, vector<1000x128xf32>
    tpu.vector_store %arg7[%swap3A, %swap3A_25], %add3A_24 {strides = array<i32>} : memref<1000x128xf32, #tpu.memory_space<vmem>>, vector<1000x128xf32>,
    return
  }
  func.func @transform_0(%arg0: i32) -> (i32, i32) {
    %c0_i32 = arith.constant 0 : i32
    %c0_i32_0 = arith.constant 0 : i32
    return %arg0, %c0_i32 : i32, i32
  }
  func.func @transform_1(%arg0: i32) -> (i32, i32) {
    %c0_i32 = arith.constant 0 : i32
    %c0_i32_0 = arith.constant 0 : i32
    return %arg0, %c0_i32 : i32, i32
  }
  func.func @transform_2(%arg0: i32) -> (i32, i32) {
    %c0_i32 = arith.constant 0 : i32
    %c0_i32_0 = arith.constant 0 : i32
    return %arg0, %c0_i32 : i32, i32
  }
  func.func @transform_3(%arg0: i32) -> (i32, i32) {
    %c0_i32 = arith.constant 0 : i32
    %c0_i32_0 = arith.constant 0 : i32
    return %arg0, %c0_i32 : i32, i32
  }
  func.func @transform_4(%arg0: i32) -> (i32, i32) {
    %c0_i32 = arith.constant 0 : i32
    %c0_i32_0 = arith.constant 0 : i32
    return %arg0, %c0_i32 : i32, i32
  }
  func.func @transform_5(%arg0: i32) -> (i32, i32) {
    %c0_i32 = arith.constant 0 : i32
    %c0_i32_0 = arith.constant 0 : i32
    %c0_i32_1 = arith.constant 0 : i32
    return %c0_i32, %c0_i32_0 : i32, i32
  }
  func.func @transform_6(%arg0: i32) -> (i32, i32) {
    %c0_i32 = arith.constant 0 : i32
    %c0_i32_0 = arith.constant 0 : i32
    return %arg0, %c0_i32 : i32, i32
  }
}

</mosaic_0001>

<sc_bundles>
// kernel: kernel.12.cloned.1.call-start
scs
__scs_entry_jumppad:
0x0: {  	(pc) =	sbr.rel $0x88, $3  }
0x1: {  	(tag) =	ssettag $0x0;
	lr =	simm.s32 $0x1  }
0x2: {  	[smem:$0x3F9B] =	sst lr;
	_ =	strace $0xD0000000  }
0x3: {  	_ = 	snop  }
0x4: {  	_ = 	snop  }
0x5: {  	_ = 	snop  }
0x6: {  	_ = 	snop  }
0x7: {  	_ = 	snop  }
__scs_overlays_trampoline_lowered:
0x8: {  	[smem:$0x3FAA] =	sst s0  }
0x9: {  	[smem:$0x3FAB] =	sst s1  }
0xa: {  	[smem:$0x3FAC] =	sst s2  }
0xb: {  	[smem:$0x3FAD] =	sst s3  }
0xc: {  	[smem:$0x3FAE] =	sst s4  }
0xd: {  	[smem:$0x3FAF] =	sst s5  }
0xe: {  	[smem:$0x3FB0] =	sst s6  }
0xf: {  	[smem:$0x3FB1] =	sst s7  }
0x10: {  	[smem:$0x3FB2] =	sst s8  }
0x11: {  	[smem:$0x3FB3] =	sst s9;
	s0 =	simm.s32 @!p0 $0x0  }
0x12: {  	s1 =	sld [smem:$0x3F99];
	s0 =	simm.s32 @p0 $0x1  }
0x13: {  	[smem:$0x3FB4] =	sst s0;
	s0 =	simm.s32 @!p1 $0x0  }
0x14: {  	s2 =	sld [smem:$0x3F98];
	s0 =	simm.s32 @p1 $0x1  }
0x15: {  	[smem:$0x3FB5] =	sst s0;
	s0 =	simm.s32 @!p2 $0x0  }
0x16: {  	s3 =	sld [smem:$0x3FDB];
	s0 =	simm.s32 @p2 $0x1  }
0x17: {  	s4 =	simm.s32 $0x1BF5;
	[smem:$0x3FB7] =	sst s0  }
0x18: {  	s0 =	sld [smem:$0x3F9A];
	_ =	swait.ge [sflag:s4], $0x0  }
0x19: {  	s7 =	sld [smem:$0x3F9B]  }
0x1a: {  	s8 =	sadd.s32 $0xFFFFE003, lr  }
0x1b: {  	s9 =	sadd.s32 $0xFFFFFEF7, lr;
	s5 =	simm.s32 $0xFFFFFFFF;
	p2 =	slt.u32 s8, $0xFFFFF086  }
0x1c: {  	p1 =	slt.u32 s9, $0xF7A;
	s5 =	simm.s32 @!p2 $0x0  }
0x1d: {  	s5 =	simm.s32 @p1 $0x1;
	p0 =	seq.s32 s7, s2  }
0x1e: {  	s7 =	smul.u32 @!p0 $0xF7A, s2;
	p2 =	seq.s32 @!p0 s5, $0x0  }
0x1f: {  	s9 =	smul.u32 $0xF7A, s1;
	s8 =	simm.s32 @!p0 $0x1BF5;
	p2 =	por !p2, p0  }
0x20: {  	[sflag:s8] =	ssyncset.s32 @!p0 $0xFFFFF086;
	s6 =	sadd.s32 @!p0 s3, s7;
	s7 =	simm.s32 @!p0 $0x108  }
0x21: {  	s3 =	sadd.s32 s3, s9;
	s6 =	sadd.s32 @!p0 $0x88, s6;
	s7 =	simm.s32 @p2 $0x1082  }
0x22: {  	[simem:s7], [sflag:s8] =	dma.local @!p0 [hbm:s6], $0xF7A  }
0x23: {  	s9 =	sor.u32 $0xD0000000, s2;
	s6 =	simm.s32 $0x108;
	_ =	swait.ge @!p0 [sflag:s8], $0x0  }
0x24: {  	s3 =	sadd.s32 $0x88, s3;
	s6 =	simm.s32 @!p1 $0x1082;
	[sflag:s4] =	ssyncset.s32 $0xFFFFF086  }
0x25: {  	[simem:s6], [sflag:s4] =	dma.local [hbm:s3], $0xF7A  }
0x26: {  	[smem:$0x3F9B] =	sst s1;
	(tag) =	ssettag s2;
	_ =	strace s9  }
0x27: {  	s1 =	sld [smem:$0x3FAB]  }
0x28: {  	s2 =	sld [smem:$0x3FAC]  }
0x29: {  	s4 =	sld [smem:$0x3FAE]  }
0x2a: {  	p0 =	seq.s32 s5, $0x0;
	s5 =	sld [smem:$0x3FAF]  }
0x2b: {  	s6 =	sld [smem:$0x3FB0]  }
0x2c: {  	s7 =	sld [smem:$0x3FB1]  }
0x2d: {  	s3 =	simm.s32 $0x108;
	s8 =	sld [smem:$0x3FB2]  }
0x2e: {  	s3 =	simm.s32 @!p0 $0x1082;
	s9 =	sld [smem:$0x3FB3]  }
0x2f: {  	lr =	sadd.s32 s0, s3;
	s0 =	sld [smem:$0x3FAA]  }
0x30: {  	s3 =	sld [smem:$0x3FAD]  }
0x31: {  	[smem:$0x3FB6] =	sst s10  }
0x32: {  	s10 =	sld [smem:$0x3FB4];
	_ =	sdelay $0x3  }
0x33: {  	p0 =	seq.s32 s10, $0x1;
	s10 =	sld [smem:$0x3FB6];
	_ =	sdelay $0x3  }
0x34: {  	[smem:$0x3FB6] =	sst s10  }
0x35: {  	s10 =	sld [smem:$0x3FB5];
	_ =	sdelay $0x3  }
0x36: {  	p1 =	seq.s32 s10, $0x1;
	s10 =	sld [smem:$0x3FB6];
	_ =	sdelay $0x3  }
0x37: {  	[smem:$0x3FB6] =	sst s10  }
0x38: {  	s10 =	sld [smem:$0x3FB7]  }
0x39: {  	_ = 	snop;
	(pc) =	sbr.ind lr, $3  }
0x3a: {  	_ = 	snop  }
0x3b: {  	_ = 	snop  }
0x3c: {  	p2 =	seq.s32 s10, $0x1;
	s10 =	sld [smem:$0x3FB6]  }
0x3d: {  	_ =	shalt  }
0x3e: {  	_ =	shalt  }
0x3f: {  	_ =	shalt  }
0x40: {  	_ =	shalt  }
0x41: {  	_ =	shalt  }
0x42: {  	_ =	shalt  }
0x43: {  	_ =	shalt  }
0x44: {  	_ =	shalt  }
0x45: {  	_ =	shalt  }
0x46: {  	_ =	shalt  }
0x47: {  	_ =	shalt  }
0x48: {  	_ =	shalt  }
0x49: {  	_ =	shalt  }
0x4a: {  	_ =	shalt  }
0x4b: {  	_ =	shalt  }
0x4c: {  	_ =	shalt  }
0x4d: {  	_ =	shalt  }
0x4e: {  	_ =	shalt  }
0x4f: {  	_ =	shalt  }
0x50: {  	_ =	shalt  }
0x51: {  	_ =	shalt  }
0x52: {  	_ =	shalt  }
0x53: {  	_ =	shalt  }
0x54: {  	_ =	shalt  }
0x55: {  	_ =	shalt  }
0x56: {  	_ =	shalt  }
0x57: {  	_ =	shalt  }
0x58: {  	_ =	shalt  }
0x59: {  	_ =	shalt  }
0x5a: {  	_ =	shalt  }
0x5b: {  	_ =	shalt  }
0x5c: {  	_ =	shalt  }
0x5d: {  	_ =	shalt  }
0x5e: {  	_ =	shalt  }
0x5f: {  	_ =	shalt  }
0x60: {  	_ =	shalt  }
0x61: {  	_ =	shalt  }
0x62: {  	_ =	shalt  }
0x63: {  	_ =	shalt  }
0x64: {  	_ =	shalt  }
0x65: {  	_ =	shalt  }
0x66: {  	_ =	shalt  }
0x67: {  	_ =	shalt  }
0x68: {  	_ =	shalt  }
0x69: {  	_ =	shalt  }
0x6a: {  	_ =	shalt  }
0x6b: {  	_ =	shalt  }
0x6c: {  	_ =	shalt  }
0x6d: {  	_ =	shalt  }
0x6e: {  	_ =	shalt  }
0x6f: {  	_ =	shalt  }
0x70: {  	_ =	shalt  }
0x71: {  	_ =	shalt  }
0x72: {  	_ =	shalt  }
0x73: {  	_ =	shalt  }
0x74: {  	_ =	shalt  }
0x75: {  	_ =	shalt  }
0x76: {  	_ =	shalt  }
0x77: {  	_ =	shalt  }
0x78: {  	_ =	shalt  }
0x79: {  	_ =	shalt  }
0x7a: {  	_ =	shalt  }
0x7b: {  	_ =	shalt  }
0x7c: {  	_ =	shalt  }
0x7d: {  	_ =	shalt  }
0x7e: {  	_ =	shalt  }
0x7f: {  	_ =	shalt  }
0x80: {  	_ =	shalt  }
0x81: {  	_ =	shalt  }
0x82: {  	_ =	shalt  }
0x83: {  	_ =	shalt  }
0x84: {  	_ =	shalt  }
0x85: {  	_ =	shalt  }
0x86: {  	_ =	shalt  }
0x87: {  	_ =	shalt  }
.Lfunc_end0:
.L_simem_size_0:
called_computation.1_lowered:
.L_overlay_start_0:
0x88: {  	s2 =	sld [smem:$0x3FD9]  }
0x89: {  	s3 =	sld [smem:$0x3FFE];
	_ =	sdelay $0x1  }
0x8a: {  	s1 =	srdreg.scid  }
0x8b: {  	s0 =	sand.u32 $0x1, s1  }
0x8c: {  	s17 =	sshll.u32 s0, $0xA;
	s2 =	sadd.s32 s3, s2  }
0x8d: {  	s2 =	sadd.s32 s2, s17  }
0x8e: {  	[smem:$0x3FC2] =	sst s2  }
0x8f: {  	_ = 	snop  }
0x90: {  	s2 =	sld [smem:$0x3FD0];
	(tm) =	ssettm $0x1  }
0x91: {  	s18 =	sld [smem:$0x3FFB];
	_ =	sdelay $0x3  }
0x92: {  	_ =	strace s18  }
0x93: {  	s3 =	sld [smem:$0x3FFC];
	_ =	sdelay $0x3  }
0x94: {  	_ =	strace s3  }
0x95: {  	s3 =	sld [smem:$0x3FFD];
	_ =	sdelay $0x3  }
0x96: {  	_ =	strace s3  }
0x97: {  	_ =	strace $0x8FFFFFFF  }
0x98: {  	s19 =	sld [smem:$0x3FDB];
	_ =	sdelay $0x1  }
0x99: {  	s4 =	simm.s32 $_scs_section_size  }
0x9a: {  	s5 =	simm.s32 $_size__tile_overlayer_lowered;
	s6 =	simm.s32 $_tile_overlayer_lowered  }
0x9b: {  	s22 =	simm.s32 $0x1BFF;
	s21 =	sshll.u32 s6, $0x1;
	s3 =	sadd.s32 s4, s19  }
0x9c: {  	s7 =	simm.s32 $0x0;
	s20 =	sshll.u32 s5, $0x1;
	s5 =	sadd.s32 s21, s3  }
0x9d: {  	[timem:s7], [sflag:s22] =	dma.local [hbm:s5], s20  }
0x9e: {  	_ =	swait.ge [sflag:s22], s20  }
0x9f: {  	s4 =	ssub.s32 $0x0, s20;
	[sflag:s22] =	ssyncset.done $0x0  }
0xa0: {  	[sflag:s22] =	ssyncadd.s32 s4;
	_ =	sdelay $0x1  }
0xa1: {  	s23 =	simm.s32 $0x1B8B  }
0xa2: {  	_ =	swait.ge [sflag:s23], $0x1  }
0xa3: {  	[sflag:s23] =	ssyncset.done $0x0  }
0xa4: {  	s25 =	simm.s32 $0x1B8E;
	s24 =	sld [smem:$0x3FFE];
	[sflag:s23] =	ssyncadd.s32 $0xFFFFFFFF  }
0xa5: {  	s26 =	simm.s32 $execute0_lowered;
	[smem:$0x3FD2] =	sst s25  }
0xa6: {  	s5 =	sshll.u32 s26, $0x1;
	_ =	strace $0x80000049;
	[dreg:$0x1] =	wrdreg $0xFFFFFFFF  }
0xa7: {  	s28 =	simm.s32 $_size_execute0_lowered;
	s3 =	sadd.s32 s3, s5;
	[dreg:$0x0] =	wrdreg $0x0  }
0xa8: {  	s5 =	sshll.u32 s28, $0x1;
	[dreg:$0x2] =	wrdreg s3  }
0xa9: {  	[dreg:$0x3] =	wrdreg s5  }
0xaa: {  	[dreg:$0x4] =	wrdreg $0xC0  }
0xab: {  	_ =	task [dreg:s7], $0x5FFFF  }
0xac: {  	[dreg:$0x1] =	wrdreg $0xFFFFFFFF  }
0xad: {  	[dreg:$0x0] =	wrdreg $0x60  }
0xae: {  	[dreg:$0x2] =	wrdreg s2  }
0xaf: {  	[dreg:$0x3] =	wrdreg s24  }
0xb0: {  	[dreg:$0x4] =	wrdreg $0x100400  }
0xb1: {  	[dreg:$0x5] =	wrdreg $0x9  }
0xb2: {  	_ =	task.clear_ibuf [dreg:s7], $0x6FFFF;
	_ =	strace $0x90000049  }
0xb3: {  	s29 =	simm.s32 $0x9;
	_ =	strace $0x8000004B  }
0xb4: {  	_ =	swait.ge [sflag:s29], $0x1  }
0xb5: {  	[sflag:s29] =	ssyncadd.s32 $0xFFFFFFFF  }
0xb6: {  	_ =	strace $0x9000004B  }
0xb7: {  	_ =	sfence  }
0xb8: {  	s30 =	sld [smem:$0x0];
	_ =	sdelay $0x2  }
0xb9: {  	s31 =	sshll.u32 s1, $0xD;
	s1 =	sshrl.u32 s1, $0x2  }
0xba: {  	s3 =	sand.u32 $0x4000, s31;
	s1 =	sadd.s32 s1, s30  }
0xbb: {  	s0 =	sor.u32 s3, s0;
	s1 =	sshll.u32 s1, $0x11  }
0xbc: {  	s0 =	sor.u32 s1, s0  }
0xbd: {  	s0 =	sadd.s32 $0x8F2B, s0  }
0xbe: {  	[sflag:s0] =	ssyncadd.remote.s32 $0x1  }
0xbf: {  	_ =	sfence.sel $0xFFFF  }
0xc0: {  	[dreg:$0x0] =	wrdreg $0xFFFFFFFF;
	(pc) =	sbr.abs _section_cstart, $3  }
0xc1: {  	[dreg:$0x1] =	wrdreg $0xFFFFFFFF  }
0xc2: {  	_ =	task.clear_ibuf [dreg:s7], $0x2FFFF;
	_ =	strace $0x9FFFFFFF  }
0xc3: {  	(tm) =	ssettm $0x7FFFFFFF  }
tec
execute0_lowered:
.L_overlay_start_1:
0x0: {  	(tag) =	ssettag $0x1  }
0x1: {  	s1 =	rddreg [dreg:$0x0]  }
0x2: {  	s0 =	rddreg [dreg:$0x1];
	s2 =	srdreg.scid  }
0x3: {  	s9 =	stileid.u32;
	s3 =	rddreg [dreg:$0x2]  }
0x4: {  	s5 =	simm.s32 $0x0;
	s10 =	simm.s32 $0x6;
	s12 =	simm.s32 $0x50  }
0x5: {  	s14 =	simm.s32 $0x9C40;
	s16 =	simm.s32 $0xB040;
	s18 =	simm.s32 $0xC440  }
0x6: {  	s20 =	simm.s32 $0xD840;
	s22 =	simm.s32 $0xEC40;
	s23 =	simm.s32 $0x1  }
0x7: {  	s28 =	simm.s32 $0x4;
	s29 =	simm.s32 $0x5;
	s30 =	simm.s32 $0x9AB0  }
0x8: {  	s31 =	simm.s32 $0x9B00;
	s11 =	simm.s32 $0x9BA0;
	s13 =	simm.s32 $0x9BF0  }
0x9: {  	s15 =	simm.s32 $0x10;
	s17 =	simm.s32 $0x8;
	s21 =	simm.s32 $0x0  }
0xa: {  	s2 =	sand.u32 $0x1, s2;
	s4 =	sshll.u32 s9, $0x1;
	s8 =	smul.u32 $0x28000, s9  }
0xb: {  	[smem:$0x7FF] =	sst s5;
	s5 =	sadd.s32 $0x67400, s0;
	s26 =	smul.u32 $0x2800, s9  }
0xc: {  	s4 =	sor.u32 s2, s4;
	s6 =	smul.u32 $0x28000, s2;
	s2 =	ssub.s32 $0x2, s2  }
0xd: {  	s4 =	smul.u32 $0x4E2, s4;
	s7 =	sshrl.u32 s2, $0x1;
	s25 =	sshrl.u32 s8, $0x2  }
0xe: {  	_ =	strace $0x8000004A;
	s2 =	ssub.s32 s2, s7;
	s8 =	sadd.s32 s25, s3  }
0xf: {  	s25 =	simm.s32 $0x2;
	s4 =	sadd.s32 s4, s0;
	s0 =	sadd.s32 s6, s0  }
0x10: {  	s9 =	smax.u32 s2, $0x1;
	s2 =	simm.s32 $0x9B50;
	s24 =	sadd.s32 $0xD600, s4  }
0x11: {  	s4 =	sadd.s32 $0x3400, s4;
	s0 =	sadd.s32 $0x68800, s0;
	[dreg:$0x4] =	wrdreg s24  }
0x12: {  	[dreg:$0x5] =	wrdreg s4;
	s24 =	sadd.s32 s26, s0;
	s26 =	simm.s32 $0x3  }
.LBB2_1:
0x13: {  	s0 =	simm.s32 $0x0;
	s4 =	rddreg [dreg:$0x4]  }
0x14: {  	[tilespmem:s0], [sflag:$0x6] =	stream.linear.gather [hbm4b:s4+s0], $0x2710, $0x38;
	[tilespmem:$0x1A040] =	vst v63  }
0x15: {  	_ =	swait.ge [sflag:s10], $0x2710  }
0x16: {  	[sflag:s10] =	ssyncset.done $0x0  }
0x17: {  	s6 =	simm.s32 $0x7530;
	s19 =	rddreg [dreg:$0x5];
	[sflag:s10] =	ssyncadd.s32 $0xFFFFD8F0  }
0x18: {  	[tilespmem:s6], [sflag:$0x6] =	stream.linear.gather [hbm4b:s19+s0], $0x2710, $0x38;
	[tilespmem:$0x1A040] =	vst v63  }
0x19: {  	_ =	swait.ge [sflag:s10], $0x2710  }
0x1a: {  	[sflag:s10] =	ssyncset.done $0x0  }
0x1b: {  	s0 =	simm.s32 $0x0;
	[sflag:s10] =	ssyncadd.s32 $0xFFFFD8F0  }
0x1c: {  	v0 =	vld [tilespmem:s0+$0x40]  }
0x1d: {  	v1 =	vld [tilespmem:s0+$0x0]  }
0x1e: {  	v2 =	vld [tilespmem:s0+$0x10]  }
0x1f: {  	v3 =	vld [tilespmem:s0+$0x20]  }
0x20: {  	v5 =	vld [tilespmem:s0+$0x30]  }
0x21: {  	v4 =	vshll.u32 v0, $0x1  }
0x22: {  	v0 =	vshll.u32 v1, $0x1;
	[tilespmem:s0+$0x2750] =	vst v4;
	v4 =	vor.u32 $0x1, v4  }
0x23: {  	v1 =	vshll.u32 v2, $0x1;
	v6 =	vor.u32 $0x1, v0;
	[tilespmem:s0+$0x4E60] =	vst v4  }
0x24: {  	v2 =	vshll.u32 v3, $0x1;
	[tilespmem:s0+$0x4E20] =	vst v6;
	v4 =	vor.u32 $0x1, v1  }
0x25: {  	s4 =	simm.s32 $0x50;
	s6 =	simm.s32 $0x280;
	v3 =	vshll.u32 v5, $0x1;
	[tilespmem:s0+$0x4E30] =	vst v4;
	v4 =	vor.u32 $0x1, v2  }
.LBB2_2:
0x26: {  	p0 =	sne.s32 s6, $0x9B00;
	v5 =	vld [tilespmem:s4+$0x40];
	[tilespmem:s0+$0x4E40] =	vst v4;
	v4 =	vor.u32 $0x1, v3  }
0x27: {  	v6 =	vld [tilespmem:s4+$0x0];
	[tilespmem:s0+$0x4E50] =	vst v4  }
0x28: {  	v4 =	vld [tilespmem:s4+$0x10];
	[tilespmem:s0+$0x2710] =	vst v0  }
0x29: {  	v7 =	vld [tilespmem:s4+$0x20];
	[tilespmem:s0+$0x2720] =	vst v1  }
0x2a: {  	v8 =	vld [tilespmem:s4+$0x30];
	[tilespmem:s0+$0x2730] =	vst v2  }
.Ltmp0:
0x2b: {  	v1 =	vshll.u32 v5, $0x1;
	[tilespmem:s0+$0x2740] =	vst v3;
	s0 =	smov.u32 s4;
	(pc) =	sbr.rel @p0 .LBB2_2-.Ltmp0, $4  }
0x2c: {  	v0 =	vshll.u32 v6, $0x1;
	[tilespmem:s0+$0x2750] =	vst v1;
	v2 =	vor.u32 $0x1, v1  }
0x2d: {  	v3 =	vor.u32 $0x1, v0;
	v1 =	vshll.u32 v4, $0x1;
	[tilespmem:s0+$0x4E60] =	vst v2  }
0x2e: {  	[tilespmem:s0+$0x4E20] =	vst v3;
	v3 =	vor.u32 $0x1, v1;
	v2 =	vshll.u32 v7, $0x1  }
0x2f: {  	s4 =	sshra.s32 s6, $0x2;
	s6 =	sadd.s32 $0x140, s6;
	[tilespmem:s0+$0x4E30] =	vst v3;
	v4 =	vor.u32 $0x1, v2;
	v3 =	vshll.u32 v8, $0x1  }
0x30: {  	v5 =	vld [tilespmem:s4+$0x40];
	[tilespmem:s0+$0x4E40] =	vst v4;
	v57 =	vor.u32 $0x1, v3  }
0x31: {  	v6 =	vld [tilespmem:s4+$0x0];
	[tilespmem:s0+$0x4E50] =	vst v57  }
0x32: {  	v4 =	vld [tilespmem:s4+$0x10];
	[tilespmem:s0+$0x2710] =	vst v0  }
0x33: {  	v0 =	vld [tilespmem:s4+$0x20];
	[tilespmem:s0+$0x2720] =	vst v1  }
0x34: {  	v1 =	vld [tilespmem:s4+$0x30];
	[tilespmem:s0+$0x2730] =	vst v2  }
0x35: {  	[tilespmem:s0+$0x2740] =	vst v3;
	v58 =	vshll.u32 v5, $0x1  }
0x36: {  	[tilespmem:s4+$0x2750] =	vst v58;
	v2 =	vor.u32 $0x1, v58  }
0x37: {  	v59 =	vshll.u32 v6, $0x1;
	[tilespmem:s4+$0x4E60] =	vst v2  }
0x38: {  	v60 =	vor.u32 $0x1, v59;
	[tilespmem:s4+$0x2710] =	vst v59  }
0x39: {  	v4 =	vshll.u32 v4, $0x1;
	[tilespmem:s4+$0x4E20] =	vst v60  }
0x3a: {  	v61 =	vor.u32 $0x1, v4;
	[tilespmem:s4+$0x2720] =	vst v4  }
0x3b: {  	v0 =	vshll.u32 v0, $0x1;
	[tilespmem:s4+$0x4E30] =	vst v61  }
0x3c: {  	v62 =	vor.u32 $0x1, v0;
	[tilespmem:s4+$0x2730] =	vst v0  }
0x3d: {  	v1 =	vshll.u32 v1, $0x1;
	[tilespmem:s4+$0x4E40] =	vst v62  }
0x3e: {  	v63 =	vor.u32 $0x1, v1;
	[tilespmem:s4+$0x2740] =	vst v1  }
0x3f: {  	[tilespmem:s4+$0x4E50] =	vst v63;
	s4 =	simm.s32 $0x2710  }
0x40: {  	[tilespmem:s14], [sflag:$0x1] =	stream.indirect.gather [hbm4b:s1+s12], $0x40, s4, s12, $0xb8;
	[tilespmem:$0x1A040] =	vst v63  }
0x41: {  	s6 =	simm.s32 $0x2760  }
0x42: {  	[tilespmem:s16], [sflag:$0x2] =	stream.indirect.gather [hbm4b:s1+s12], $0x40, s6, s12, $0xb8;
	[tilespmem:$0x1A040] =	vst v63  }
0x43: {  	s7 =	simm.s32 $0x27B0;
	s6 =	stileid.u32  }
0x44: {  	[tilespmem:s18], [sflag:$0x3] =	stream.indirect.gather [hbm4b:s1+s12], $0x40, s7, s12, $0xb8;
	[tilespmem:$0x1A040] =	vst v63  }
0x45: {  	s19 =	simm.s32 $0x2800;
	s0 =	sshll.u32 s6, $0x6  }
0x46: {  	[tilespmem:s20], [sflag:$0x4] =	stream.indirect.gather [hbm4b:s1+s12], $0x40, s19, s12, $0xb8;
	[tilespmem:$0x1A040] =	vst v63  }
0x47: {  	s4 =	simm.s32 $0x2850;
	s19 =	sor.u32 $0x1C06, s0;
	s0 =	sshrl.u32 s8, $0x3  }
0x48: {  	[tilespmem:s22], [sflag:$0x5] =	stream.indirect.gather [hbm4b:s1+s12], $0x40, s4, s12, $0xb8;
	[tilespmem:$0x1A040] =	vst v63  }
0x49: {  	[spmem:s0], [sflag:s19] =	dma.local [hbm:s5], $0x1400  }
0x4a: {  	_ =	swait.ge [sflag:s10], $0x1400  }
0x4b: {  	[sflag:s10] =	ssyncset.done $0x0  }
0x4c: {  	[sflag:s10] =	ssyncadd.s32 $0xFFFFEC00  }
0x4d: {  	[bflag:$0x0] =	sbarrier.arrive $0xFFFF  }
0x4e: {  	_ =	swait.ge [sflag:s23], $0x1400  }
0x4f: {  	[sflag:s23] =	ssyncset.done $0x0  }
0x50: {  	s7 =	simm.s32 $0x7530;
	[sflag:s23] =	ssyncadd.s32 $0xFFFFEC00  }
0x51: {  	[spmem:s3] =	stream.indirect.scatter.add.f32 [tilespmem:s14], [sflag:$0x6], $0x40, s7, s12, $0xb8;
	[tilespmem:$0x1A040] =	vst v63  }
0x52: {  	_ =	swait.ge [sflag:s10], $0x1400  }
0x53: {  	[sflag:s10] =	ssyncset.done $0x0  }
0x54: {  	s6 =	simm.s32 $0x28A0;
	[sflag:s10] =	ssyncadd.s32 $0xFFFFEC00  }
0x55: {  	[tilespmem:s14], [sflag:$0x1] =	stream.indirect.gather [hbm4b:s1+s12], $0x40, s6, s12, $0xb8;
	[tilespmem:$0x1A040] =	vst v63  }
0x56: {  	_ =	swait.ge [sflag:s25], $0x1400  }
0x57: {  	[sflag:s25] =	ssyncset.done $0x0  }
0x58: {  	s7 =	simm.s32 $0x7580;
	[sflag:s25] =	ssyncadd.s32 $0xFFFFEC00  }
0x59: {  	[spmem:s3] =	stream.indirect.scatter.add.f32 [tilespmem:s16], [sflag:$0x6], $0x40, s7, s12, $0xb8;
	[tilespmem:$0x1A040] =	vst v63  }
0x5a: {  	_ =	swait.ge [sflag:s10], $0x1400  }
0x5b: {  	[sflag:s10] =	ssyncset.done $0x0  }
0x5c: {  	s6 =	simm.s32 $0x28F0;
	[sflag:s10] =	ssyncadd.s32 $0xFFFFEC00  }
0x5d: {  	[tilespmem:s16], [sflag:$0x2] =	stream.indirect.gather [hbm4b:s1+s12], $0x40, s6, s12, $0xb8;
	[tilespmem:$0x1A040] =	vst v63  }
0x5e: {  	_ =	swait.ge [sflag:s26], $0x1400  }
0x5f: {  	[sflag:s26] =	ssyncset.done $0x0  }
0x60: {  	s7 =	simm.s32 $0x75D0;
	[sflag:s26] =	ssyncadd.s32 $0xFFFFEC00  }
0x61: {  	[spmem:s3] =	stream.indirect.scatter.add.f32 [tilespmem:s18], [sflag:$0x6], $0x40, s7, s12, $0xb8;
	[tilespmem:$0x1A040] =	vst v63  }
0x62: {  	_ =	swait.ge [sflag:s10], $0x1400  }
0x63: {  	[sflag:s10] =	ssyncset.done $0x0  }
0x64: {  	s6 =	simm.s32 $0x2940;
	[sflag:s10] =	ssyncadd.s32 $0xFFFFEC00  }
0x65: {  	[tilespmem:s18], [sflag:$0x3] =	stream.indirect.gather [hbm4b:s1+s12], $0x40, s6, s12, $0xb8;
	[tilespmem:$0x1A040] =	vst v63  }
0x66: {  	_ =	swait.ge [sflag:s28], $0x1400  }
0x67: {  	[sflag:s28] =	ssyncset.done $0x0  }
0x68: {  	s7 =	simm.s32 $0x7620;
	[sflag:s28] =	ssyncadd.s32 $0xFFFFEC00  }
0x69: {  	[spmem:s3] =	stream.indirect.scatter.add.f32 [tilespmem:s20], [sflag:$0x6], $0x40, s7, s12, $0xb8;
	[tilespmem:$0x1A040] =	vst v63  }
0x6a: {  	_ =	swait.ge [sflag:s10], $0x1400  }
0x6b: {  	[sflag:s10] =	ssyncset.done $0x0  }
0x6c: {  	s6 =	simm.s32 $0x2990;
	[sflag:s10] =	ssyncadd.s32 $0xFFFFEC00  }
0x6d: {  	[tilespmem:s20], [sflag:$0x4] =	stream.indirect.gather [hbm4b:s1+s12], $0x40, s6, s12, $0xb8;
	[tilespmem:$0x1A040] =	vst v63  }
0x6e: {  	_ =	swait.ge [sflag:s29], $0x1400  }
0x6f: {  	[sflag:s29] =	ssyncset.done $0x0  }
0x70: {  	s7 =	simm.s32 $0x7670;
	[sflag:s29] =	ssyncadd.s32 $0xFFFFEC00  }
0x71: {  	[spmem:s3] =	stream.indirect.scatter.add.f32 [tilespmem:s22], [sflag:$0x6], $0x40, s7, s12, $0xb8;
	[tilespmem:$0x1A040] =	vst v63  }
0x72: {  	_ =	swait.ge [sflag:s10], $0x1400  }
0x73: {  	[sflag:s10] =	ssyncset.done $0x0  }
0x74: {  	s4 =	simm.s32 $0x640;
	s6 =	simm.s32 $0x29E0;
	[sflag:s10] =	ssyncadd.s32 $0xFFFFEC00  }
.LBB2_4:
0x75: {  	[tilespmem:s22], [sflag:$0x5] =	stream.indirect.gather [hbm4b:s1+s12], $0x40, s6, s12, $0xb8;
	[tilespmem:$0x1A040] =	vst v63  }
0x76: {  	s6 =	smov.u32 s4  }
0x77: {  	p0 =	sne.s32 s4, $0x8FC0;
	s4 =	sadd.s32 $0x640, s4;
	_ =	swait.ge [sflag:s23], $0x1400  }
0x78: {  	s6 =	sshra.s32 s6, $0x2;
	[sflag:s23] =	ssyncset.done $0x0  }
0x79: {  	s7 =	sadd.s32 $0x7530, s6;
	[sflag:s23] =	ssyncadd.s32 $0xFFFFEC00  }
0x7a: {  	[spmem:s3] =	stream.indirect.scatter.add.f32 [tilespmem:s14], [sflag:$0x6], $0x40, s7, s12, $0xb8;
	[tilespmem:$0x1A040] =	vst v63  }
0x7b: {  	_ =	swait.ge [sflag:s10], $0x1400  }
0x7c: {  	[sflag:s10] =	ssyncset.done $0x0  }
0x7d: {  	s7 =	sadd.s32 $0x28A0, s6;
	[sflag:s10] =	ssyncadd.s32 $0xFFFFEC00  }
0x7e: {  	[tilespmem:s14], [sflag:$0x1] =	stream.indirect.gather [hbm4b:s1+s12], $0x40, s7, s12, $0xb8;
	[tilespmem:$0x1A040] =	vst v63  }
0x7f: {  	_ =	swait.ge [sflag:s25], $0x1400  }
0x80: {  	[sflag:s25] =	ssyncset.done $0x0  }
0x81: {  	s7 =	sadd.s32 $0x7580, s6;
	[sflag:s25] =	ssyncadd.s32 $0xFFFFEC00  }
0x82: {  	[spmem:s3] =	stream.indirect.scatter.add.f32 [tilespmem:s16], [sflag:$0x6], $0x40, s7, s12, $0xb8;
	[tilespmem:$0x1A040] =	vst v63  }
0x83: {  	_ =	swait.ge [sflag:s10], $0x1400  }
0x84: {  	[sflag:s10] =	ssyncset.done $0x0  }
0x85: {  	s7 =	sadd.s32 $0x28F0, s6;
	[sflag:s10] =	ssyncadd.s32 $0xFFFFEC00  }
0x86: {  	[tilespmem:s16], [sflag:$0x2] =	stream.indirect.gather [hbm4b:s1+s12], $0x40, s7, s12, $0xb8;
	[tilespmem:$0x1A040] =	vst v63  }
0x87: {  	_ =	swait.ge [sflag:s26], $0x1400  }
0x88: {  	[sflag:s26] =	ssyncset.done $0x0  }
0x89: {  	s7 =	sadd.s32 $0x75D0, s6;
	[sflag:s26] =	ssyncadd.s32 $0xFFFFEC00  }
0x8a: {  	[spmem:s3] =	stream.indirect.scatter.add.f32 [tilespmem:s18], [sflag:$0x6], $0x40, s7, s12, $0xb8;
	[tilespmem:$0x1A040] =	vst v63  }
0x8b: {  	_ =	swait.ge [sflag:s10], $0x1400  }
0x8c: {  	[sflag:s10] =	ssyncset.done $0x0  }
0x8d: {  	s7 =	sadd.s32 $0x2940, s6;
	[sflag:s10] =	ssyncadd.s32 $0xFFFFEC00  }
0x8e: {  	[tilespmem:s18], [sflag:$0x3] =	stream.indirect.gather [hbm4b:s1+s12], $0x40, s7, s12, $0xb8;
	[tilespmem:$0x1A040] =	vst v63  }
0x8f: {  	_ =	swait.ge [sflag:s28], $0x1400  }
0x90: {  	[sflag:s28] =	ssyncset.done $0x0  }
0x91: {  	s7 =	sadd.s32 $0x7620, s6;
	[sflag:s28] =	ssyncadd.s32 $0xFFFFEC00  }
0x92: {  	[spmem:s3] =	stream.indirect.scatter.add.f32 [tilespmem:s20], [sflag:$0x6], $0x40, s7, s12, $0xb8;
	[tilespmem:$0x1A040] =	vst v63  }
0x93: {  	_ =	swait.ge [sflag:s10], $0x1400  }
0x94: {  	[sflag:s10] =	ssyncset.done $0x0  }
0x95: {  	s7 =	sadd.s32 $0x2990, s6;
	[sflag:s10] =	ssyncadd.s32 $0xFFFFEC00  }
0x96: {  	[tilespmem:s20], [sflag:$0x4] =	stream.indirect.gather [hbm4b:s1+s12], $0x40, s7, s12, $0xb8;
	[tilespmem:$0x1A040] =	vst v63  }
0x97: {  	_ =	swait.ge [sflag:s29], $0x1400  }
0x98: {  	[sflag:s29] =	ssyncset.done $0x0  }
.Ltmp1:
0x99: {  	s7 =	sadd.s32 $0x7670, s6;
	[sflag:s29] =	ssyncadd.s32 $0xFFFFEC00;
	(pc) =	sbr.rel @p0 .LBB2_4-.Ltmp1, $4  }
0x9a: {  	[spmem:s3] =	stream.indirect.scatter.add.f32 [tilespmem:s22], [sflag:$0x6], $0x40, s7, s12, $0xb8;
	[tilespmem:$0x1A040] =	vst v63  }
0x9b: {  	_ =	swait.ge [sflag:s10], $0x1400  }
0x9c: {  	[sflag:s10] =	ssyncset.done $0x0  }
0x9d: {  	s6 =	sadd.s32 $0x29E0, s6;
	[sflag:s10] =	ssyncadd.s32 $0xFFFFEC00  }
0x9e: {  	[tilespmem:s22], [sflag:$0x5] =	stream.indirect.gather [hbm4b:s1+s12], $0x40, s6, s12, $0xb8;
	[tilespmem:$0x1A040] =	vst v63  }
0x9f: {  	_ =	swait.ge [sflag:s23], $0x1400  }
0xa0: {  	[sflag:s23] =	ssyncset.done $0x0  }
0xa1: {  	[sflag:s23] =	ssyncadd.s32 $0xFFFFEC00  }
0xa2: {  	[spmem:s3] =	stream.indirect.scatter.add.f32 [tilespmem:s14], [sflag:$0x6], $0x40, s30, s12, $0xb8;
	[tilespmem:$0x1A040] =	vst v63  }
0xa3: {  	_ =	swait.ge [sflag:s10], $0x1400  }
0xa4: {  	[sflag:s10] =	ssyncset.done $0x0  }
0xa5: {  	[sflag:s10] =	ssyncadd.s32 $0xFFFFEC00  }
0xa6: {  	_ =	swait.ge [sflag:s25], $0x1400  }
0xa7: {  	[sflag:s25] =	ssyncset.done $0x0  }
0xa8: {  	[sflag:s25] =	ssyncadd.s32 $0xFFFFEC00  }
0xa9: {  	[spmem:s3] =	stream.indirect.scatter.add.f32 [tilespmem:s16], [sflag:$0x6], $0x40, s31, s12, $0xb8;
	[tilespmem:$0x1A040] =	vst v63  }
0xaa: {  	_ =	swait.ge [sflag:s10], $0x1400  }
0xab: {  	[sflag:s10] =	ssyncset.done $0x0  }
0xac: {  	[sflag:s10] =	ssyncadd.s32 $0xFFFFEC00  }
0xad: {  	_ =	swait.ge [sflag:s26], $0x1400  }
0xae: {  	[sflag:s26] =	ssyncset.done $0x0  }
0xaf: {  	[sflag:s26] =	ssyncadd.s32 $0xFFFFEC00  }
0xb0: {  	[spmem:s3] =	stream.indirect.scatter.add.f32 [tilespmem:s18], [sflag:$0x6], $0x40, s2, s12, $0xb8;
	[tilespmem:$0x1A040] =	vst v63  }
0xb1: {  	_ =	swait.ge [sflag:s10], $0x1400  }
0xb2: {  	[sflag:s10] =	ssyncset.done $0x0  }
0xb3: {  	[sflag:s10] =	ssyncadd.s32 $0xFFFFEC00  }
0xb4: {  	_ =	swait.ge [sflag:s28], $0x1400  }
0xb5: {  	[sflag:s28] =	ssyncset.done $0x0  }
0xb6: {  	[sflag:s28] =	ssyncadd.s32 $0xFFFFEC00  }
0xb7: {  	[spmem:s3] =	stream.indirect.scatter.add.f32 [tilespmem:s20], [sflag:$0x6], $0x40, s11, s12, $0xb8;
	[tilespmem:$0x1A040] =	vst v63  }
0xb8: {  	_ =	swait.ge [sflag:s10], $0x1400  }
0xb9: {  	[sflag:s10] =	ssyncset.done $0x0  }
0xba: {  	[sflag:s10] =	ssyncadd.s32 $0xFFFFEC00  }
0xbb: {  	_ =	swait.ge [sflag:s29], $0x1400  }
0xbc: {  	[sflag:s29] =	ssyncset.done $0x0  }
0xbd: {  	[sflag:s29] =	ssyncadd.s32 $0xFFFFEC00  }
0xbe: {  	[spmem:s3] =	stream.indirect.scatter.add.f32 [tilespmem:s22], [sflag:$0x6], $0x40, s13, s12, $0xb8;
	[tilespmem:$0x1A040] =	vst v63  }
0xbf: {  	_ =	swait.ge [sflag:s10], $0x1400  }
0xc0: {  	[sflag:s10] =	ssyncset.done $0x0  }
0xc1: {  	[sflag:s10] =	ssyncadd.s32 $0xFFFFEC00  }
0xc2: {  	[bflag:$0x0] =	sbarrier.arrive $0xFFFF  }
0xc3: {  	[hbm:s24@s15], [sflag:s19] =	dma.strided [spmem:s0@s17], $0x1400, s23, $0x8   }
0xc4: {  	_ =	swait.ge [sflag:s10], $0x1400  }
0xc5: {  	[sflag:s10] =	ssyncset.done $0x0  }
0xc6: {  	[sflag:s10] =	ssyncadd.s32 $0xFFFFEC00  }
0xc7: {  	s4 =	simm.s32 $0x4E20;
	[bflag:$0x0] =	sbarrier.arrive $0xFFFF  }
0xc8: {  	[tilespmem:s14], [sflag:$0x1] =	stream.indirect.gather [hbm4b:s1+s12], $0x40, s4, s12, $0xb8;
	[tilespmem:$0x1A040] =	vst v63  }
0xc9: {  	s7 =	simm.s32 $0x4E70  }
0xca: {  	[tilespmem:s16], [sflag:$0x2] =	stream.indirect.gather [hbm4b:s1+s12], $0x40, s7, s12, $0xb8;
	[tilespmem:$0x1A040] =	vst v63  }
0xcb: {  	s6 =	simm.s32 $0x4EC0  }
0xcc: {  	[tilespmem:s18], [sflag:$0x3] =	stream.indirect.gather [hbm4b:s1+s12], $0x40, s6, s12, $0xb8;
	[tilespmem:$0x1A040] =	vst v63  }
0xcd: {  	s7 =	simm.s32 $0x4F10  }
0xce: {  	[tilespmem:s20], [sflag:$0x4] =	stream.indirect.gather [hbm4b:s1+s12], $0x40, s7, s12, $0xb8;
	[tilespmem:$0x1A040] =	vst v63  }
0xcf: {  	s6 =	simm.s32 $0x4F60  }
0xd0: {  	[tilespmem:s22], [sflag:$0x5] =	stream.indirect.gather [hbm4b:s1+s12], $0x40, s6, s12, $0xb8;
	[tilespmem:$0x1A040] =	vst v63  }
0xd1: {  	[spmem:s0], [sflag:s19] =	dma.local [hbm:s5], $0x1400  }
0xd2: {  	_ =	swait.ge [sflag:s10], $0x1400  }
0xd3: {  	[sflag:s10] =	ssyncset.done $0x0  }
0xd4: {  	[sflag:s10] =	ssyncadd.s32 $0xFFFFEC00  }
0xd5: {  	[bflag:$0x0] =	sbarrier.arrive $0xFFFF  }
0xd6: {  	_ =	swait.ge [sflag:s23], $0x1400  }
0xd7: {  	[sflag:s23] =	ssyncset.done $0x0  }
0xd8: {  	s7 =	simm.s32 $0x7530;
	[sflag:s23] =	ssyncadd.s32 $0xFFFFEC00  }
0xd9: {  	[spmem:s3] =	stream.indirect.scatter.add.f32 [tilespmem:s14], [sflag:$0x6], $0x40, s7, s12, $0xb8;
	[tilespmem:$0x1A040] =	vst v63  }
0xda: {  	_ =	swait.ge [sflag:s10], $0x1400  }
0xdb: {  	[sflag:s10] =	ssyncset.done $0x0  }
0xdc: {  	s6 =	simm.s32 $0x4FB0;
	[sflag:s10] =	ssyncadd.s32 $0xFFFFEC00  }
0xdd: {  	[tilespmem:s14], [sflag:$0x1] =	stream.indirect.gather [hbm4b:s1+s12], $0x40, s6, s12, $0xb8;
	[tilespmem:$0x1A040] =	vst v63  }
0xde: {  	_ =	swait.ge [sflag:s25], $0x1400  }
0xdf: {  	[sflag:s25] =	ssyncset.done $0x0  }
0xe0: {  	s7 =	simm.s32 $0x7580;
	[sflag:s25] =	ssyncadd.s32 $0xFFFFEC00  }
0xe1: {  	[spmem:s3] =	stream.indirect.scatter.add.f32 [tilespmem:s16], [sflag:$0x6], $0x40, s7, s12, $0xb8;
	[tilespmem:$0x1A040] =	vst v63  }
0xe2: {  	_ =	swait.ge [sflag:s10], $0x1400  }
0xe3: {  	[sflag:s10] =	ssyncset.done $0x0  }
0xe4: {  	s6 =	simm.s32 $0x5000;
	[sflag:s10] =	ssyncadd.s32 $0xFFFFEC00  }
0xe5: {  	[tilespmem:s16], [sflag:$0x2] =	stream.indirect.gather [hbm4b:s1+s12], $0x40, s6, s12, $0xb8;
	[tilespmem:$0x1A040] =	vst v63  }
0xe6: {  	_ =	swait.ge [sflag:s26], $0x1400  }
0xe7: {  	[sflag:s26] =	ssyncset.done $0x0  }
0xe8: {  	s7 =	simm.s32 $0x75D0;
	[sflag:s26] =	ssyncadd.s32 $0xFFFFEC00  }
0xe9: {  	[spmem:s3] =	stream.indirect.scatter.add.f32 [tilespmem:s18], [sflag:$0x6], $0x40, s7, s12, $0xb8;
	[tilespmem:$0x1A040] =	vst v63  }
0xea: {  	_ =	swait.ge [sflag:s10], $0x1400  }
0xeb: {  	[sflag:s10] =	ssyncset.done $0x0  }
0xec: {  	s6 =	simm.s32 $0x5050;
	[sflag:s10] =	ssyncadd.s32 $0xFFFFEC00  }
0xed: {  	[tilespmem:s18], [sflag:$0x3] =	stream.indirect.gather [hbm4b:s1+s12], $0x40, s6, s12, $0xb8;
	[tilespmem:$0x1A040] =	vst v63  }
0xee: {  	_ =	swait.ge [sflag:s28], $0x1400  }
0xef: {  	[sflag:s28] =	ssyncset.done $0x0  }
0xf0: {  	s7 =	simm.s32 $0x7620;
	[sflag:s28] =	ssyncadd.s32 $0xFFFFEC00  }
0xf1: {  	[spmem:s3] =	stream.indirect.scatter.add.f32 [tilespmem:s20], [sflag:$0x6], $0x40, s7, s12, $0xb8;
	[tilespmem:$0x1A040] =	vst v63  }
0xf2: {  	_ =	swait.ge [sflag:s10], $0x1400  }
0xf3: {  	[sflag:s10] =	ssyncset.done $0x0  }
0xf4: {  	s6 =	simm.s32 $0x50A0;
	[sflag:s10] =	ssyncadd.s32 $0xFFFFEC00  }
0xf5: {  	[tilespmem:s20], [sflag:$0x4] =	stream.indirect.gather [hbm4b:s1+s12], $0x40, s6, s12, $0xb8;
	[tilespmem:$0x1A040] =	vst v63  }
0xf6: {  	_ =	swait.ge [sflag:s29], $0x1400  }
0xf7: {  	[sflag:s29] =	ssyncset.done $0x0  }
0xf8: {  	s7 =	simm.s32 $0x7670;
	[sflag:s29] =	ssyncadd.s32 $0xFFFFEC00  }
0xf9: {  	[spmem:s3] =	stream.indirect.scatter.add.f32 [tilespmem:s22], [sflag:$0x6], $0x40, s7, s12, $0xb8;
	[tilespmem:$0x1A040] =	vst v63  }
0xfa: {  	_ =	swait.ge [sflag:s10], $0x1400  }
0xfb: {  	[sflag:s10] =	ssyncset.done $0x0  }
0xfc: {  	s4 =	simm.s32 $0x640;
	s6 =	simm.s32 $0x50F0;
	[sflag:s10] =	ssyncadd.s32 $0xFFFFEC00  }
.LBB2_6:
0xfd: {  	[tilespmem:s22], [sflag:$0x5] =	stream.indirect.gather [hbm4b:s1+s12], $0x40, s6, s12, $0xb8;
	[tilespmem:$0x1A040] =	vst v63  }
0xfe: {  	s6 =	smov.u32 s4  }
0xff: {  	p0 =	sne.s32 s4, $0x8FC0;
	s4 =	sadd.s32 $0x640, s4;
	_ =	swait.ge [sflag:s23], $0x1400  }
0x100: {  	s6 =	sshra.s32 s6, $0x2;
	[sflag:s23] =	ssyncset.done $0x0  }
0x101: {  	s7 =	sadd.s32 $0x7530, s6;
	[sflag:s23] =	ssyncadd.s32 $0xFFFFEC00  }
0x102: {  	[spmem:s3] =	stream.indirect.scatter.add.f32 [tilespmem:s14], [sflag:$0x6], $0x40, s7, s12, $0xb8;
	[tilespmem:$0x1A040] =	vst v63  }
0x103: {  	_ =	swait.ge [sflag:s10], $0x1400  }
0x104: {  	[sflag:s10] =	ssyncset.done $0x0  }
0x105: {  	s7 =	sadd.s32 $0x4FB0, s6;
	[sflag:s10] =	ssyncadd.s32 $0xFFFFEC00  }
0x106: {  	[tilespmem:s14], [sflag:$0x1] =	stream.indirect.gather [hbm4b:s1+s12], $0x40, s7, s12, $0xb8;
	[tilespmem:$0x1A040] =	vst v63  }
0x107: {  	_ =	swait.ge [sflag:s25], $0x1400  }
0x108: {  	[sflag:s25] =	ssyncset.done $0x0  }
0x109: {  	s7 =	sadd.s32 $0x7580, s6;
	[sflag:s25] =	ssyncadd.s32 $0xFFFFEC00  }
0x10a: {  	[spmem:s3] =	stream.indirect.scatter.add.f32 [tilespmem:s16], [sflag:$0x6], $0x40, s7, s12, $0xb8;
	[tilespmem:$0x1A040] =	vst v63  }
0x10b: {  	_ =	swait.ge [sflag:s10], $0x1400  }
0x10c: {  	[sflag:s10] =	ssyncset.done $0x0  }
0x10d: {  	s7 =	sadd.s32 $0x5000, s6;
	[sflag:s10] =	ssyncadd.s32 $0xFFFFEC00  }
0x10e: {  	[tilespmem:s16], [sflag:$0x2] =	stream.indirect.gather [hbm4b:s1+s12], $0x40, s7, s12, $0xb8;
	[tilespmem:$0x1A040] =	vst v63  }
0x10f: {  	_ =	swait.ge [sflag:s26], $0x1400  }
0x110: {  	[sflag:s26] =	ssyncset.done $0x0  }
0x111: {  	s7 =	sadd.s32 $0x75D0, s6;
	[sflag:s26] =	ssyncadd.s32 $0xFFFFEC00  }
0x112: {  	[spmem:s3] =	stream.indirect.scatter.add.f32 [tilespmem:s18], [sflag:$0x6], $0x40, s7, s12, $0xb8;
	[tilespmem:$0x1A040] =	vst v63  }
0x113: {  	_ =	swait.ge [sflag:s10], $0x1400  }
0x114: {  	[sflag:s10] =	ssyncset.done $0x0  }
0x115: {  	s7 =	sadd.s32 $0x5050, s6;
	[sflag:s10] =	ssyncadd.s32 $0xFFFFEC00  }
0x116: {  	[tilespmem:s18], [sflag:$0x3] =	stream.indirect.gather [hbm4b:s1+s12], $0x40, s7, s12, $0xb8;
	[tilespmem:$0x1A040] =	vst v63  }
0x117: {  	_ =	swait.ge [sflag:s28], $0x1400  }
0x118: {  	[sflag:s28] =	ssyncset.done $0x0  }
0x119: {  	s7 =	sadd.s32 $0x7620, s6;
	[sflag:s28] =	ssyncadd.s32 $0xFFFFEC00  }
0x11a: {  	[spmem:s3] =	stream.indirect.scatter.add.f32 [tilespmem:s20], [sflag:$0x6], $0x40, s7, s12, $0xb8;
	[tilespmem:$0x1A040] =	vst v63  }
0x11b: {  	_ =	swait.ge [sflag:s10], $0x1400  }
0x11c: {  	[sflag:s10] =	ssyncset.done $0x0  }
0x11d: {  	s7 =	sadd.s32 $0x50A0, s6;
	[sflag:s10] =	ssyncadd.s32 $0xFFFFEC00  }
0x11e: {  	[tilespmem:s20], [sflag:$0x4] =	stream.indirect.gather [hbm4b:s1+s12], $0x40, s7, s12, $0xb8;
	[tilespmem:$0x1A040] =	vst v63  }
0x11f: {  	_ =	swait.ge [sflag:s29], $0x1400  }
0x120: {  	[sflag:s29] =	ssyncset.done $0x0  }
.Ltmp2:
0x121: {  	s7 =	sadd.s32 $0x7670, s6;
	[sflag:s29] =	ssyncadd.s32 $0xFFFFEC00;
	(pc) =	sbr.rel @p0 .LBB2_6-.Ltmp2, $4  }
0x122: {  	[spmem:s3] =	stream.indirect.scatter.add.f32 [tilespmem:s22], [sflag:$0x6], $0x40, s7, s12, $0xb8;
	[tilespmem:$0x1A040] =	vst v63  }
0x123: {  	_ =	swait.ge [sflag:s10], $0x1400  }
0x124: {  	[sflag:s10] =	ssyncset.done $0x0  }
0x125: {  	s6 =	sadd.s32 $0x50F0, s6;
	[sflag:s10] =	ssyncadd.s32 $0xFFFFEC00  }
0x126: {  	[tilespmem:s22], [sflag:$0x5] =	stream.indirect.gather [hbm4b:s1+s12], $0x40, s6, s12, $0xb8;
	[tilespmem:$0x1A040] =	vst v63  }
0x127: {  	_ =	swait.ge [sflag:s23], $0x1400  }
0x128: {  	[sflag:s23] =	ssyncset.done $0x0  }
0x129: {  	[sflag:s23] =	ssyncadd.s32 $0xFFFFEC00  }
0x12a: {  	[spmem:s3] =	stream.indirect.scatter.add.f32 [tilespmem:s14], [sflag:$0x6], $0x40, s30, s12, $0xb8;
	[tilespmem:$0x1A040] =	vst v63  }
0x12b: {  	_ =	swait.ge [sflag:s10], $0x1400  }
0x12c: {  	[sflag:s10] =	ssyncset.done $0x0  }
0x12d: {  	[sflag:s10] =	ssyncadd.s32 $0xFFFFEC00  }
0x12e: {  	_ =	swait.ge [sflag:s25], $0x1400  }
0x12f: {  	[sflag:s25] =	ssyncset.done $0x0  }
0x130: {  	[sflag:s25] =	ssyncadd.s32 $0xFFFFEC00  }
0x131: {  	[spmem:s3] =	stream.indirect.scatter.add.f32 [tilespmem:s16], [sflag:$0x6], $0x40, s31, s12, $0xb8;
	[tilespmem:$0x1A040] =	vst v63  }
0x132: {  	_ =	swait.ge [sflag:s10], $0x1400  }
0x133: {  	[sflag:s10] =	ssyncset.done $0x0  }
0x134: {  	[sflag:s10] =	ssyncadd.s32 $0xFFFFEC00  }
0x135: {  	_ =	swait.ge [sflag:s26], $0x1400  }
0x136: {  	[sflag:s26] =	ssyncset.done $0x0  }
0x137: {  	[sflag:s26] =	ssyncadd.s32 $0xFFFFEC00  }
0x138: {  	[spmem:s3] =	stream.indirect.scatter.add.f32 [tilespmem:s18], [sflag:$0x6], $0x40, s2, s12, $0xb8;
	[tilespmem:$0x1A040] =	vst v63  }
0x139: {  	_ =	swait.ge [sflag:s10], $0x1400  }
0x13a: {  	[sflag:s10] =	ssyncset.done $0x0  }
0x13b: {  	[sflag:s10] =	ssyncadd.s32 $0xFFFFEC00  }
0x13c: {  	_ =	swait.ge [sflag:s28], $0x1400  }
0x13d: {  	[sflag:s28] =	ssyncset.done $0x0  }
0x13e: {  	[sflag:s28] =	ssyncadd.s32 $0xFFFFEC00  }
0x13f: {  	[spmem:s3] =	stream.indirect.scatter.add.f32 [tilespmem:s20], [sflag:$0x6], $0x40, s11, s12, $0xb8;
	[tilespmem:$0x1A040] =	vst v63  }
0x140: {  	_ =	swait.ge [sflag:s10], $0x1400  }
0x141: {  	[sflag:s10] =	ssyncset.done $0x0  }
0x142: {  	[sflag:s10] =	ssyncadd.s32 $0xFFFFEC00  }
0x143: {  	_ =	swait.ge [sflag:s29], $0x1400  }
0x144: {  	[sflag:s29] =	ssyncset.done $0x0  }
0x145: {  	[sflag:s29] =	ssyncadd.s32 $0xFFFFEC00  }
0x146: {  	[spmem:s3] =	stream.indirect.scatter.add.f32 [tilespmem:s22], [sflag:$0x6], $0x40, s13, s12, $0xb8;
	[tilespmem:$0x1A040] =	vst v63  }
0x147: {  	_ =	swait.ge [sflag:s10], $0x1400  }
0x148: {  	s21 =	sadd.s32 $0x1, s21;
	[sflag:s10] =	ssyncset.done $0x0  }
0x149: {  	p0 =	sne.s32 s21, s9;
	[sflag:s10] =	ssyncadd.s32 $0xFFFFEC00  }
.Ltmp3:
0x14a: {  	s4 =	sadd.s32 $0x8, s24;
	[bflag:$0x0] =	sbarrier.arrive $0xFFFF;
	(pc) =	sbr.rel @p0 .LBB2_1-.Ltmp3, $4  }
0x14b: {  	[hbm:s4@s15], [sflag:s19] =	dma.strided [spmem:s0@s17], $0x1400, s23, $0x8   }
0x14c: {  	_ =	swait.ge [sflag:s10], $0x1400  }
0x14d: {  	[sflag:s10] =	ssyncset.done $0x0  }
0x14e: {  	[sflag:s10] =	ssyncadd.s32 $0xFFFFEC00  }
0x14f: {  	_ =	sfence.sel $0x180000  }
0x150: {  	[bflag:$0x0] =	sbarrier.arrive $0xFFFF  }
0x151: {  	_ =	strace $0x9000004A  }
0x152: {  	s0 =	stileid.u32;
	[bflag:$0x2] =	sbarrier.arrive $0xFFFF  }
0x153: {  	p0 =	sne.s32 s0, $0x0;
	s0 =	rddreg [dreg:$0x3]  }
0x154: {  	s0 =	sadd.s32 @!p0 $0x100000, s0  }
0x155: {  	[sflag:s0] =	ssyncadd.tile.s32 @!p0 $0x1;
	_ =	shalt  }
.Lfunc_end2:
_tile_overlayer_lowered:
.L_overlay_start_2:
0x156: {  	(tag) =	ssettag $0x2  }
0x157: {  	s0 =	rddreg [dreg:$0x0];
	s2 =	stileid.u32  }
0x158: {  	s1 =	rddreg [dreg:$0x1];
	p0 =	sne.s32 s2, $0x0  }
0x159: {  	s3 =	rddreg [dreg:$0x2];
	[bflag:$0x3] =	sbarrier.arrive $0xFFFF;
	s2 =	simm.s32 @!p0 $0x1C06  }
0x15a: {  	[timem:s3], [sflag:s2] =	dma.local @!p0 [hbm:s0], s1  }
0x15b: {  	s0 =	simm.s32 @!p0 $0x6  }
0x15c: {  	_ =	swait.ge @!p0 [sflag:s0], s1  }
0x15d: {  	s1 =	ssub.s32 @!p0 $0x0, s1;
	[sflag:s0] =	ssyncset.done @!p0 $0x0  }
0x15e: {  	[sflag:s0] =	ssyncadd.s32 @!p0 s1  }
0x15f: {  	[bflag:$0x3] =	sbarrier.arrive $0xFFFF  }
0x160: {  	_ =	shalt  }

// kernel: kernel.15.cloned.1.call-start
scs
__scs_entry_jumppad:
0x0: {  	(pc) =	sbr.rel $0x88, $3  }
0x1: {  	(tag) =	ssettag $0x0;
	lr =	simm.s32 $0x1  }
0x2: {  	[smem:$0x3F9B] =	sst lr;
	_ =	strace $0xD0000000  }
0x3: {  	_ = 	snop  }
0x4: {  	_ = 	snop  }
0x5: {  	_ = 	snop  }
0x6: {  	_ = 	snop  }
0x7: {  	_ = 	snop  }
__scs_overlays_trampoline_lowered:
0x8: {  	[smem:$0x3FAA] =	sst s0  }
0x9: {  	[smem:$0x3FAB] =	sst s1  }
0xa: {  	[smem:$0x3FAC] =	sst s2  }
0xb: {  	[smem:$0x3FAD] =	sst s3  }
0xc: {  	[smem:$0x3FAE] =	sst s4  }
0xd: {  	[smem:$0x3FAF] =	sst s5  }
0xe: {  	[smem:$0x3FB0] =	sst s6  }
0xf: {  	[smem:$0x3FB1] =	sst s7  }
0x10: {  	[smem:$0x3FB2] =	sst s8  }
0x11: {  	[smem:$0x3FB3] =	sst s9;
	s0 =	simm.s32 @!p0 $0x0  }
0x12: {  	s1 =	sld [smem:$0x3F99];
	s0 =	simm.s32 @p0 $0x1  }
0x13: {  	[smem:$0x3FB4] =	sst s0;
	s0 =	simm.s32 @!p1 $0x0  }
0x14: {  	s2 =	sld [smem:$0x3F98];
	s0 =	simm.s32 @p1 $0x1  }
0x15: {  	[smem:$0x3FB5] =	sst s0;
	s0 =	simm.s32 @!p2 $0x0  }
0x16: {  	s3 =	sld [smem:$0x3FDB];
	s0 =	simm.s32 @p2 $0x1  }
0x17: {  	s4 =	simm.s32 $0x1BF5;
	[smem:$0x3FB7] =	sst s0  }
0x18: {  	s0 =	sld [smem:$0x3F9A];
	_ =	swait.ge [sflag:s4], $0x0  }
0x19: {  	s7 =	sld [smem:$0x3F9B]  }
0x1a: {  	s8 =	sadd.s32 $0xFFFFE003, lr  }
0x1b: {  	s9 =	sadd.s32 $0xFFFFFEF7, lr;
	s5 =	simm.s32 $0xFFFFFFFF;
	p2 =	slt.u32 s8, $0xFFFFF086  }
0x1c: {  	p1 =	slt.u32 s9, $0xF7A;
	s5 =	simm.s32 @!p2 $0x0  }
0x1d: {  	s5 =	simm.s32 @p1 $0x1;
	p0 =	seq.s32 s7, s2  }
0x1e: {  	s7 =	smul.u32 @!p0 $0xF7A, s2;
	p2 =	seq.s32 @!p0 s5, $0x0  }
0x1f: {  	s9 =	smul.u32 $0xF7A, s1;
	s8 =	simm.s32 @!p0 $0x1BF5;
	p2 =	por !p2, p0  }
0x20: {  	[sflag:s8] =	ssyncset.s32 @!p0 $0xFFFFF086;
	s6 =	sadd.s32 @!p0 s3, s7;
	s7 =	simm.s32 @!p0 $0x108  }
0x21: {  	s3 =	sadd.s32 s3, s9;
	s6 =	sadd.s32 @!p0 $0x88, s6;
	s7 =	simm.s32 @p2 $0x1082  }
0x22: {  	[simem:s7], [sflag:s8] =	dma.local @!p0 [hbm:s6], $0xF7A  }
0x23: {  	s9 =	sor.u32 $0xD0000000, s2;
	s6 =	simm.s32 $0x108;
	_ =	swait.ge @!p0 [sflag:s8], $0x0  }
0x24: {  	s3 =	sadd.s32 $0x88, s3;
	s6 =	simm.s32 @!p1 $0x1082;
	[sflag:s4] =	ssyncset.s32 $0xFFFFF086  }
0x25: {  	[simem:s6], [sflag:s4] =	dma.local [hbm:s3], $0xF7A  }
0x26: {  	[smem:$0x3F9B] =	sst s1;
	(tag) =	ssettag s2;
	_ =	strace s9  }
0x27: {  	s1 =	sld [smem:$0x3FAB]  }
0x28: {  	s2 =	sld [smem:$0x3FAC]  }
0x29: {  	s4 =	sld [smem:$0x3FAE]  }
0x2a: {  	p0 =	seq.s32 s5, $0x0;
	s5 =	sld [smem:$0x3FAF]  }
0x2b: {  	s6 =	sld [smem:$0x3FB0]  }
0x2c: {  	s7 =	sld [smem:$0x3FB1]  }
0x2d: {  	s3 =	simm.s32 $0x108;
	s8 =	sld [smem:$0x3FB2]  }
0x2e: {  	s3 =	simm.s32 @!p0 $0x1082;
	s9 =	sld [smem:$0x3FB3]  }
0x2f: {  	lr =	sadd.s32 s0, s3;
	s0 =	sld [smem:$0x3FAA]  }
0x30: {  	s3 =	sld [smem:$0x3FAD]  }
0x31: {  	[smem:$0x3FB6] =	sst s10  }
0x32: {  	s10 =	sld [smem:$0x3FB4];
	_ =	sdelay $0x3  }
0x33: {  	p0 =	seq.s32 s10, $0x1;
	s10 =	sld [smem:$0x3FB6];
	_ =	sdelay $0x3  }
0x34: {  	[smem:$0x3FB6] =	sst s10  }
0x35: {  	s10 =	sld [smem:$0x3FB5];
	_ =	sdelay $0x3  }
0x36: {  	p1 =	seq.s32 s10, $0x1;
	s10 =	sld [smem:$0x3FB6];
	_ =	sdelay $0x3  }
0x37: {  	[smem:$0x3FB6] =	sst s10  }
0x38: {  	s10 =	sld [smem:$0x3FB7]  }
0x39: {  	_ = 	snop;
	(pc) =	sbr.ind lr, $3  }
0x3a: {  	_ = 	snop  }
0x3b: {  	_ = 	snop  }
0x3c: {  	p2 =	seq.s32 s10, $0x1;
	s10 =	sld [smem:$0x3FB6]  }
0x3d: {  	_ =	shalt  }
0x3e: {  	_ =	shalt  }
0x3f: {  	_ =	shalt  }
0x40: {  	_ =	shalt  }
0x41: {  	_ =	shalt  }
0x42: {  	_ =	shalt  }
0x43: {  	_ =	shalt  }
0x44: {  	_ =	shalt  }
0x45: {  	_ =	shalt  }
0x46: {  	_ =	shalt  }
0x47: {  	_ =	shalt  }
0x48: {  	_ =	shalt  }
0x49: {  	_ =	shalt  }
0x4a: {  	_ =	shalt  }
0x4b: {  	_ =	shalt  }
0x4c: {  	_ =	shalt  }
0x4d: {  	_ =	shalt  }
0x4e: {  	_ =	shalt  }
0x4f: {  	_ =	shalt  }
0x50: {  	_ =	shalt  }
0x51: {  	_ =	shalt  }
0x52: {  	_ =	shalt  }
0x53: {  	_ =	shalt  }
0x54: {  	_ =	shalt  }
0x55: {  	_ =	shalt  }
0x56: {  	_ =	shalt  }
0x57: {  	_ =	shalt  }
0x58: {  	_ =	shalt  }
0x59: {  	_ =	shalt  }
0x5a: {  	_ =	shalt  }
0x5b: {  	_ =	shalt  }
0x5c: {  	_ =	shalt  }
0x5d: {  	_ =	shalt  }
0x5e: {  	_ =	shalt  }
0x5f: {  	_ =	shalt  }
0x60: {  	_ =	shalt  }
0x61: {  	_ =	shalt  }
0x62: {  	_ =	shalt  }
0x63: {  	_ =	shalt  }
0x64: {  	_ =	shalt  }
0x65: {  	_ =	shalt  }
0x66: {  	_ =	shalt  }
0x67: {  	_ =	shalt  }
0x68: {  	_ =	shalt  }
0x69: {  	_ =	shalt  }
0x6a: {  	_ =	shalt  }
0x6b: {  	_ =	shalt  }
0x6c: {  	_ =	shalt  }
0x6d: {  	_ =	shalt  }
0x6e: {  	_ =	shalt  }
0x6f: {  	_ =	shalt  }
0x70: {  	_ =	shalt  }
0x71: {  	_ =	shalt  }
0x72: {  	_ =	shalt  }
0x73: {  	_ =	shalt  }
0x74: {  	_ =	shalt  }
0x75: {  	_ =	shalt  }
0x76: {  	_ =	shalt  }
0x77: {  	_ =	shalt  }
0x78: {  	_ =	shalt  }
0x79: {  	_ =	shalt  }
0x7a: {  	_ =	shalt  }
0x7b: {  	_ =	shalt  }
0x7c: {  	_ =	shalt  }
0x7d: {  	_ =	shalt  }
0x7e: {  	_ =	shalt  }
0x7f: {  	_ =	shalt  }
0x80: {  	_ =	shalt  }
0x81: {  	_ =	shalt  }
0x82: {  	_ =	shalt  }
0x83: {  	_ =	shalt  }
0x84: {  	_ =	shalt  }
0x85: {  	_ =	shalt  }
0x86: {  	_ =	shalt  }
0x87: {  	_ =	shalt  }
.Lfunc_end0:
.L_simem_size_0:
called_computation.2_lowered:
.L_overlay_start_0:
0x88: {  	s2 =	sld [smem:$0x3FD9]  }
0x89: {  	s3 =	sld [smem:$0x3FFE];
	_ =	sdelay $0x1  }
0x8a: {  	s1 =	srdreg.scid  }
0x8b: {  	s0 =	sand.u32 $0x1, s1  }
0x8c: {  	s17 =	sshll.u32 s0, $0xA;
	s2 =	sadd.s32 s3, s2  }
0x8d: {  	s2 =	sadd.s32 s2, s17  }
0x8e: {  	[smem:$0x3FC2] =	sst s2  }
0x8f: {  	_ = 	snop  }
0x90: {  	s2 =	sld [smem:$0x3FD0];
	(tm) =	ssettm $0x1  }
0x91: {  	s18 =	sld [smem:$0x3FFB];
	_ =	sdelay $0x3  }
0x92: {  	_ =	strace s18  }
0x93: {  	s3 =	sld [smem:$0x3FFC];
	_ =	sdelay $0x3  }
0x94: {  	_ =	strace s3  }
0x95: {  	s3 =	sld [smem:$0x3FFD];
	_ =	sdelay $0x3  }
0x96: {  	_ =	strace s3  }
0x97: {  	_ =	strace $0x8FFFFFFF  }
0x98: {  	s19 =	sld [smem:$0x3FDB];
	_ =	sdelay $0x1  }
0x99: {  	s4 =	simm.s32 $_scs_section_size  }
0x9a: {  	s5 =	simm.s32 $_size__tile_overlayer_lowered;
	s6 =	simm.s32 $_tile_overlayer_lowered  }
0x9b: {  	s22 =	simm.s32 $0x1BFF;
	s21 =	sshll.u32 s6, $0x1;
	s3 =	sadd.s32 s4, s19  }
0x9c: {  	s7 =	simm.s32 $0x0;
	s20 =	sshll.u32 s5, $0x1;
	s5 =	sadd.s32 s21, s3  }
0x9d: {  	[timem:s7], [sflag:s22] =	dma.local [hbm:s5], s20  }
0x9e: {  	_ =	swait.ge [sflag:s22], s20  }
0x9f: {  	s4 =	ssub.s32 $0x0, s20;
	[sflag:s22] =	ssyncset.done $0x0  }
0xa0: {  	[sflag:s22] =	ssyncadd.s32 s4;
	_ =	sdelay $0x1  }
0xa1: {  	s23 =	simm.s32 $0x1B8B  }
0xa2: {  	_ =	swait.ge [sflag:s23], $0x1  }
0xa3: {  	[sflag:s23] =	ssyncset.done $0x0  }
0xa4: {  	s25 =	simm.s32 $0x1B8E;
	s24 =	sld [smem:$0x3FFE];
	[sflag:s23] =	ssyncadd.s32 $0xFFFFFFFF  }
0xa5: {  	s26 =	simm.s32 $execute0_lowered;
	[smem:$0x3FD2] =	sst s25  }
0xa6: {  	s5 =	sshll.u32 s26, $0x1;
	_ =	strace $0x8000004C;
	[dreg:$0x1] =	wrdreg $0xFFFFFFFF  }
0xa7: {  	s28 =	simm.s32 $_size_execute0_lowered;
	s3 =	sadd.s32 s3, s5;
	[dreg:$0x0] =	wrdreg $0x0  }
0xa8: {  	s5 =	sshll.u32 s28, $0x1;
	[dreg:$0x2] =	wrdreg s3  }
0xa9: {  	[dreg:$0x3] =	wrdreg s5  }
0xaa: {  	[dreg:$0x4] =	wrdreg $0xC0  }
0xab: {  	_ =	task [dreg:s7], $0x5FFFF  }
0xac: {  	[dreg:$0x1] =	wrdreg $0xFFFFFFFF  }
0xad: {  	[dreg:$0x0] =	wrdreg $0x60  }
0xae: {  	[dreg:$0x2] =	wrdreg s2  }
0xaf: {  	[dreg:$0x3] =	wrdreg s24  }
0xb0: {  	[dreg:$0x4] =	wrdreg $0x100400  }
0xb1: {  	[dreg:$0x5] =	wrdreg $0x9  }
0xb2: {  	_ =	task.clear_ibuf [dreg:s7], $0x6FFFF;
	_ =	strace $0x9000004C  }
0xb3: {  	s29 =	simm.s32 $0x9;
	_ =	strace $0x8000004E  }
0xb4: {  	_ =	swait.ge [sflag:s29], $0x1  }
0xb5: {  	[sflag:s29] =	ssyncadd.s32 $0xFFFFFFFF  }
0xb6: {  	_ =	strace $0x9000004E  }
0xb7: {  	_ =	sfence  }
0xb8: {  	s30 =	sld [smem:$0x0];
	_ =	sdelay $0x2  }
0xb9: {  	s31 =	sshll.u32 s1, $0xD;
	s1 =	sshrl.u32 s1, $0x2  }
0xba: {  	s3 =	sand.u32 $0x4000, s31;
	s1 =	sadd.s32 s1, s30  }
0xbb: {  	s0 =	sor.u32 s3, s0;
	s1 =	sshll.u32 s1, $0x11  }
0xbc: {  	s0 =	sor.u32 s1, s0  }
0xbd: {  	s0 =	sadd.s32 $0x8F2B, s0  }
0xbe: {  	[sflag:s0] =	ssyncadd.remote.s32 $0x1  }
0xbf: {  	_ =	sfence.sel $0xFFFF  }
0xc0: {  	[dreg:$0x0] =	wrdreg $0xFFFFFFFF;
	(pc) =	sbr.abs _section_cstart, $3  }
0xc1: {  	[dreg:$0x1] =	wrdreg $0xFFFFFFFF  }
0xc2: {  	_ =	task.clear_ibuf [dreg:s7], $0x2FFFF;
	_ =	strace $0x9FFFFFFF  }
0xc3: {  	(tm) =	ssettm $0x7FFFFFFF  }
tec
execute0_lowered:
.L_overlay_start_1:
0x0: {  	(tag) =	ssettag $0x1  }
0x1: {  	s1 =	rddreg [dreg:$0x0]  }
0x2: {  	s0 =	rddreg [dreg:$0x1];
	s2 =	srdreg.scid  }
0x3: {  	s9 =	stileid.u32;
	s3 =	rddreg [dreg:$0x2]  }
0x4: {  	s5 =	simm.s32 $0x0;
	s10 =	simm.s32 $0x6;
	s12 =	simm.s32 $0x50  }
0x5: {  	s14 =	simm.s32 $0x9C40;
	s16 =	simm.s32 $0xB040;
	s18 =	simm.s32 $0xC440  }
0x6: {  	s20 =	simm.s32 $0xD840;
	s22 =	simm.s32 $0xEC40;
	s23 =	simm.s32 $0x1  }
0x7: {  	s28 =	simm.s32 $0x4;
	s29 =	simm.s32 $0x5;
	s30 =	simm.s32 $0x9AB0  }
0x8: {  	s31 =	simm.s32 $0x9B00;
	s11 =	simm.s32 $0x9BA0;
	s13 =	simm.s32 $0x9BF0  }
0x9: {  	s15 =	simm.s32 $0x10;
	s17 =	simm.s32 $0x8;
	s21 =	simm.s32 $0x0  }
0xa: {  	s2 =	sand.u32 $0x1, s2;
	s4 =	sshll.u32 s9, $0x1;
	s8 =	smul.u32 $0x28000, s9  }
0xb: {  	[smem:$0x7FF] =	sst s5;
	s5 =	sadd.s32 $0x67400, s0;
	s26 =	smul.u32 $0x2800, s9  }
0xc: {  	s4 =	sor.u32 s2, s4;
	s6 =	smul.u32 $0x28000, s2;
	s2 =	ssub.s32 $0x2, s2  }
0xd: {  	s4 =	smul.u32 $0x4E2, s4;
	s7 =	sshrl.u32 s2, $0x1;
	s25 =	sshrl.u32 s8, $0x2  }
0xe: {  	_ =	strace $0x8000004D;
	s2 =	ssub.s32 s2, s7;
	s8 =	sadd.s32 s25, s3  }
0xf: {  	s25 =	simm.s32 $0x2;
	s4 =	sadd.s32 s4, s0;
	s0 =	sadd.s32 s6, s0  }
0x10: {  	s9 =	smax.u32 s2, $0x1;
	s2 =	simm.s32 $0x9B50;
	s24 =	sadd.s32 $0xD600, s4  }
0x11: {  	s4 =	sadd.s32 $0x3400, s4;
	s0 =	sadd.s32 $0x68800, s0;
	[dreg:$0x4] =	wrdreg s24  }
0x12: {  	[dreg:$0x5] =	wrdreg s4;
	s24 =	sadd.s32 s26, s0;
	s26 =	simm.s32 $0x3  }
.LBB2_1:
0x13: {  	s0 =	simm.s32 $0x0;
	s4 =	rddreg [dreg:$0x4]  }
0x14: {  	[tilespmem:s0], [sflag:$0x6] =	stream.linear.gather [hbm4b:s4+s0], $0x2710, $0x38;
	[tilespmem:$0x1A040] =	vst v63  }
0x15: {  	_ =	swait.ge [sflag:s10], $0x2710  }
0x16: {  	[sflag:s10] =	ssyncset.done $0x0  }
0x17: {  	s6 =	simm.s32 $0x7530;
	s19 =	rddreg [dreg:$0x5];
	[sflag:s10] =	ssyncadd.s32 $0xFFFFD8F0  }
0x18: {  	[tilespmem:s6], [sflag:$0x6] =	stream.linear.gather [hbm4b:s19+s0], $0x2710, $0x38;
	[tilespmem:$0x1A040] =	vst v63  }
0x19: {  	_ =	swait.ge [sflag:s10], $0x2710  }
0x1a: {  	[sflag:s10] =	ssyncset.done $0x0  }
0x1b: {  	s0 =	simm.s32 $0x0;
	[sflag:s10] =	ssyncadd.s32 $0xFFFFD8F0  }
0x1c: {  	v0 =	vld [tilespmem:s0+$0x40]  }
0x1d: {  	v1 =	vld [tilespmem:s0+$0x0]  }
0x1e: {  	v2 =	vld [tilespmem:s0+$0x10]  }
0x1f: {  	v3 =	vld [tilespmem:s0+$0x20]  }
0x20: {  	v5 =	vld [tilespmem:s0+$0x30]  }
0x21: {  	v4 =	vshll.u32 v0, $0x1  }
0x22: {  	v0 =	vshll.u32 v1, $0x1;
	[tilespmem:s0+$0x2750] =	vst v4;
	v4 =	vor.u32 $0x1, v4  }
0x23: {  	v1 =	vshll.u32 v2, $0x1;
	v6 =	vor.u32 $0x1, v0;
	[tilespmem:s0+$0x4E60] =	vst v4  }
0x24: {  	v2 =	vshll.u32 v3, $0x1;
	[tilespmem:s0+$0x4E20] =	vst v6;
	v4 =	vor.u32 $0x1, v1  }
0x25: {  	s4 =	simm.s32 $0x50;
	s6 =	simm.s32 $0x280;
	v3 =	vshll.u32 v5, $0x1;
	[tilespmem:s0+$0x4E30] =	vst v4;
	v4 =	vor.u32 $0x1, v2  }
.LBB2_2:
0x26: {  	p0 =	sne.s32 s6, $0x9B00;
	v5 =	vld [tilespmem:s4+$0x40];
	[tilespmem:s0+$0x4E40] =	vst v4;
	v4 =	vor.u32 $0x1, v3  }
0x27: {  	v6 =	vld [tilespmem:s4+$0x0];
	[tilespmem:s0+$0x4E50] =	vst v4  }
0x28: {  	v4 =	vld [tilespmem:s4+$0x10];
	[tilespmem:s0+$0x2710] =	vst v0  }
0x29: {  	v7 =	vld [tilespmem:s4+$0x20];
	[tilespmem:s0+$0x2720] =	vst v1  }
0x2a: {  	v8 =	vld [tilespmem:s4+$0x30];
	[tilespmem:s0+$0x2730] =	vst v2  }
.Ltmp0:
0x2b: {  	v1 =	vshll.u32 v5, $0x1;
	[tilespmem:s0+$0x2740] =	vst v3;
	s0 =	smov.u32 s4;
	(pc) =	sbr.rel @p0 .LBB2_2-.Ltmp0, $4  }
0x2c: {  	v0 =	vshll.u32 v6, $0x1;
	[tilespmem:s0+$0x2750] =	vst v1;
	v2 =	vor.u32 $0x1, v1  }
0x2d: {  	v3 =	vor.u32 $0x1, v0;
	v1 =	vshll.u32 v4, $0x1;
	[tilespmem:s0+$0x4E60] =	vst v2  }
0x2e: {  	[tilespmem:s0+$0x4E20] =	vst v3;
	v3 =	vor.u32 $0x1, v1;
	v2 =	vshll.u32 v7, $0x1  }
0x2f: {  	s4 =	sshra.s32 s6, $0x2;
	s6 =	sadd.s32 $0x140, s6;
	[tilespmem:s0+$0x4E30] =	vst v3;
	v4 =	vor.u32 $0x1, v2;
	v3 =	vshll.u32 v8, $0x1  }
0x30: {  	v5 =	vld [tilespmem:s4+$0x40];
	[tilespmem:s0+$0x4E40] =	vst v4;
	v57 =	vor.u32 $0x1, v3  }
0x31: {  	v6 =	vld [tilespmem:s4+$0x0];
	[tilespmem:s0+$0x4E50] =	vst v57  }
0x32: {  	v4 =	vld [tilespmem:s4+$0x10];
	[tilespmem:s0+$0x2710] =	vst v0  }
0x33: {  	v0 =	vld [tilespmem:s4+$0x20];
	[tilespmem:s0+$0x2720] =	vst v1  }
0x34: {  	v1 =	vld [tilespmem:s4+$0x30];
	[tilespmem:s0+$0x2730] =	vst v2  }
0x35: {  	[tilespmem:s0+$0x2740] =	vst v3;
	v58 =	vshll.u32 v5, $0x1  }
0x36: {  	[tilespmem:s4+$0x2750] =	vst v58;
	v2 =	vor.u32 $0x1, v58  }
0x37: {  	v59 =	vshll.u32 v6, $0x1;
	[tilespmem:s4+$0x4E60] =	vst v2  }
0x38: {  	v60 =	vor.u32 $0x1, v59;
	[tilespmem:s4+$0x2710] =	vst v59  }
0x39: {  	v4 =	vshll.u32 v4, $0x1;
	[tilespmem:s4+$0x4E20] =	vst v60  }
0x3a: {  	v61 =	vor.u32 $0x1, v4;
	[tilespmem:s4+$0x2720] =	vst v4  }
0x3b: {  	v0 =	vshll.u32 v0, $0x1;
	[tilespmem:s4+$0x4E30] =	vst v61  }
0x3c: {  	v62 =	vor.u32 $0x1, v0;
	[tilespmem:s4+$0x2730] =	vst v0  }
0x3d: {  	v1 =	vshll.u32 v1, $0x1;
	[tilespmem:s4+$0x4E40] =	vst v62  }
0x3e: {  	v63 =	vor.u32 $0x1, v1;
	[tilespmem:s4+$0x2740] =	vst v1  }
0x3f: {  	[tilespmem:s4+$0x4E50] =	vst v63;
	s4 =	simm.s32 $0x2710  }
0x40: {  	[tilespmem:s14], [sflag:$0x1] =	stream.indirect.gather [hbm4b:s1+s12], $0x40, s4, s12, $0xb8;
	[tilespmem:$0x1A040] =	vst v63  }
0x41: {  	s6 =	simm.s32 $0x2760  }
0x42: {  	[tilespmem:s16], [sflag:$0x2] =	stream.indirect.gather [hbm4b:s1+s12], $0x40, s6, s12, $0xb8;
	[tilespmem:$0x1A040] =	vst v63  }
0x43: {  	s7 =	simm.s32 $0x27B0;
	s6 =	stileid.u32  }
0x44: {  	[tilespmem:s18], [sflag:$0x3] =	stream.indirect.gather [hbm4b:s1+s12], $0x40, s7, s12, $0xb8;
	[tilespmem:$0x1A040] =	vst v63  }
0x45: {  	s19 =	simm.s32 $0x2800;
	s0 =	sshll.u32 s6, $0x6  }
0x46: {  	[tilespmem:s20], [sflag:$0x4] =	stream.indirect.gather [hbm4b:s1+s12], $0x40, s19, s12, $0xb8;
	[tilespmem:$0x1A040] =	vst v63  }
0x47: {  	s4 =	simm.s32 $0x2850;
	s19 =	sor.u32 $0x1C06, s0;
	s0 =	sshrl.u32 s8, $0x3  }
0x48: {  	[tilespmem:s22], [sflag:$0x5] =	stream.indirect.gather [hbm4b:s1+s12], $0x40, s4, s12, $0xb8;
	[tilespmem:$0x1A040] =	vst v63  }
0x49: {  	[spmem:s0], [sflag:s19] =	dma.local [hbm:s5], $0x1400  }
0x4a: {  	_ =	swait.ge [sflag:s10], $0x1400  }
0x4b: {  	[sflag:s10] =	ssyncset.done $0x0  }
0x4c: {  	[sflag:s10] =	ssyncadd.s32 $0xFFFFEC00  }
0x4d: {  	[bflag:$0x0] =	sbarrier.arrive $0xFFFF  }
0x4e: {  	_ =	swait.ge [sflag:s23], $0x1400  }
0x4f: {  	[sflag:s23] =	ssyncset.done $0x0  }
0x50: {  	s7 =	simm.s32 $0x7530;
	[sflag:s23] =	ssyncadd.s32 $0xFFFFEC00  }
0x51: {  	[spmem:s3] =	stream.indirect.scatter.add.f32 [tilespmem:s14], [sflag:$0x6], $0x40, s7, s12, $0xb8;
	[tilespmem:$0x1A040] =	vst v63  }
0x52: {  	_ =	swait.ge [sflag:s10], $0x1400  }
0x53: {  	[sflag:s10] =	ssyncset.done $0x0  }
0x54: {  	s6 =	simm.s32 $0x28A0;
	[sflag:s10] =	ssyncadd.s32 $0xFFFFEC00  }
0x55: {  	[tilespmem:s14], [sflag:$0x1] =	stream.indirect.gather [hbm4b:s1+s12], $0x40, s6, s12, $0xb8;
	[tilespmem:$0x1A040] =	vst v63  }
0x56: {  	_ =	swait.ge [sflag:s25], $0x1400  }
0x57: {  	[sflag:s25] =	ssyncset.done $0x0  }
0x58: {  	s7 =	simm.s32 $0x7580;
	[sflag:s25] =	ssyncadd.s32 $0xFFFFEC00  }
0x59: {  	[spmem:s3] =	stream.indirect.scatter.add.f32 [tilespmem:s16], [sflag:$0x6], $0x40, s7, s12, $0xb8;
	[tilespmem:$0x1A040] =	vst v63  }
0x5a: {  	_ =	swait.ge [sflag:s10], $0x1400  }
0x5b: {  	[sflag:s10] =	ssyncset.done $0x0  }
0x5c: {  	s6 =	simm.s32 $0x28F0;
	[sflag:s10] =	ssyncadd.s32 $0xFFFFEC00  }
0x5d: {  	[tilespmem:s16], [sflag:$0x2] =	stream.indirect.gather [hbm4b:s1+s12], $0x40, s6, s12, $0xb8;
	[tilespmem:$0x1A040] =	vst v63  }
0x5e: {  	_ =	swait.ge [sflag:s26], $0x1400  }
0x5f: {  	[sflag:s26] =	ssyncset.done $0x0  }
0x60: {  	s7 =	simm.s32 $0x75D0;
	[sflag:s26] =	ssyncadd.s32 $0xFFFFEC00  }
0x61: {  	[spmem:s3] =	stream.indirect.scatter.add.f32 [tilespmem:s18], [sflag:$0x6], $0x40, s7, s12, $0xb8;
	[tilespmem:$0x1A040] =	vst v63  }
0x62: {  	_ =	swait.ge [sflag:s10], $0x1400  }
0x63: {  	[sflag:s10] =	ssyncset.done $0x0  }
0x64: {  	s6 =	simm.s32 $0x2940;
	[sflag:s10] =	ssyncadd.s32 $0xFFFFEC00  }
0x65: {  	[tilespmem:s18], [sflag:$0x3] =	stream.indirect.gather [hbm4b:s1+s12], $0x40, s6, s12, $0xb8;
	[tilespmem:$0x1A040] =	vst v63  }
0x66: {  	_ =	swait.ge [sflag:s28], $0x1400  }
0x67: {  	[sflag:s28] =	ssyncset.done $0x0  }
0x68: {  	s7 =	simm.s32 $0x7620;
	[sflag:s28] =	ssyncadd.s32 $0xFFFFEC00  }
0x69: {  	[spmem:s3] =	stream.indirect.scatter.add.f32 [tilespmem:s20], [sflag:$0x6], $0x40, s7, s12, $0xb8;
	[tilespmem:$0x1A040] =	vst v63  }
0x6a: {  	_ =	swait.ge [sflag:s10], $0x1400  }
0x6b: {  	[sflag:s10] =	ssyncset.done $0x0  }
0x6c: {  	s6 =	simm.s32 $0x2990;
	[sflag:s10] =	ssyncadd.s32 $0xFFFFEC00  }
0x6d: {  	[tilespmem:s20], [sflag:$0x4] =	stream.indirect.gather [hbm4b:s1+s12], $0x40, s6, s12, $0xb8;
	[tilespmem:$0x1A040] =	vst v63  }
0x6e: {  	_ =	swait.ge [sflag:s29], $0x1400  }
0x6f: {  	[sflag:s29] =	ssyncset.done $0x0  }
0x70: {  	s7 =	simm.s32 $0x7670;
	[sflag:s29] =	ssyncadd.s32 $0xFFFFEC00  }
0x71: {  	[spmem:s3] =	stream.indirect.scatter.add.f32 [tilespmem:s22], [sflag:$0x6], $0x40, s7, s12, $0xb8;
	[tilespmem:$0x1A040] =	vst v63  }
0x72: {  	_ =	swait.ge [sflag:s10], $0x1400  }
0x73: {  	[sflag:s10] =	ssyncset.done $0x0  }
0x74: {  	s4 =	simm.s32 $0x640;
	s6 =	simm.s32 $0x29E0;
	[sflag:s10] =	ssyncadd.s32 $0xFFFFEC00  }
.LBB2_4:
0x75: {  	[tilespmem:s22], [sflag:$0x5] =	stream.indirect.gather [hbm4b:s1+s12], $0x40, s6, s12, $0xb8;
	[tilespmem:$0x1A040] =	vst v63  }
0x76: {  	s6 =	smov.u32 s4  }
0x77: {  	p0 =	sne.s32 s4, $0x8FC0;
	s4 =	sadd.s32 $0x640, s4;
	_ =	swait.ge [sflag:s23], $0x1400  }
0x78: {  	s6 =	sshra.s32 s6, $0x2;
	[sflag:s23] =	ssyncset.done $0x0  }
0x79: {  	s7 =	sadd.s32 $0x7530, s6;
	[sflag:s23] =	ssyncadd.s32 $0xFFFFEC00  }
0x7a: {  	[spmem:s3] =	stream.indirect.scatter.add.f32 [tilespmem:s14], [sflag:$0x6], $0x40, s7, s12, $0xb8;
	[tilespmem:$0x1A040] =	vst v63  }
0x7b: {  	_ =	swait.ge [sflag:s10], $0x1400  }
0x7c: {  	[sflag:s10] =	ssyncset.done $0x0  }
0x7d: {  	s7 =	sadd.s32 $0x28A0, s6;
	[sflag:s10] =	ssyncadd.s32 $0xFFFFEC00  }
0x7e: {  	[tilespmem:s14], [sflag:$0x1] =	stream.indirect.gather [hbm4b:s1+s12], $0x40, s7, s12, $0xb8;
	[tilespmem:$0x1A040] =	vst v63  }
0x7f: {  	_ =	swait.ge [sflag:s25], $0x1400  }
0x80: {  	[sflag:s25] =	ssyncset.done $0x0  }
0x81: {  	s7 =	sadd.s32 $0x7580, s6;
	[sflag:s25] =	ssyncadd.s32 $0xFFFFEC00  }
0x82: {  	[spmem:s3] =	stream.indirect.scatter.add.f32 [tilespmem:s16], [sflag:$0x6], $0x40, s7, s12, $0xb8;
	[tilespmem:$0x1A040] =	vst v63  }
0x83: {  	_ =	swait.ge [sflag:s10], $0x1400  }
0x84: {  	[sflag:s10] =	ssyncset.done $0x0  }
0x85: {  	s7 =	sadd.s32 $0x28F0, s6;
	[sflag:s10] =	ssyncadd.s32 $0xFFFFEC00  }
0x86: {  	[tilespmem:s16], [sflag:$0x2] =	stream.indirect.gather [hbm4b:s1+s12], $0x40, s7, s12, $0xb8;
	[tilespmem:$0x1A040] =	vst v63  }
0x87: {  	_ =	swait.ge [sflag:s26], $0x1400  }
0x88: {  	[sflag:s26] =	ssyncset.done $0x0  }
0x89: {  	s7 =	sadd.s32 $0x75D0, s6;
	[sflag:s26] =	ssyncadd.s32 $0xFFFFEC00  }
0x8a: {  	[spmem:s3] =	stream.indirect.scatter.add.f32 [tilespmem:s18], [sflag:$0x6], $0x40, s7, s12, $0xb8;
	[tilespmem:$0x1A040] =	vst v63  }
0x8b: {  	_ =	swait.ge [sflag:s10], $0x1400  }
0x8c: {  	[sflag:s10] =	ssyncset.done $0x0  }
0x8d: {  	s7 =	sadd.s32 $0x2940, s6;
	[sflag:s10] =	ssyncadd.s32 $0xFFFFEC00  }
0x8e: {  	[tilespmem:s18], [sflag:$0x3] =	stream.indirect.gather [hbm4b:s1+s12], $0x40, s7, s12, $0xb8;
	[tilespmem:$0x1A040] =	vst v63  }
0x8f: {  	_ =	swait.ge [sflag:s28], $0x1400  }
0x90: {  	[sflag:s28] =	ssyncset.done $0x0  }
0x91: {  	s7 =	sadd.s32 $0x7620, s6;
	[sflag:s28] =	ssyncadd.s32 $0xFFFFEC00  }
0x92: {  	[spmem:s3] =	stream.indirect.scatter.add.f32 [tilespmem:s20], [sflag:$0x6], $0x40, s7, s12, $0xb8;
	[tilespmem:$0x1A040] =	vst v63  }
0x93: {  	_ =	swait.ge [sflag:s10], $0x1400  }
0x94: {  	[sflag:s10] =	ssyncset.done $0x0  }
0x95: {  	s7 =	sadd.s32 $0x2990, s6;
	[sflag:s10] =	ssyncadd.s32 $0xFFFFEC00  }
0x96: {  	[tilespmem:s20], [sflag:$0x4] =	stream.indirect.gather [hbm4b:s1+s12], $0x40, s7, s12, $0xb8;
	[tilespmem:$0x1A040] =	vst v63  }
0x97: {  	_ =	swait.ge [sflag:s29], $0x1400  }
0x98: {  	[sflag:s29] =	ssyncset.done $0x0  }
.Ltmp1:
0x99: {  	s7 =	sadd.s32 $0x7670, s6;
	[sflag:s29] =	ssyncadd.s32 $0xFFFFEC00;
	(pc) =	sbr.rel @p0 .LBB2_4-.Ltmp1, $4  }
0x9a: {  	[spmem:s3] =	stream.indirect.scatter.add.f32 [tilespmem:s22], [sflag:$0x6], $0x40, s7, s12, $0xb8;
	[tilespmem:$0x1A040] =	vst v63  }
0x9b: {  	_ =	swait.ge [sflag:s10], $0x1400  }
0x9c: {  	[sflag:s10] =	ssyncset.done $0x0  }
0x9d: {  	s6 =	sadd.s32 $0x29E0, s6;
	[sflag:s10] =	ssyncadd.s32 $0xFFFFEC00  }
0x9e: {  	[tilespmem:s22], [sflag:$0x5] =	stream.indirect.gather [hbm4b:s1+s12], $0x40, s6, s12, $0xb8;
	[tilespmem:$0x1A040] =	vst v63  }
0x9f: {  	_ =	swait.ge [sflag:s23], $0x1400  }
0xa0: {  	[sflag:s23] =	ssyncset.done $0x0  }
0xa1: {  	[sflag:s23] =	ssyncadd.s32 $0xFFFFEC00  }
0xa2: {  	[spmem:s3] =	stream.indirect.scatter.add.f32 [tilespmem:s14], [sflag:$0x6], $0x40, s30, s12, $0xb8;
	[tilespmem:$0x1A040] =	vst v63  }
0xa3: {  	_ =	swait.ge [sflag:s10], $0x1400  }
0xa4: {  	[sflag:s10] =	ssyncset.done $0x0  }
0xa5: {  	[sflag:s10] =	ssyncadd.s32 $0xFFFFEC00  }
0xa6: {  	_ =	swait.ge [sflag:s25], $0x1400  }
0xa7: {  	[sflag:s25] =	ssyncset.done $0x0  }
0xa8: {  	[sflag:s25] =	ssyncadd.s32 $0xFFFFEC00  }
0xa9: {  	[spmem:s3] =	stream.indirect.scatter.add.f32 [tilespmem:s16], [sflag:$0x6], $0x40, s31, s12, $0xb8;
	[tilespmem:$0x1A040] =	vst v63  }
0xaa: {  	_ =	swait.ge [sflag:s10], $0x1400  }
0xab: {  	[sflag:s10] =	ssyncset.done $0x0  }
0xac: {  	[sflag:s10] =	ssyncadd.s32 $0xFFFFEC00  }
0xad: {  	_ =	swait.ge [sflag:s26], $0x1400  }
0xae: {  	[sflag:s26] =	ssyncset.done $0x0  }
0xaf: {  	[sflag:s26] =	ssyncadd.s32 $0xFFFFEC00  }
0xb0: {  	[spmem:s3] =	stream.indirect.scatter.add.f32 [tilespmem:s18], [sflag:$0x6], $0x40, s2, s12, $0xb8;
	[tilespmem:$0x1A040] =	vst v63  }
0xb1: {  	_ =	swait.ge [sflag:s10], $0x1400  }
0xb2: {  	[sflag:s10] =	ssyncset.done $0x0  }
0xb3: {  	[sflag:s10] =	ssyncadd.s32 $0xFFFFEC00  }
0xb4: {  	_ =	swait.ge [sflag:s28], $0x1400  }
0xb5: {  	[sflag:s28] =	ssyncset.done $0x0  }
0xb6: {  	[sflag:s28] =	ssyncadd.s32 $0xFFFFEC00  }
0xb7: {  	[spmem:s3] =	stream.indirect.scatter.add.f32 [tilespmem:s20], [sflag:$0x6], $0x40, s11, s12, $0xb8;
	[tilespmem:$0x1A040] =	vst v63  }
0xb8: {  	_ =	swait.ge [sflag:s10], $0x1400  }
0xb9: {  	[sflag:s10] =	ssyncset.done $0x0  }
0xba: {  	[sflag:s10] =	ssyncadd.s32 $0xFFFFEC00  }
0xbb: {  	_ =	swait.ge [sflag:s29], $0x1400  }
0xbc: {  	[sflag:s29] =	ssyncset.done $0x0  }
0xbd: {  	[sflag:s29] =	ssyncadd.s32 $0xFFFFEC00  }
0xbe: {  	[spmem:s3] =	stream.indirect.scatter.add.f32 [tilespmem:s22], [sflag:$0x6], $0x40, s13, s12, $0xb8;
	[tilespmem:$0x1A040] =	vst v63  }
0xbf: {  	_ =	swait.ge [sflag:s10], $0x1400  }
0xc0: {  	[sflag:s10] =	ssyncset.done $0x0  }
0xc1: {  	[sflag:s10] =	ssyncadd.s32 $0xFFFFEC00  }
0xc2: {  	[bflag:$0x0] =	sbarrier.arrive $0xFFFF  }
0xc3: {  	[hbm:s24@s15], [sflag:s19] =	dma.strided [spmem:s0@s17], $0x1400, s23, $0x8   }
0xc4: {  	_ =	swait.ge [sflag:s10], $0x1400  }
0xc5: {  	[sflag:s10] =	ssyncset.done $0x0  }
0xc6: {  	[sflag:s10] =	ssyncadd.s32 $0xFFFFEC00  }
0xc7: {  	s4 =	simm.s32 $0x4E20;
	[bflag:$0x0] =	sbarrier.arrive $0xFFFF  }
0xc8: {  	[tilespmem:s14], [sflag:$0x1] =	stream.indirect.gather [hbm4b:s1+s12], $0x40, s4, s12, $0xb8;
	[tilespmem:$0x1A040] =	vst v63  }
0xc9: {  	s7 =	simm.s32 $0x4E70  }
0xca: {  	[tilespmem:s16], [sflag:$0x2] =	stream.indirect.gather [hbm4b:s1+s12], $0x40, s7, s12, $0xb8;
	[tilespmem:$0x1A040] =	vst v63  }
0xcb: {  	s6 =	simm.s32 $0x4EC0  }
0xcc: {  	[tilespmem:s18], [sflag:$0x3] =	stream.indirect.gather [hbm4b:s1+s12], $0x40, s6, s12, $0xb8;
	[tilespmem:$0x1A040] =	vst v63  }
0xcd: {  	s7 =	simm.s32 $0x4F10  }
0xce: {  	[tilespmem:s20], [sflag:$0x4] =	stream.indirect.gather [hbm4b:s1+s12], $0x40, s7, s12, $0xb8;
	[tilespmem:$0x1A040] =	vst v63  }
0xcf: {  	s6 =	simm.s32 $0x4F60  }
0xd0: {  	[tilespmem:s22], [sflag:$0x5] =	stream.indirect.gather [hbm4b:s1+s12], $0x40, s6, s12, $0xb8;
	[tilespmem:$0x1A040] =	vst v63  }
0xd1: {  	[spmem:s0], [sflag:s19] =	dma.local [hbm:s5], $0x1400  }
0xd2: {  	_ =	swait.ge [sflag:s10], $0x1400  }
0xd3: {  	[sflag:s10] =	ssyncset.done $0x0  }
0xd4: {  	[sflag:s10] =	ssyncadd.s32 $0xFFFFEC00  }
0xd5: {  	[bflag:$0x0] =	sbarrier.arrive $0xFFFF  }
0xd6: {  	_ =	swait.ge [sflag:s23], $0x1400  }
0xd7: {  	[sflag:s23] =	ssyncset.done $0x0  }
0xd8: {  	s7 =	simm.s32 $0x7530;
	[sflag:s23] =	ssyncadd.s32 $0xFFFFEC00  }
0xd9: {  	[spmem:s3] =	stream.indirect.scatter.add.f32 [tilespmem:s14], [sflag:$0x6], $0x40, s7, s12, $0xb8;
	[tilespmem:$0x1A040] =	vst v63  }
0xda: {  	_ =	swait.ge [sflag:s10], $0x1400  }
0xdb: {  	[sflag:s10] =	ssyncset.done $0x0  }
0xdc: {  	s6 =	simm.s32 $0x4FB0;
	[sflag:s10] =	ssyncadd.s32 $0xFFFFEC00  }
0xdd: {  	[tilespmem:s14], [sflag:$0x1] =	stream.indirect.gather [hbm4b:s1+s12], $0x40, s6, s12, $0xb8;
	[tilespmem:$0x1A040] =	vst v63  }
0xde: {  	_ =	swait.ge [sflag:s25], $0x1400  }
0xdf: {  	[sflag:s25] =	ssyncset.done $0x0  }
0xe0: {  	s7 =	simm.s32 $0x7580;
	[sflag:s25] =	ssyncadd.s32 $0xFFFFEC00  }
0xe1: {  	[spmem:s3] =	stream.indirect.scatter.add.f32 [tilespmem:s16], [sflag:$0x6], $0x40, s7, s12, $0xb8;
	[tilespmem:$0x1A040] =	vst v63  }
0xe2: {  	_ =	swait.ge [sflag:s10], $0x1400  }
0xe3: {  	[sflag:s10] =	ssyncset.done $0x0  }
0xe4: {  	s6 =	simm.s32 $0x5000;
	[sflag:s10] =	ssyncadd.s32 $0xFFFFEC00  }
0xe5: {  	[tilespmem:s16], [sflag:$0x2] =	stream.indirect.gather [hbm4b:s1+s12], $0x40, s6, s12, $0xb8;
	[tilespmem:$0x1A040] =	vst v63  }
0xe6: {  	_ =	swait.ge [sflag:s26], $0x1400  }
0xe7: {  	[sflag:s26] =	ssyncset.done $0x0  }
0xe8: {  	s7 =	simm.s32 $0x75D0;
	[sflag:s26] =	ssyncadd.s32 $0xFFFFEC00  }
0xe9: {  	[spmem:s3] =	stream.indirect.scatter.add.f32 [tilespmem:s18], [sflag:$0x6], $0x40, s7, s12, $0xb8;
	[tilespmem:$0x1A040] =	vst v63  }
0xea: {  	_ =	swait.ge [sflag:s10], $0x1400  }
0xeb: {  	[sflag:s10] =	ssyncset.done $0x0  }
0xec: {  	s6 =	simm.s32 $0x5050;
	[sflag:s10] =	ssyncadd.s32 $0xFFFFEC00  }
0xed: {  	[tilespmem:s18], [sflag:$0x3] =	stream.indirect.gather [hbm4b:s1+s12], $0x40, s6, s12, $0xb8;
	[tilespmem:$0x1A040] =	vst v63  }
0xee: {  	_ =	swait.ge [sflag:s28], $0x1400  }
0xef: {  	[sflag:s28] =	ssyncset.done $0x0  }
0xf0: {  	s7 =	simm.s32 $0x7620;
	[sflag:s28] =	ssyncadd.s32 $0xFFFFEC00  }
0xf1: {  	[spmem:s3] =	stream.indirect.scatter.add.f32 [tilespmem:s20], [sflag:$0x6], $0x40, s7, s12, $0xb8;
	[tilespmem:$0x1A040] =	vst v63  }
0xf2: {  	_ =	swait.ge [sflag:s10], $0x1400  }
0xf3: {  	[sflag:s10] =	ssyncset.done $0x0  }
0xf4: {  	s6 =	simm.s32 $0x50A0;
	[sflag:s10] =	ssyncadd.s32 $0xFFFFEC00  }
0xf5: {  	[tilespmem:s20], [sflag:$0x4] =	stream.indirect.gather [hbm4b:s1+s12], $0x40, s6, s12, $0xb8;
	[tilespmem:$0x1A040] =	vst v63  }
0xf6: {  	_ =	swait.ge [sflag:s29], $0x1400  }
0xf7: {  	[sflag:s29] =	ssyncset.done $0x0  }
0xf8: {  	s7 =	simm.s32 $0x7670;
	[sflag:s29] =	ssyncadd.s32 $0xFFFFEC00  }
0xf9: {  	[spmem:s3] =	stream.indirect.scatter.add.f32 [tilespmem:s22], [sflag:$0x6], $0x40, s7, s12, $0xb8;
	[tilespmem:$0x1A040] =	vst v63  }
0xfa: {  	_ =	swait.ge [sflag:s10], $0x1400  }
0xfb: {  	[sflag:s10] =	ssyncset.done $0x0  }
0xfc: {  	s4 =	simm.s32 $0x640;
	s6 =	simm.s32 $0x50F0;
	[sflag:s10] =	ssyncadd.s32 $0xFFFFEC00  }
.LBB2_6:
0xfd: {  	[tilespmem:s22], [sflag:$0x5] =	stream.indirect.gather [hbm4b:s1+s12], $0x40, s6, s12, $0xb8;
	[tilespmem:$0x1A040] =	vst v63  }
0xfe: {  	s6 =	smov.u32 s4  }
0xff: {  	p0 =	sne.s32 s4, $0x8FC0;
	s4 =	sadd.s32 $0x640, s4;
	_ =	swait.ge [sflag:s23], $0x1400  }
0x100: {  	s6 =	sshra.s32 s6, $0x2;
	[sflag:s23] =	ssyncset.done $0x0  }
0x101: {  	s7 =	sadd.s32 $0x7530, s6;
	[sflag:s23] =	ssyncadd.s32 $0xFFFFEC00  }
0x102: {  	[spmem:s3] =	stream.indirect.scatter.add.f32 [tilespmem:s14], [sflag:$0x6], $0x40, s7, s12, $0xb8;
	[tilespmem:$0x1A040] =	vst v63  }
0x103: {  	_ =	swait.ge [sflag:s10], $0x1400  }
0x104: {  	[sflag:s10] =	ssyncset.done $0x0  }
0x105: {  	s7 =	sadd.s32 $0x4FB0, s6;
	[sflag:s10] =	ssyncadd.s32 $0xFFFFEC00  }
0x106: {  	[tilespmem:s14], [sflag:$0x1] =	stream.indirect.gather [hbm4b:s1+s12], $0x40, s7, s12, $0xb8;
	[tilespmem:$0x1A040] =	vst v63  }
0x107: {  	_ =	swait.ge [sflag:s25], $0x1400  }
0x108: {  	[sflag:s25] =	ssyncset.done $0x0  }
0x109: {  	s7 =	sadd.s32 $0x7580, s6;
	[sflag:s25] =	ssyncadd.s32 $0xFFFFEC00  }
0x10a: {  	[spmem:s3] =	stream.indirect.scatter.add.f32 [tilespmem:s16], [sflag:$0x6], $0x40, s7, s12, $0xb8;
	[tilespmem:$0x1A040] =	vst v63  }
0x10b: {  	_ =	swait.ge [sflag:s10], $0x1400  }
0x10c: {  	[sflag:s10] =	ssyncset.done $0x0  }
0x10d: {  	s7 =	sadd.s32 $0x5000, s6;
	[sflag:s10] =	ssyncadd.s32 $0xFFFFEC00  }
0x10e: {  	[tilespmem:s16], [sflag:$0x2] =	stream.indirect.gather [hbm4b:s1+s12], $0x40, s7, s12, $0xb8;
	[tilespmem:$0x1A040] =	vst v63  }
0x10f: {  	_ =	swait.ge [sflag:s26], $0x1400  }
0x110: {  	[sflag:s26] =	ssyncset.done $0x0  }
0x111: {  	s7 =	sadd.s32 $0x75D0, s6;
	[sflag:s26] =	ssyncadd.s32 $0xFFFFEC00  }
0x112: {  	[spmem:s3] =	stream.indirect.scatter.add.f32 [tilespmem:s18], [sflag:$0x6], $0x40, s7, s12, $0xb8;
	[tilespmem:$0x1A040] =	vst v63  }
0x113: {  	_ =	swait.ge [sflag:s10], $0x1400  }
0x114: {  	[sflag:s10] =	ssyncset.done $0x0  }
0x115: {  	s7 =	sadd.s32 $0x5050, s6;
	[sflag:s10] =	ssyncadd.s32 $0xFFFFEC00  }
0x116: {  	[tilespmem:s18], [sflag:$0x3] =	stream.indirect.gather [hbm4b:s1+s12], $0x40, s7, s12, $0xb8;
	[tilespmem:$0x1A040] =	vst v63  }
0x117: {  	_ =	swait.ge [sflag:s28], $0x1400  }
0x118: {  	[sflag:s28] =	ssyncset.done $0x0  }
0x119: {  	s7 =	sadd.s32 $0x7620, s6;
	[sflag:s28] =	ssyncadd.s32 $0xFFFFEC00  }
0x11a: {  	[spmem:s3] =	stream.indirect.scatter.add.f32 [tilespmem:s20], [sflag:$0x6], $0x40, s7, s12, $0xb8;
	[tilespmem:$0x1A040] =	vst v63  }
0x11b: {  	_ =	swait.ge [sflag:s10], $0x1400  }
0x11c: {  	[sflag:s10] =	ssyncset.done $0x0  }
0x11d: {  	s7 =	sadd.s32 $0x50A0, s6;
	[sflag:s10] =	ssyncadd.s32 $0xFFFFEC00  }
0x11e: {  	[tilespmem:s20], [sflag:$0x4] =	stream.indirect.gather [hbm4b:s1+s12], $0x40, s7, s12, $0xb8;
	[tilespmem:$0x1A040] =	vst v63  }
0x11f: {  	_ =	swait.ge [sflag:s29], $0x1400  }
0x120: {  	[sflag:s29] =	ssyncset.done $0x0  }
.Ltmp2:
0x121: {  	s7 =	sadd.s32 $0x7670, s6;
	[sflag:s29] =	ssyncadd.s32 $0xFFFFEC00;
	(pc) =	sbr.rel @p0 .LBB2_6-.Ltmp2, $4  }
0x122: {  	[spmem:s3] =	stream.indirect.scatter.add.f32 [tilespmem:s22], [sflag:$0x6], $0x40, s7, s12, $0xb8;
	[tilespmem:$0x1A040] =	vst v63  }
0x123: {  	_ =	swait.ge [sflag:s10], $0x1400  }
0x124: {  	[sflag:s10] =	ssyncset.done $0x0  }
0x125: {  	s6 =	sadd.s32 $0x50F0, s6;
	[sflag:s10] =	ssyncadd.s32 $0xFFFFEC00  }
0x126: {  	[tilespmem:s22], [sflag:$0x5] =	stream.indirect.gather [hbm4b:s1+s12], $0x40, s6, s12, $0xb8;
	[tilespmem:$0x1A040] =	vst v63  }
0x127: {  	_ =	swait.ge [sflag:s23], $0x1400  }
0x128: {  	[sflag:s23] =	ssyncset.done $0x0  }
0x129: {  	[sflag:s23] =	ssyncadd.s32 $0xFFFFEC00  }
0x12a: {  	[spmem:s3] =	stream.indirect.scatter.add.f32 [tilespmem:s14], [sflag:$0x6], $0x40, s30, s12, $0xb8;
	[tilespmem:$0x1A040] =	vst v63  }
0x12b: {  	_ =	swait.ge [sflag:s10], $0x1400  }
0x12c: {  	[sflag:s10] =	ssyncset.done $0x0  }
0x12d: {  	[sflag:s10] =	ssyncadd.s32 $0xFFFFEC00  }
0x12e: {  	_ =	swait.ge [sflag:s25], $0x1400  }
0x12f: {  	[sflag:s25] =	ssyncset.done $0x0  }
0x130: {  	[sflag:s25] =	ssyncadd.s32 $0xFFFFEC00  }
0x131: {  	[spmem:s3] =	stream.indirect.scatter.add.f32 [tilespmem:s16], [sflag:$0x6], $0x40, s31, s12, $0xb8;
	[tilespmem:$0x1A040] =	vst v63  }
0x132: {  	_ =	swait.ge [sflag:s10], $0x1400  }
0x133: {  	[sflag:s10] =	ssyncset.done $0x0  }
0x134: {  	[sflag:s10] =	ssyncadd.s32 $0xFFFFEC00  }
0x135: {  	_ =	swait.ge [sflag:s26], $0x1400  }
0x136: {  	[sflag:s26] =	ssyncset.done $0x0  }
0x137: {  	[sflag:s26] =	ssyncadd.s32 $0xFFFFEC00  }
0x138: {  	[spmem:s3] =	stream.indirect.scatter.add.f32 [tilespmem:s18], [sflag:$0x6], $0x40, s2, s12, $0xb8;
	[tilespmem:$0x1A040] =	vst v63  }
0x139: {  	_ =	swait.ge [sflag:s10], $0x1400  }
0x13a: {  	[sflag:s10] =	ssyncset.done $0x0  }
0x13b: {  	[sflag:s10] =	ssyncadd.s32 $0xFFFFEC00  }
0x13c: {  	_ =	swait.ge [sflag:s28], $0x1400  }
0x13d: {  	[sflag:s28] =	ssyncset.done $0x0  }
0x13e: {  	[sflag:s28] =	ssyncadd.s32 $0xFFFFEC00  }
0x13f: {  	[spmem:s3] =	stream.indirect.scatter.add.f32 [tilespmem:s20], [sflag:$0x6], $0x40, s11, s12, $0xb8;
	[tilespmem:$0x1A040] =	vst v63  }
0x140: {  	_ =	swait.ge [sflag:s10], $0x1400  }
0x141: {  	[sflag:s10] =	ssyncset.done $0x0  }
0x142: {  	[sflag:s10] =	ssyncadd.s32 $0xFFFFEC00  }
0x143: {  	_ =	swait.ge [sflag:s29], $0x1400  }
0x144: {  	[sflag:s29] =	ssyncset.done $0x0  }
0x145: {  	[sflag:s29] =	ssyncadd.s32 $0xFFFFEC00  }
0x146: {  	[spmem:s3] =	stream.indirect.scatter.add.f32 [tilespmem:s22], [sflag:$0x6], $0x40, s13, s12, $0xb8;
	[tilespmem:$0x1A040] =	vst v63  }
0x147: {  	_ =	swait.ge [sflag:s10], $0x1400  }
0x148: {  	s21 =	sadd.s32 $0x1, s21;
	[sflag:s10] =	ssyncset.done $0x0  }
0x149: {  	p0 =	sne.s32 s21, s9;
	[sflag:s10] =	ssyncadd.s32 $0xFFFFEC00  }
.Ltmp3:
0x14a: {  	s4 =	sadd.s32 $0x8, s24;
	[bflag:$0x0] =	sbarrier.arrive $0xFFFF;
	(pc) =	sbr.rel @p0 .LBB2_1-.Ltmp3, $4  }
0x14b: {  	[hbm:s4@s15], [sflag:s19] =	dma.strided [spmem:s0@s17], $0x1400, s23, $0x8   }
0x14c: {  	_ =	swait.ge [sflag:s10], $0x1400  }
0x14d: {  	[sflag:s10] =	ssyncset.done $0x0  }
0x14e: {  	[sflag:s10] =	ssyncadd.s32 $0xFFFFEC00  }
0x14f: {  	_ =	sfence.sel $0x180000  }
0x150: {  	[bflag:$0x0] =	sbarrier.arrive $0xFFFF  }
0x151: {  	_ =	strace $0x9000004D  }
0x152: {  	s0 =	stileid.u32;
	[bflag:$0x2] =	sbarrier.arrive $0xFFFF  }
0x153: {  	p0 =	sne.s32 s0, $0x0;
	s0 =	rddreg [dreg:$0x3]  }
0x154: {  	s0 =	sadd.s32 @!p0 $0x100000, s0  }
0x155: {  	[sflag:s0] =	ssyncadd.tile.s32 @!p0 $0x1;
	_ =	shalt  }
.Lfunc_end2:
_tile_overlayer_lowered:
.L_overlay_start_2:
0x156: {  	(tag) =	ssettag $0x2  }
0x157: {  	s0 =	rddreg [dreg:$0x0];
	s2 =	stileid.u32  }
0x158: {  	s1 =	rddreg [dreg:$0x1];
	p0 =	sne.s32 s2, $0x0  }
0x159: {  	s3 =	rddreg [dreg:$0x2];
	[bflag:$0x3] =	sbarrier.arrive $0xFFFF;
	s2 =	simm.s32 @!p0 $0x1C06  }
0x15a: {  	[timem:s3], [sflag:s2] =	dma.local @!p0 [hbm:s0], s1  }
0x15b: {  	s0 =	simm.s32 @!p0 $0x6  }
0x15c: {  	_ =	swait.ge @!p0 [sflag:s0], s1  }
0x15d: {  	s1 =	ssub.s32 @!p0 $0x0, s1;
	[sflag:s0] =	ssyncset.done @!p0 $0x0  }
0x15e: {  	[sflag:s0] =	ssyncadd.s32 @!p0 s1  }
0x15f: {  	[bflag:$0x3] =	sbarrier.arrive $0xFFFF  }
0x160: {  	_ =	shalt  }

// kernel: kernel.9.cloned.1.call-start
scs
__scs_entry_jumppad:
0x0: {  	(pc) =	sbr.rel $0x88, $3  }
0x1: {  	(tag) =	ssettag $0x0;
	lr =	simm.s32 $0x1  }
0x2: {  	[smem:$0x3F9B] =	sst lr;
	_ =	strace $0xD0000000  }
0x3: {  	_ = 	snop  }
0x4: {  	_ = 	snop  }
0x5: {  	_ = 	snop  }
0x6: {  	_ = 	snop  }
0x7: {  	_ = 	snop  }
__scs_overlays_trampoline_lowered:
0x8: {  	[smem:$0x3FAA] =	sst s0  }
0x9: {  	[smem:$0x3FAB] =	sst s1  }
0xa: {  	[smem:$0x3FAC] =	sst s2  }
0xb: {  	[smem:$0x3FAD] =	sst s3  }
0xc: {  	[smem:$0x3FAE] =	sst s4  }
0xd: {  	[smem:$0x3FAF] =	sst s5  }
0xe: {  	[smem:$0x3FB0] =	sst s6  }
0xf: {  	[smem:$0x3FB1] =	sst s7  }
0x10: {  	[smem:$0x3FB2] =	sst s8  }
0x11: {  	[smem:$0x3FB3] =	sst s9;
	s0 =	simm.s32 @!p0 $0x0  }
0x12: {  	s1 =	sld [smem:$0x3F99];
	s0 =	simm.s32 @p0 $0x1  }
0x13: {  	[smem:$0x3FB4] =	sst s0;
	s0 =	simm.s32 @!p1 $0x0  }
0x14: {  	s2 =	sld [smem:$0x3F98];
	s0 =	simm.s32 @p1 $0x1  }
0x15: {  	[smem:$0x3FB5] =	sst s0;
	s0 =	simm.s32 @!p2 $0x0  }
0x16: {  	s3 =	sld [smem:$0x3FDB];
	s0 =	simm.s32 @p2 $0x1  }
0x17: {  	s4 =	simm.s32 $0x1BF5;
	[smem:$0x3FB7] =	sst s0  }
0x18: {  	s0 =	sld [smem:$0x3F9A];
	_ =	swait.ge [sflag:s4], $0x0  }
0x19: {  	s7 =	sld [smem:$0x3F9B]  }
0x1a: {  	s8 =	sadd.s32 $0xFFFFE003, lr  }
0x1b: {  	s9 =	sadd.s32 $0xFFFFFEF7, lr;
	s5 =	simm.s32 $0xFFFFFFFF;
	p2 =	slt.u32 s8, $0xFFFFF086  }
0x1c: {  	p1 =	slt.u32 s9, $0xF7A;
	s5 =	simm.s32 @!p2 $0x0  }
0x1d: {  	s5 =	simm.s32 @p1 $0x1;
	p0 =	seq.s32 s7, s2  }
0x1e: {  	s7 =	smul.u32 @!p0 $0xF7A, s2;
	p2 =	seq.s32 @!p0 s5, $0x0  }
0x1f: {  	s9 =	smul.u32 $0xF7A, s1;
	s8 =	simm.s32 @!p0 $0x1BF5;
	p2 =	por !p2, p0  }
0x20: {  	[sflag:s8] =	ssyncset.s32 @!p0 $0xFFFFF086;
	s6 =	sadd.s32 @!p0 s3, s7;
	s7 =	simm.s32 @!p0 $0x108  }
0x21: {  	s3 =	sadd.s32 s3, s9;
	s6 =	sadd.s32 @!p0 $0x88, s6;
	s7 =	simm.s32 @p2 $0x1082  }
0x22: {  	[simem:s7], [sflag:s8] =	dma.local @!p0 [hbm:s6], $0xF7A  }
0x23: {  	s9 =	sor.u32 $0xD0000000, s2;
	s6 =	simm.s32 $0x108;
	_ =	swait.ge @!p0 [sflag:s8], $0x0  }
0x24: {  	s3 =	sadd.s32 $0x88, s3;
	s6 =	simm.s32 @!p1 $0x1082;
	[sflag:s4] =	ssyncset.s32 $0xFFFFF086  }
0x25: {  	[simem:s6], [sflag:s4] =	dma.local [hbm:s3], $0xF7A  }
0x26: {  	[smem:$0x3F9B] =	sst s1;
	(tag) =	ssettag s2;
	_ =	strace s9  }
0x27: {  	s1 =	sld [smem:$0x3FAB]  }
0x28: {  	s2 =	sld [smem:$0x3FAC]  }
0x29: {  	s4 =	sld [smem:$0x3FAE]  }
0x2a: {  	p0 =	seq.s32 s5, $0x0;
	s5 =	sld [smem:$0x3FAF]  }
0x2b: {  	s6 =	sld [smem:$0x3FB0]  }
0x2c: {  	s7 =	sld [smem:$0x3FB1]  }
0x2d: {  	s3 =	simm.s32 $0x108;
	s8 =	sld [smem:$0x3FB2]  }
0x2e: {  	s3 =	simm.s32 @!p0 $0x1082;
	s9 =	sld [smem:$0x3FB3]  }
0x2f: {  	lr =	sadd.s32 s0, s3;
	s0 =	sld [smem:$0x3FAA]  }
0x30: {  	s3 =	sld [smem:$0x3FAD]  }
0x31: {  	[smem:$0x3FB6] =	sst s10  }
0x32: {  	s10 =	sld [smem:$0x3FB4];
	_ =	sdelay $0x3  }
0x33: {  	p0 =	seq.s32 s10, $0x1;
	s10 =	sld [smem:$0x3FB6];
	_ =	sdelay $0x3  }
0x34: {  	[smem:$0x3FB6] =	sst s10  }
0x35: {  	s10 =	sld [smem:$0x3FB5];
	_ =	sdelay $0x3  }
0x36: {  	p1 =	seq.s32 s10, $0x1;
	s10 =	sld [smem:$0x3FB6];
	_ =	sdelay $0x3  }
0x37: {  	[smem:$0x3FB6] =	sst s10  }
0x38: {  	s10 =	sld [smem:$0x3FB7]  }
0x39: {  	_ = 	snop;
	(pc) =	sbr.ind lr, $3  }
0x3a: {  	_ = 	snop  }
0x3b: {  	_ = 	snop  }
0x3c: {  	p2 =	seq.s32 s10, $0x1;
	s10 =	sld [smem:$0x3FB6]  }
0x3d: {  	_ =	shalt  }
0x3e: {  	_ =	shalt  }
0x3f: {  	_ =	shalt  }
0x40: {  	_ =	shalt  }
0x41: {  	_ =	shalt  }
0x42: {  	_ =	shalt  }
0x43: {  	_ =	shalt  }
0x44: {  	_ =	shalt  }
0x45: {  	_ =	shalt  }
0x46: {  	_ =	shalt  }
0x47: {  	_ =	shalt  }
0x48: {  	_ =	shalt  }
0x49: {  	_ =	shalt  }
0x4a: {  	_ =	shalt  }
0x4b: {  	_ =	shalt  }
0x4c: {  	_ =	shalt  }
0x4d: {  	_ =	shalt  }
0x4e: {  	_ =	shalt  }
0x4f: {  	_ =	shalt  }
0x50: {  	_ =	shalt  }
0x51: {  	_ =	shalt  }
0x52: {  	_ =	shalt  }
0x53: {  	_ =	shalt  }
0x54: {  	_ =	shalt  }
0x55: {  	_ =	shalt  }
0x56: {  	_ =	shalt  }
0x57: {  	_ =	shalt  }
0x58: {  	_ =	shalt  }
0x59: {  	_ =	shalt  }
0x5a: {  	_ =	shalt  }
0x5b: {  	_ =	shalt  }
0x5c: {  	_ =	shalt  }
0x5d: {  	_ =	shalt  }
0x5e: {  	_ =	shalt  }
0x5f: {  	_ =	shalt  }
0x60: {  	_ =	shalt  }
0x61: {  	_ =	shalt  }
0x62: {  	_ =	shalt  }
0x63: {  	_ =	shalt  }
0x64: {  	_ =	shalt  }
0x65: {  	_ =	shalt  }
0x66: {  	_ =	shalt  }
0x67: {  	_ =	shalt  }
0x68: {  	_ =	shalt  }
0x69: {  	_ =	shalt  }
0x6a: {  	_ =	shalt  }
0x6b: {  	_ =	shalt  }
0x6c: {  	_ =	shalt  }
0x6d: {  	_ =	shalt  }
0x6e: {  	_ =	shalt  }
0x6f: {  	_ =	shalt  }
0x70: {  	_ =	shalt  }
0x71: {  	_ =	shalt  }
0x72: {  	_ =	shalt  }
0x73: {  	_ =	shalt  }
0x74: {  	_ =	shalt  }
0x75: {  	_ =	shalt  }
0x76: {  	_ =	shalt  }
0x77: {  	_ =	shalt  }
0x78: {  	_ =	shalt  }
0x79: {  	_ =	shalt  }
0x7a: {  	_ =	shalt  }
0x7b: {  	_ =	shalt  }
0x7c: {  	_ =	shalt  }
0x7d: {  	_ =	shalt  }
0x7e: {  	_ =	shalt  }
0x7f: {  	_ =	shalt  }
0x80: {  	_ =	shalt  }
0x81: {  	_ =	shalt  }
0x82: {  	_ =	shalt  }
0x83: {  	_ =	shalt  }
0x84: {  	_ =	shalt  }
0x85: {  	_ =	shalt  }
0x86: {  	_ =	shalt  }
0x87: {  	_ =	shalt  }
.Lfunc_end0:
.L_simem_size_0:
called_computation_lowered:
.L_overlay_start_0:
0x88: {  	s2 =	sld [smem:$0x3FD9]  }
0x89: {  	s3 =	sld [smem:$0x3FFE];
	_ =	sdelay $0x1  }
0x8a: {  	s1 =	srdreg.scid  }
0x8b: {  	s0 =	sand.u32 $0x1, s1  }
0x8c: {  	s17 =	sshll.u32 s0, $0xA;
	s2 =	sadd.s32 s3, s2  }
0x8d: {  	s2 =	sadd.s32 s2, s17  }
0x8e: {  	[smem:$0x3FC2] =	sst s2  }
0x8f: {  	_ = 	snop  }
0x90: {  	s2 =	sld [smem:$0x3FD0];
	(tm) =	ssettm $0x1  }
0x91: {  	s18 =	sld [smem:$0x3FFB];
	_ =	sdelay $0x3  }
0x92: {  	_ =	strace s18  }
0x93: {  	s3 =	sld [smem:$0x3FFC];
	_ =	sdelay $0x3  }
0x94: {  	_ =	strace s3  }
0x95: {  	s3 =	sld [smem:$0x3FFD];
	_ =	sdelay $0x3  }
0x96: {  	_ =	strace s3  }
0x97: {  	_ =	strace $0x8FFFFFFF  }
0x98: {  	s19 =	sld [smem:$0x3FDB];
	_ =	sdelay $0x1  }
0x99: {  	s4 =	simm.s32 $_scs_section_size  }
0x9a: {  	s5 =	simm.s32 $_size__tile_overlayer_lowered;
	s6 =	simm.s32 $_tile_overlayer_lowered  }
0x9b: {  	s22 =	simm.s32 $0x1BFF;
	s21 =	sshll.u32 s6, $0x1;
	s3 =	sadd.s32 s4, s19  }
0x9c: {  	s7 =	simm.s32 $0x0;
	s20 =	sshll.u32 s5, $0x1;
	s5 =	sadd.s32 s21, s3  }
0x9d: {  	[timem:s7], [sflag:s22] =	dma.local [hbm:s5], s20  }
0x9e: {  	_ =	swait.ge [sflag:s22], s20  }
0x9f: {  	s4 =	ssub.s32 $0x0, s20;
	[sflag:s22] =	ssyncset.done $0x0  }
0xa0: {  	[sflag:s22] =	ssyncadd.s32 s4;
	_ =	sdelay $0x1  }
0xa1: {  	s23 =	simm.s32 $0x1B8B  }
0xa2: {  	_ =	swait.ge [sflag:s23], $0x1  }
0xa3: {  	[sflag:s23] =	ssyncset.done $0x0  }
0xa4: {  	s25 =	simm.s32 $0x1B8E;
	s24 =	sld [smem:$0x3FFE];
	[sflag:s23] =	ssyncadd.s32 $0xFFFFFFFF  }
0xa5: {  	s26 =	simm.s32 $execute0_lowered;
	[smem:$0x3FD2] =	sst s25  }
0xa6: {  	s5 =	sshll.u32 s26, $0x1;
	_ =	strace $0x80000046;
	[dreg:$0x1] =	wrdreg $0xFFFFFFFF  }
0xa7: {  	s28 =	simm.s32 $_size_execute0_lowered;
	s3 =	sadd.s32 s3, s5;
	[dreg:$0x0] =	wrdreg $0x0  }
0xa8: {  	s5 =	sshll.u32 s28, $0x1;
	[dreg:$0x2] =	wrdreg s3  }
0xa9: {  	[dreg:$0x3] =	wrdreg s5  }
0xaa: {  	[dreg:$0x4] =	wrdreg $0xC0  }
0xab: {  	_ =	task [dreg:s7], $0x5FFFF  }
0xac: {  	[dreg:$0x1] =	wrdreg $0xFFFFFFFF  }
0xad: {  	[dreg:$0x0] =	wrdreg $0x60  }
0xae: {  	[dreg:$0x2] =	wrdreg s24  }
0xaf: {  	[dreg:$0x3] =	wrdreg s2  }
0xb0: {  	[dreg:$0x4] =	wrdreg $0x27600  }
0xb1: {  	[dreg:$0x5] =	wrdreg $0x9  }
0xb2: {  	_ =	task.clear_ibuf [dreg:s7], $0x6FFFF;
	_ =	strace $0x90000046  }
0xb3: {  	s29 =	simm.s32 $0x9;
	_ =	strace $0x80000048  }
0xb4: {  	_ =	swait.ge [sflag:s29], $0x1  }
0xb5: {  	[sflag:s29] =	ssyncadd.s32 $0xFFFFFFFF  }
0xb6: {  	_ =	strace $0x90000048  }
0xb7: {  	_ =	sfence  }
0xb8: {  	s30 =	sld [smem:$0x0];
	_ =	sdelay $0x2  }
0xb9: {  	s31 =	sshll.u32 s1, $0xD;
	s1 =	sshrl.u32 s1, $0x2  }
0xba: {  	s3 =	sand.u32 $0x4000, s31;
	s1 =	sadd.s32 s1, s30  }
0xbb: {  	s0 =	sor.u32 s3, s0;
	s1 =	sshll.u32 s1, $0x11  }
0xbc: {  	s0 =	sor.u32 s1, s0  }
0xbd: {  	s0 =	sadd.s32 $0x8F2B, s0  }
0xbe: {  	[sflag:s0] =	ssyncadd.remote.s32 $0x1  }
0xbf: {  	_ =	sfence.sel $0xFFFF  }
0xc0: {  	[dreg:$0x0] =	wrdreg $0xFFFFFFFF;
	(pc) =	sbr.abs _section_cstart, $3  }
0xc1: {  	[dreg:$0x1] =	wrdreg $0xFFFFFFFF  }
0xc2: {  	_ =	task.clear_ibuf [dreg:s7], $0x2FFFF;
	_ =	strace $0x9FFFFFFF  }
0xc3: {  	(tm) =	ssettm $0x7FFFFFFF  }
tec
execute0_lowered:
.L_overlay_start_1:
0x0: {  	(tag) =	ssettag $0x1  }
0x1: {  	s5 =	rddreg [dreg:$0x0]  }
0x2: {  	s8 =	rddreg [dreg:$0x1];
	s1 =	srdreg.scid  }
0x3: {  	s0 =	stileid.u32;
	s2 =	rddreg [dreg:$0x2]  }
0x4: {  	s3 =	simm.s32 $0x0;
	s6 =	sand.u32 $0x1, s1;
	s1 =	rddreg [dreg:$0x3]  }
0x5: {  	s4 =	sshll.u32 s0, $0x1;
	[smem:$0x7FF] =	sst s3  }
0x6: {  	s11 =	smul.u32 $0x280, s0;
	s31 =	sshll.u32 s0, $0x6;
	s4 =	sor.u32 s6, s4  }
0x7: {  	_ =	strace $0x80000047;
	s9 =	ssub.s32 $0x2, s6;
	s12 =	smul.u32 $0x500, s6  }
0x8: {  	s6 =	sor.u32 $0x1C01, s31;
	s4 =	smul.u32 $0x4E2, s4;
	s10 =	sshrl.u32 s9, $0x1  }
0x9: {  	s13 =	sadd.s32 s11, s2;
	s15 =	sshrl.u32 s11, $0x3;
	s11 =	simm.s32 $0x2710  }
0xa: {  	s9 =	ssub.s32 s9, s10;
	s14 =	sadd.s32 s8, s12;
	s10 =	simm.s32 $0x1  }
0xb: {  	s12 =	simm.s32 $0x50;
	s7 =	sadd.s32 s4, s5;
	s4 =	sadd.s32 $0xD200, s5  }
0xc: {  	s5 =	sadd.s32 $0xD400, s5;
	s8 =	smax.u32 s9, $0x1;
	s9 =	sshrl.u32 s13, $0x3  }
0xd: {  	s13 =	sadd.s32 s15, s14;
	s14 =	simm.s32 $0x0;
	s7 =	sadd.s32 $0x3400, s7  }
.LBB2_1:
0xe: {  	[spmem:s9], [sflag:s6] =	dma.local [hbm:s5], $0x50  }
0xf: {  	_ =	swait.ge [sflag:s10], $0x50  }
0x10: {  	[sflag:s10] =	ssyncset.done $0x0  }
0x11: {  	[sflag:s10] =	ssyncadd.s32 $0xFFFFFFB0  }
0x12: {  	[tilespmem:s11], [sflag:$0x1] =	stream.linear.gather [hbm4b:s4+s3], $0x50, $0x38;
	[tilespmem:$0x29E0] =	vst v63  }
0x13: {  	_ =	swait.ge [sflag:s10], $0x50  }
0x14: {  	[sflag:s10] =	ssyncset.done $0x0  }
0x15: {  	[sflag:s10] =	ssyncadd.s32 $0xFFFFFFB0  }
0x16: {  	[tilespmem:s3], [sflag:$0x1] =	stream.linear.gather [hbm4b:s7+s3], $0x2710, $0x38;
	[tilespmem:$0x29E0] =	vst v63  }
0x17: {  	_ =	swait.ge [sflag:s10], $0x2710  }
0x18: {  	[sflag:s10] =	ssyncset.done $0x0  }
0x19: {  	[sflag:s10] =	ssyncadd.s32 $0xFFFFD8F0  }
0x1a: {  	s15 =	simm.s32 $0x0;
	[bflag:$0x0] =	sbarrier.arrive $0xFFFF  }
0x1b: {  	[spmem:s2] =	stream.indirect.scatter.add.f32 [tilespmem:s11], [sflag:$0x1], $0x1, s15, s12, $0xb8;
	[tilespmem:$0x29E0] =	vst v63  }
0x1c: {  	_ =	swait.ge [sflag:s10], $0x50  }
0x1d: {  	s15 =	simm.s32 $0x140;
	[sflag:s10] =	ssyncset.done $0x0  }
.LBB2_2:
0x1e: {  	s16 =	sshra.s32 s15, $0x2;
	[sflag:s10] =	ssyncadd.s32 $0xFFFFFFB0;
	p0 =	sne.s32 s15, $0x9B00  }
0x1f: {  	[spmem:s2] =	stream.indirect.scatter.add.f32 [tilespmem:s11], [sflag:$0x1], $0x1, s16, s12, $0xb8;
	[tilespmem:$0x29E0] =	vst v63  }
.Ltmp0:
0x20: {  	_ = 	snop;
	(pc) =	sbr.rel @p0 .LBB2_2-.Ltmp0, $4  }
0x21: {  	_ = 	snop  }
0x22: {  	s15 =	sadd.s32 $0x140, s15  }
0x23: {  	_ =	swait.ge [sflag:s10], $0x50  }
0x24: {  	[sflag:s10] =	ssyncset.done $0x0  }
0x25: {  	s14 =	sadd.s32 $0x1, s14  }
0x26: {  	[sflag:s10] =	ssyncadd.s32 $0xFFFFFFB0;
	p0 =	sne.s32 s14, s8  }
.Ltmp1:
0x27: {  	[bflag:$0x0] =	sbarrier.arrive $0xFFFF;
	(pc) =	sbr.rel @p0 .LBB2_1-.Ltmp1, $4  }
0x28: {  	[hbm:s13], [sflag:s6] =	dma.local [spmem:s9], $0x50  }
0x29: {  	_ =	swait.ge [sflag:s10], $0x50  }
0x2a: {  	[sflag:s10] =	ssyncset.done $0x0  }
0x2b: {  	[sflag:s10] =	ssyncadd.s32 $0xFFFFFFB0  }
0x2c: {  	_ =	sfence.sel $0x180000  }
0x2d: {  	[bflag:$0x0] =	sbarrier.arrive $0xFFFF  }
0x2e: {  	p0 =	sne.s32 s0, $0x0;
	_ =	strace $0x90000047  }
0x2f: {  	s0 =	sadd.s32 @!p0 $0x100000, s1;
	[bflag:$0x2] =	sbarrier.arrive $0xFFFF  }
0x30: {  	[sflag:s0] =	ssyncadd.tile.s32 @!p0 $0x1;
	_ =	shalt  }
.Lfunc_end2:
_tile_overlayer_lowered:
.L_overlay_start_2:
0x31: {  	(tag) =	ssettag $0x2  }
0x32: {  	s0 =	rddreg [dreg:$0x0];
	s2 =	stileid.u32  }
0x33: {  	s1 =	rddreg [dreg:$0x1];
	p0 =	sne.s32 s2, $0x0  }
0x34: {  	s3 =	rddreg [dreg:$0x2];
	[bflag:$0x3] =	sbarrier.arrive $0xFFFF;
	s2 =	simm.s32 @!p0 $0x1C01  }
0x35: {  	[timem:s3], [sflag:s2] =	dma.local @!p0 [hbm:s0], s1  }
0x36: {  	s0 =	simm.s32 @!p0 $0x1  }
0x37: {  	_ =	swait.ge @!p0 [sflag:s0], s1  }
0x38: {  	s1 =	ssub.s32 @!p0 $0x0, s1;
	[sflag:s0] =	ssyncset.done @!p0 $0x0  }
0x39: {  	[sflag:s0] =	ssyncadd.s32 @!p0 s1  }
0x3a: {  	[bflag:$0x3] =	sbarrier.arrive $0xFFFF  }
0x3b: {  	_ =	shalt  }

</sc_bundles>
